<compile_context>
chip_gen: v7x
topology: tpu7x:2x2x1
jax: 0.10.2.dev20260603
libtpu: 0.0.44.dev20260713+nightly
codegen_flags: <defaults>
</compile_context>

<pallas_src>
import functools

import jax
import jax.numpy as jnp
from jax import lax
from jax.experimental import pallas as pl
from jax.experimental.pallas import tpu as pltpu
from jax.experimental.pallas import tpu_sc as plsc

B, C, H, W = 8, 8, 512, 512
S, K = 2, 256
HW = H * W
NPAIR = B * S
KC = K * C
KH = K // 2
KCH = KH * C
NCHUNK = KCH // 128
LANES = 16


def _sc_body(table_hbm, ind_hbm, mask_hbm, tgt_hbm, out_hbm,
             ind_v, mask_v, idx_v, pred_v, tgt_v, w_v, res_v, part_v,
             shared_v, sem, ssem, tsem):
    sc = lax.axis_index("c")
    sub = lax.axis_index("s")
    pair = sc * (NPAIR // 2) + sub // 2
    halfk = sub % 2
    b = pair // S

    ind_cp = pltpu.async_copy(
        ind_hbm.at[pl.ds(pair * K + halfk * KH, KH)], ind_v, ssem)
    mask_cp = pltpu.async_copy(
        mask_hbm.at[pl.ds(pair * K + halfk * KH, KH)], mask_v, ssem)
    tgt_cp = pltpu.async_copy(
        tgt_hbm.at[pl.ds(pair * KC + halfk * KCH, KCH)], tgt_v, tsem)
    ind_cp.wait()
    mask_cp.wait()

    iota = lax.broadcasted_iota(jnp.int32, (LANES,), 0)
    half = iota >> 3
    chan = iota & 7
    base_vec = (chan + b * C) * HW

    copies = []
    for i in range(NCHUNK):
        for jj in range(8):
            j = i * 8 + jj
            sel = half + 2 * j
            ip = plsc.load_gather(ind_v, [sel])
            mp = plsc.load_gather(mask_v, [sel])
            idx_v[i, pl.ds(jj * LANES, LANES)] = ip + base_vec
            w_v[pl.ds(j * LANES, LANES)] = mp.astype(jnp.float32)
        copies.append(
            pltpu.async_copy(table_hbm.at[idx_v.at[i]], pred_v.at[i], sem))
    tgt_cp.wait()
    for cp in copies:
        cp.wait()

    acc = jnp.zeros((LANES,), jnp.float32)
    for j in range(KCH // LANES):
        t = tgt_v[pl.ds(j * LANES, LANES)]
        p = pred_v[j // 8, pl.ds((j % 8) * LANES, LANES)]
        w = w_v[pl.ds(j * LANES, LANES)]
        acc = acc + jnp.abs(t - p) * w

    macc = jnp.zeros((LANES,), jnp.float32)
    for j in range(KH // LANES):
        macc = macc + mask_v[pl.ds(j * LANES, LANES)].astype(jnp.float32)

    num = jnp.sum(acc)
    den = jnp.sum(macc)
    zero = jnp.zeros((LANES,), jnp.float32)
    packed = jnp.where(iota == 0, jnp.full((LANES,), num, jnp.float32),
                       jnp.where(iota == 1, jnp.full((LANES,), den, jnp.float32),
                                 zero))
    res_v[...] = packed
    pltpu.sync_copy(res_v, shared_v.at[sub])
    plsc.subcore_barrier()

    @pl.when(halfk == 0)
    def _():
        pltpu.sync_copy(shared_v.at[sub + 1], part_v)
        pnum = plsc.load_gather(part_v, [iota * 0])
        pden = plsc.load_gather(part_v, [iota * 0 + 1])
        num_v = jnp.full((LANES,), num, jnp.float32) + pnum
        den_v = (jnp.full((LANES,), den, jnp.float32) + pden
                 + jnp.float32(1e-4))
        res_v[...] = num_v / den_v
        pltpu.sync_copy(res_v, out_hbm.at[pl.ds(pair * LANES, LANES)])


_sc_loss = functools.partial(
    pl.kernel,
    out_type=jax.ShapeDtypeStruct((NPAIR * LANES,), jnp.float32),
    mesh=plsc.VectorSubcoreMesh(core_axis_name="c", subcore_axis_name="s"),
    compiler_params=pltpu.CompilerParams(needs_layout_passes=False),
    scratch_types=[
        pltpu.VMEM((KH,), jnp.int32),
        pltpu.VMEM((KH,), jnp.int32),
        pltpu.VMEM((NCHUNK, 128), jnp.int32),
        pltpu.VMEM((NCHUNK, 128), jnp.float32),
        pltpu.VMEM((KCH,), jnp.float32),
        pltpu.VMEM((KCH,), jnp.float32),
        pltpu.VMEM((LANES,), jnp.float32),
        pltpu.VMEM((LANES,), jnp.float32),
        pltpu.VMEM_SHARED((16, LANES), jnp.float32),
        pltpu.SemaphoreType.DMA,
        pltpu.SemaphoreType.DMA,
        pltpu.SemaphoreType.DMA,
    ],
)(_sc_body)


@jax.jit
def kernel(output, mask, ind, target):
    table = output.reshape(-1)
    ind_flat = ind.reshape(-1)
    mask_flat = mask.reshape(-1)
    tgt_flat = target.reshape(-1)
    out = _sc_loss(table, ind_flat, mask_flat, tgt_flat)
    return out[::LANES].reshape(B, S)

# --- scband reference (transcript-rebuilt; emitter-appended) ---
"""Pipeline reference for scband-reg-weighted-l1-loss-7129645711487 (READ-ONLY COPY).

The authoritative reference and input builder live on the scoring server;
editing this copy changes nothing except your own understanding.
"""

import jax, jax.numpy as jnp
import numpy as np


def setup_inputs(seed: int = 0) -> dict:
    key = jax.random.key(seed)
    k1, k2, k3, k4 = jax.random.split(key, 4)
    B, C, H, W, S, K = 8, 8, 512, 512, 2, 256
    output = jax.random.normal(k1, (B, C, H, W), dtype=jnp.float32)
    mask = jax.random.randint(k2, (B, S, K, 1), 0, 2).astype(jnp.int32)
    ind = jax.random.randint(k3, (B, S, K), 0, H * W).astype(jnp.int32)
    target = jax.random.normal(k4, (B, S, K, C), dtype=jnp.float32)
    return {"output": output, "mask": mask, "ind": ind, "target": target}


def reference(output, mask, ind, target):
    B, C, H, W = output.shape
    S, K = ind.shape[1], ind.shape[2]
    # permute(0,2,3,1).view(B, H*W, C)
    feat = jnp.transpose(output, (0, 2, 3, 1)).reshape(B, H * W, C)
    # 3D ind path of _gather_feat: expand ind to [B, S*K, 1] and gather along axis 1
    idx = ind.reshape(B, S * K)[:, :, None]
    pred = jnp.take_along_axis(feat, idx, axis=1).reshape(B, S, K, C)
    m = mask.astype(jnp.float32)
    loss = jnp.abs(target * m - pred * m).sum(axis=(2, 3))
    loss = loss / (m.sum(axis=(2, 3)) + 0.0001)
    return loss

if __name__ == "__main__":
    import jax
    _d = setup_inputs()
    print(jax.jit(kernel)(*tuple(_d.values())))

</pallas_src>

<mosaic_0001>
#map = affine_map<(d0, d1) -> (0)>
module attributes {stable_mosaic.version = 14 : i64} {
  func.func @_sc_body(%arg0: i32, %arg1: i32, %arg2: memref<16777216xf32, #tpu.memory_space<hbm>>, %arg3: memref<4096xi32, #tpu.memory_space<hbm>>, %arg4: memref<4096xi32, #tpu.memory_space<hbm>>, %arg5: memref<32768xf32, #tpu.memory_space<hbm>>, %arg6: memref<256xf32, #tpu.memory_space<hbm>>, %arg7: memref<128xi32, #tpu.memory_space<vmem>>, %arg8: memref<128xi32, #tpu.memory_space<vmem>>, %arg9: memref<8x128xi32, #tpu.memory_space<vmem>>, %arg10: memref<8x128xf32, #tpu.memory_space<vmem>>, %arg11: memref<1024xf32, #tpu.memory_space<vmem>>, %arg12: memref<1024xf32, #tpu.memory_space<vmem>>, %arg13: memref<16xf32, #tpu.memory_space<vmem>>, %arg14: memref<16xf32, #tpu.memory_space<vmem>>, %arg15: memref<16x16xf32, #tpu.memory_space<vmem_shared>>, %arg16: memref<!tpu.dma_semaphore, #tpu.memory_space<semaphore_mem>>, %arg17: memref<!tpu.dma_semaphore, #tpu.memory_space<semaphore_mem>>, %arg18: memref<!tpu.dma_semaphore, #tpu.memory_space<semaphore_mem>>) attributes {dimension_semantics = [#tpu.dimension_semantics<core_parallel>, #tpu.dimension_semantics<subcore_parallel>], iteration_bounds = array<i64: 2, 16>, scalar_prefetch = 0 : i64, scratch_operands = 12 : i64, tpu.core_type = #tpu.core_type<sc_vector_subcore>, window_params = [{transform_indices = #map}, {transform_indices = #map}, {transform_indices = #map}, {transform_indices = #map}, {transform_indices = #map}]} {
    %mul3A = arith.constant 8 : i32
    %mul3A_0 = arith.muli %arg0, %mul3A : i32
    %jit3A = arith.constant 2 : i32
    %div3A = arith.divsi %arg1, %jit3A : i32
    %sign3A = arith.constant 0 : i32
    %sign3A_1 = arith.cmpi sgt, %arg1, %sign3A : i32
    %sign3A_2 = arith.extui %sign3A_1 : i1 to i32
    %sign3A_3 = arith.constant 0 : i32
    %sign3A_4 = arith.cmpi slt, %arg1, %sign3A_3 : i32
    %sign3A_5 = arith.extui %sign3A_4 : i1 to i32
    %sign3A_6 = arith.subi %sign3A_2, %sign3A_5 : i32
    %sign3A_7 = arith.constant 0 : i32
    %sign3A_8 = arith.cmpi sgt, %jit3A, %sign3A_7 : i32
    %sign3A_9 = arith.extui %sign3A_8 : i1 to i32
    %sign3A_10 = arith.constant 0 : i32
    %sign3A_11 = arith.cmpi slt, %jit3A, %sign3A_10 : i32
    %sign3A_12 = arith.extui %sign3A_11 : i1 to i32
    %sign3A_13 = arith.subi %sign3A_9, %sign3A_12 : i32
    %ne3A = arith.cmpi ne, %sign3A_6, %sign3A_13 : i32
    %rem3A = arith.remsi %arg1, %jit3A : i32
    %ne3A_14 = arith.constant 0 : i32
    %ne3A_15 = arith.cmpi ne, %rem3A, %ne3A_14 : i32
    %and3A = arith.andi %ne3A, %ne3A_15 : i1
    %sub3A = arith.constant 1 : i32
    %sub3A_16 = arith.subi %div3A, %sub3A : i32
    %select_n3A = arith.select %and3A, %sub3A_16, %div3A : i32
    %add3A = arith.addi %mul3A_0, %select_n3A : i32
    %jit3A_17 = arith.constant 2 : i32
    %eq3A = arith.constant 0 : i32
    %eq3A_18 = arith.cmpi eq, %jit3A_17, %eq3A : i32
    %jit3A_19 = arith.constant 1 : i32
    %select_n3A_20 = arith.select %eq3A_18, %jit3A_19, %jit3A_17 : i32
    %rem3A_21 = arith.remsi %arg1, %select_n3A_20 : i32
    %ne3A_22 = arith.constant 0 : i32
    %ne3A_23 = arith.cmpi ne, %rem3A_21, %ne3A_22 : i32
    %lt3A = arith.constant 0 : i32
    %lt3A_24 = arith.cmpi slt, %rem3A_21, %lt3A : i32
    %lt3A_25 = arith.constant 0 : i32
    %lt3A_26 = arith.cmpi slt, %select_n3A_20, %lt3A_25 : i32
    %ne3A_27 = arith.xori %lt3A_24, %lt3A_26 : i1
    %and3A_28 = arith.andi %ne3A_27, %ne3A_23 : i1
    %add3A_29 = arith.addi %rem3A_21, %select_n3A_20 : i32
    %select_n3A_30 = arith.select %and3A_28, %add3A_29, %rem3A_21 : i32
    %jit3A_31 = arith.constant 2 : i32
    %div3A_32 = arith.divsi %add3A, %jit3A_31 : i32
    %sign3A_33 = arith.constant 0 : i32
    %sign3A_34 = arith.cmpi sgt, %add3A, %sign3A_33 : i32
    %sign3A_35 = arith.extui %sign3A_34 : i1 to i32
    %sign3A_36 = arith.constant 0 : i32
    %sign3A_37 = arith.cmpi slt, %add3A, %sign3A_36 : i32
    %sign3A_38 = arith.extui %sign3A_37 : i1 to i32
    %sign3A_39 = arith.subi %sign3A_35, %sign3A_38 : i32
    %sign3A_40 = arith.constant 0 : i32
    %sign3A_41 = arith.cmpi sgt, %jit3A_31, %sign3A_40 : i32
    %sign3A_42 = arith.extui %sign3A_41 : i1 to i32
    %sign3A_43 = arith.constant 0 : i32
    %sign3A_44 = arith.cmpi slt, %jit3A_31, %sign3A_43 : i32
    %sign3A_45 = arith.extui %sign3A_44 : i1 to i32
    %sign3A_46 = arith.subi %sign3A_42, %sign3A_45 : i32
    %ne3A_47 = arith.cmpi ne, %sign3A_39, %sign3A_46 : i32
    %rem3A_48 = arith.remsi %add3A, %jit3A_31 : i32
    %ne3A_49 = arith.constant 0 : i32
    %ne3A_50 = arith.cmpi ne, %rem3A_48, %ne3A_49 : i32
    %and3A_51 = arith.andi %ne3A_47, %ne3A_50 : i1
    %sub3A_52 = arith.constant 1 : i32
    %sub3A_53 = arith.subi %div3A_32, %sub3A_52 : i32
    %select_n3A_54 = arith.select %and3A_51, %sub3A_53, %div3A_32 : i32
    %mul3A_55 = arith.constant 256 : i32
    %mul3A_56 = arith.muli %add3A, %mul3A_55 : i32
    %mul3A_57 = arith.constant 128 : i32
    %mul3A_58 = arith.muli %select_n3A_30, %mul3A_57 : i32
    %add3A_59 = arith.addi %mul3A_56, %mul3A_58 : i32
    %dma_start3A = tpu.memref_slice %arg3[%add3A_59] : memref<4096xi32, #tpu.memory_space<hbm>> -> memref<128xi32, #tpu.memory_space<hbm>>
    %dma_start3A_60 = tpu.memref_slice %arg3[%add3A_59] : memref<4096xi32, #tpu.memory_space<hbm>> -> memref<128xi32, #tpu.memory_space<hbm>>
    tpu.enqueue_dma source(%dma_start3A_60 : memref<128xi32, #tpu.memory_space<hbm>>) target(%arg7 : memref<128xi32, #tpu.memory_space<vmem>>) target_semaphore(%arg17 : memref<!tpu.dma_semaphore, #tpu.memory_space<semaphore_mem>>)
    %mul3A_61 = arith.constant 256 : i32
    %mul3A_62 = arith.muli %add3A, %mul3A_61 : i32
    %mul3A_63 = arith.constant 128 : i32
    %mul3A_64 = arith.muli %select_n3A_30, %mul3A_63 : i32
    %add3A_65 = arith.addi %mul3A_62, %mul3A_64 : i32
    %dma_start3A_66 = tpu.memref_slice %arg4[%add3A_65] : memref<4096xi32, #tpu.memory_space<hbm>> -> memref<128xi32, #tpu.memory_space<hbm>>
    %dma_start3A_67 = tpu.memref_slice %arg4[%add3A_65] : memref<4096xi32, #tpu.memory_space<hbm>> -> memref<128xi32, #tpu.memory_space<hbm>>
    tpu.enqueue_dma source(%dma_start3A_67 : memref<128xi32, #tpu.memory_space<hbm>>) target(%arg8 : memref<128xi32, #tpu.memory_space<vmem>>) target_semaphore(%arg17 : memref<!tpu.dma_semaphore, #tpu.memory_space<semaphore_mem>>)
    %mul3A_68 = arith.constant 2048 : i32
    %mul3A_69 = arith.muli %add3A, %mul3A_68 : i32
    %mul3A_70 = arith.constant 1024 : i32
    %mul3A_71 = arith.muli %select_n3A_30, %mul3A_70 : i32
    %add3A_72 = arith.addi %mul3A_69, %mul3A_71 : i32
    %dma_start3A_73 = tpu.memref_slice %arg5[%add3A_72] : memref<32768xf32, #tpu.memory_space<hbm>> -> memref<1024xf32, #tpu.memory_space<hbm>>
    %dma_start3A_74 = tpu.memref_slice %arg5[%add3A_72] : memref<32768xf32, #tpu.memory_space<hbm>> -> memref<1024xf32, #tpu.memory_space<hbm>>
    tpu.enqueue_dma source(%dma_start3A_74 : memref<1024xf32, #tpu.memory_space<hbm>>) target(%arg11 : memref<1024xf32, #tpu.memory_space<vmem>>) target_semaphore(%arg18 : memref<!tpu.dma_semaphore, #tpu.memory_space<semaphore_mem>>)
    %dma_wait3A = tpu.memref_slice %arg3[%add3A_59] : memref<4096xi32, #tpu.memory_space<hbm>> -> memref<128xi32, #tpu.memory_space<hbm>>
    %dma_wait3A_75 = tpu.memref_slice %arg3[%add3A_59] : memref<4096xi32, #tpu.memory_space<hbm>> -> memref<128xi32, #tpu.memory_space<hbm>>
    tpu.wait_dma2 semaphore(%arg17 : memref<!tpu.dma_semaphore, #tpu.memory_space<semaphore_mem>>) src(%dma_wait3A_75 : memref<128xi32, #tpu.memory_space<hbm>>) dst(%arg7 : memref<128xi32, #tpu.memory_space<vmem>>)
    %dma_wait3A_76 = tpu.memref_slice %arg4[%add3A_65] : memref<4096xi32, #tpu.memory_space<hbm>> -> memref<128xi32, #tpu.memory_space<hbm>>
    %dma_wait3A_77 = tpu.memref_slice %arg4[%add3A_65] : memref<4096xi32, #tpu.memory_space<hbm>> -> memref<128xi32, #tpu.memory_space<hbm>>
    tpu.wait_dma2 semaphore(%arg17 : memref<!tpu.dma_semaphore, #tpu.memory_space<semaphore_mem>>) src(%dma_wait3A_77 : memref<128xi32, #tpu.memory_space<hbm>>) dst(%arg8 : memref<128xi32, #tpu.memory_space<vmem>>)
    %iota3A = tpu.iota {dimensions = array<i32: 0>} : vector<16xi32>
    %shift_right_arithmetic3A = arith.constant 3 : i32
    %shift_right_arithmetic3A_78 = vector.broadcast %shift_right_arithmetic3A : i32 to vector<16xi32>
    %shift_right_arithmetic3A_79 = arith.shrsi %iota3A, %shift_right_arithmetic3A_78 : vector<16xi32>
    %and3A_80 = arith.constant 7 : i32
    %and3A_81 = vector.broadcast %and3A_80 : i32 to vector<16xi32>
    %and3A_82 = arith.andi %iota3A, %and3A_81 : vector<16xi32>
    %mul3A_83 = arith.constant 8 : i32
    %mul3A_84 = arith.muli %select_n3A_54, %mul3A_83 : i32
    %add3A_85 = vector.broadcast %mul3A_84 : i32 to vector<16xi32>
    %add3A_86 = arith.addi %and3A_82, %add3A_85 : vector<16xi32>
    %mul3A_87 = arith.constant 262144 : i32
    %mul3A_88 = vector.broadcast %mul3A_87 : i32 to vector<16xi32>
    %mul3A_89 = arith.muli %add3A_86, %mul3A_88 : vector<16xi32>
    %add3A_90 = arith.constant 0 : i32
    %add3A_91 = vector.broadcast %add3A_90 : i32 to vector<16xi32>
    %add3A_92 = arith.addi %shift_right_arithmetic3A_79, %add3A_91 : vector<16xi32>
    %gather3A = tpu.vector_load_idx %arg7[%add3A_92] : memref<128xi32, #tpu.memory_space<vmem>>[vector<16xi32>], vector<16xi32>,
    %gather3A_93 = tpu.vector_load_idx %arg8[%add3A_92] : memref<128xi32, #tpu.memory_space<vmem>>[vector<16xi32>], vector<16xi32>,
    %add3A_94 = arith.addi %gather3A, %mul3A_89 : vector<16xi32>
    %swap3A = arith.constant 0 : i32
    %swap3A_95 = arith.index_cast %swap3A : i32 to index
    %swap3A_96 = arith.constant 0 : index
    %swap3A_97 = tpu.vector_load %arg9[%swap3A_95, %swap3A_96] {strides = array<i32>} : memref<8x128xi32, #tpu.memory_space<vmem>>, vector<16xi32>,
    tpu.vector_store %arg9[%swap3A_95, %swap3A_96], %add3A_94 {strides = array<i32>} : memref<8x128xi32, #tpu.memory_space<vmem>>, vector<16xi32>,
    %convert_element_type3A = arith.sitofp %gather3A_93 : vector<16xi32> to vector<16xf32>
    %swap3A_98 = arith.constant 0 : index
    %swap3A_99 = tpu.vector_load %arg12[%swap3A_98] {strides = array<i32>} : memref<1024xf32, #tpu.memory_space<vmem>>, vector<16xf32>,
    tpu.vector_store %arg12[%swap3A_98], %convert_element_type3A {strides = array<i32>} : memref<1024xf32, #tpu.memory_space<vmem>>, vector<16xf32>,
    %add3A_100 = arith.constant 2 : i32
    %add3A_101 = vector.broadcast %add3A_100 : i32 to vector<16xi32>
    %add3A_102 = arith.addi %shift_right_arithmetic3A_79, %add3A_101 : vector<16xi32>
    %gather3A_103 = tpu.vector_load_idx %arg7[%add3A_102] : memref<128xi32, #tpu.memory_space<vmem>>[vector<16xi32>], vector<16xi32>,
    %gather3A_104 = tpu.vector_load_idx %arg8[%add3A_102] : memref<128xi32, #tpu.memory_space<vmem>>[vector<16xi32>], vector<16xi32>,
    %add3A_105 = arith.addi %gather3A_103, %mul3A_89 : vector<16xi32>
    %swap3A_106 = arith.constant 0 : i32
    %swap3A_107 = arith.index_cast %swap3A_106 : i32 to index
    %swap3A_108 = arith.constant 16 : index
    %swap3A_109 = tpu.vector_load %arg9[%swap3A_107, %swap3A_108] {strides = array<i32>} : memref<8x128xi32, #tpu.memory_space<vmem>>, vector<16xi32>,
    tpu.vector_store %arg9[%swap3A_107, %swap3A_108], %add3A_105 {strides = array<i32>} : memref<8x128xi32, #tpu.memory_space<vmem>>, vector<16xi32>,
    %convert_element_type3A_110 = arith.sitofp %gather3A_104 : vector<16xi32> to vector<16xf32>
    %swap3A_111 = arith.constant 16 : index
    %swap3A_112 = tpu.vector_load %arg12[%swap3A_111] {strides = array<i32>} : memref<1024xf32, #tpu.memory_space<vmem>>, vector<16xf32>,
    tpu.vector_store %arg12[%swap3A_111], %convert_element_type3A_110 {strides = array<i32>} : memref<1024xf32, #tpu.memory_space<vmem>>, vector<16xf32>,
    %add3A_113 = arith.constant 4 : i32
    %add3A_114 = vector.broadcast %add3A_113 : i32 to vector<16xi32>
    %add3A_115 = arith.addi %shift_right_arithmetic3A_79, %add3A_114 : vector<16xi32>
    %gather3A_116 = tpu.vector_load_idx %arg7[%add3A_115] : memref<128xi32, #tpu.memory_space<vmem>>[vector<16xi32>], vector<16xi32>,
    %gather3A_117 = tpu.vector_load_idx %arg8[%add3A_115] : memref<128xi32, #tpu.memory_space<vmem>>[vector<16xi32>], vector<16xi32>,
    %add3A_118 = arith.addi %gather3A_116, %mul3A_89 : vector<16xi32>
    %swap3A_119 = arith.constant 0 : i32
    %swap3A_120 = arith.index_cast %swap3A_119 : i32 to index
    %swap3A_121 = arith.constant 32 : index
    %swap3A_122 = tpu.vector_load %arg9[%swap3A_120, %swap3A_121] {strides = array<i32>} : memref<8x128xi32, #tpu.memory_space<vmem>>, vector<16xi32>,
    tpu.vector_store %arg9[%swap3A_120, %swap3A_121], %add3A_118 {strides = array<i32>} : memref<8x128xi32, #tpu.memory_space<vmem>>, vector<16xi32>,
    %convert_element_type3A_123 = arith.sitofp %gather3A_117 : vector<16xi32> to vector<16xf32>
    %swap3A_124 = arith.constant 32 : index
    %swap3A_125 = tpu.vector_load %arg12[%swap3A_124] {strides = array<i32>} : memref<1024xf32, #tpu.memory_space<vmem>>, vector<16xf32>,
    tpu.vector_store %arg12[%swap3A_124], %convert_element_type3A_123 {strides = array<i32>} : memref<1024xf32, #tpu.memory_space<vmem>>, vector<16xf32>,
    %add3A_126 = arith.constant 6 : i32
    %add3A_127 = vector.broadcast %add3A_126 : i32 to vector<16xi32>
    %add3A_128 = arith.addi %shift_right_arithmetic3A_79, %add3A_127 : vector<16xi32>
    %gather3A_129 = tpu.vector_load_idx %arg7[%add3A_128] : memref<128xi32, #tpu.memory_space<vmem>>[vector<16xi32>], vector<16xi32>,
    %gather3A_130 = tpu.vector_load_idx %arg8[%add3A_128] : memref<128xi32, #tpu.memory_space<vmem>>[vector<16xi32>], vector<16xi32>,
    %add3A_131 = arith.addi %gather3A_129, %mul3A_89 : vector<16xi32>
    %swap3A_132 = arith.constant 0 : i32
    %swap3A_133 = arith.index_cast %swap3A_132 : i32 to index
    %swap3A_134 = arith.constant 48 : index
    %swap3A_135 = tpu.vector_load %arg9[%swap3A_133, %swap3A_134] {strides = array<i32>} : memref<8x128xi32, #tpu.memory_space<vmem>>, vector<16xi32>,
    tpu.vector_store %arg9[%swap3A_133, %swap3A_134], %add3A_131 {strides = array<i32>} : memref<8x128xi32, #tpu.memory_space<vmem>>, vector<16xi32>,
    %convert_element_type3A_136 = arith.sitofp %gather3A_130 : vector<16xi32> to vector<16xf32>
    %swap3A_137 = arith.constant 48 : index
    %swap3A_138 = tpu.vector_load %arg12[%swap3A_137] {strides = array<i32>} : memref<1024xf32, #tpu.memory_space<vmem>>, vector<16xf32>,
    tpu.vector_store %arg12[%swap3A_137], %convert_element_type3A_136 {strides = array<i32>} : memref<1024xf32, #tpu.memory_space<vmem>>, vector<16xf32>,
    %add3A_139 = arith.constant 8 : i32
    %add3A_140 = vector.broadcast %add3A_139 : i32 to vector<16xi32>
    %add3A_141 = arith.addi %shift_right_arithmetic3A_79, %add3A_140 : vector<16xi32>
    %gather3A_142 = tpu.vector_load_idx %arg7[%add3A_141] : memref<128xi32, #tpu.memory_space<vmem>>[vector<16xi32>], vector<16xi32>,
    %gather3A_143 = tpu.vector_load_idx %arg8[%add3A_141] : memref<128xi32, #tpu.memory_space<vmem>>[vector<16xi32>], vector<16xi32>,
    %add3A_144 = arith.addi %gather3A_142, %mul3A_89 : vector<16xi32>
    %swap3A_145 = arith.constant 0 : i32
    %swap3A_146 = arith.index_cast %swap3A_145 : i32 to index
    %swap3A_147 = arith.constant 64 : index
    %swap3A_148 = tpu.vector_load %arg9[%swap3A_146, %swap3A_147] {strides = array<i32>} : memref<8x128xi32, #tpu.memory_space<vmem>>, vector<16xi32>,
    tpu.vector_store %arg9[%swap3A_146, %swap3A_147], %add3A_144 {strides = array<i32>} : memref<8x128xi32, #tpu.memory_space<vmem>>, vector<16xi32>,
    %convert_element_type3A_149 = arith.sitofp %gather3A_143 : vector<16xi32> to vector<16xf32>
    %swap3A_150 = arith.constant 64 : index
    %swap3A_151 = tpu.vector_load %arg12[%swap3A_150] {strides = array<i32>} : memref<1024xf32, #tpu.memory_space<vmem>>, vector<16xf32>,
    tpu.vector_store %arg12[%swap3A_150], %convert_element_type3A_149 {strides = array<i32>} : memref<1024xf32, #tpu.memory_space<vmem>>, vector<16xf32>,
    %add3A_152 = arith.constant 10 : i32
    %add3A_153 = vector.broadcast %add3A_152 : i32 to vector<16xi32>
    %add3A_154 = arith.addi %shift_right_arithmetic3A_79, %add3A_153 : vector<16xi32>
    %gather3A_155 = tpu.vector_load_idx %arg7[%add3A_154] : memref<128xi32, #tpu.memory_space<vmem>>[vector<16xi32>], vector<16xi32>,
    %gather3A_156 = tpu.vector_load_idx %arg8[%add3A_154] : memref<128xi32, #tpu.memory_space<vmem>>[vector<16xi32>], vector<16xi32>,
    %add3A_157 = arith.addi %gather3A_155, %mul3A_89 : vector<16xi32>
    %swap3A_158 = arith.constant 0 : i32
    %swap3A_159 = arith.index_cast %swap3A_158 : i32 to index
    %swap3A_160 = arith.constant 80 : index
    %swap3A_161 = tpu.vector_load %arg9[%swap3A_159, %swap3A_160] {strides = array<i32>} : memref<8x128xi32, #tpu.memory_space<vmem>>, vector<16xi32>,
    tpu.vector_store %arg9[%swap3A_159, %swap3A_160], %add3A_157 {strides = array<i32>} : memref<8x128xi32, #tpu.memory_space<vmem>>, vector<16xi32>,
    %convert_element_type3A_162 = arith.sitofp %gather3A_156 : vector<16xi32> to vector<16xf32>
    %swap3A_163 = arith.constant 80 : index
    %swap3A_164 = tpu.vector_load %arg12[%swap3A_163] {strides = array<i32>} : memref<1024xf32, #tpu.memory_space<vmem>>, vector<16xf32>,
    tpu.vector_store %arg12[%swap3A_163], %convert_element_type3A_162 {strides = array<i32>} : memref<1024xf32, #tpu.memory_space<vmem>>, vector<16xf32>,
    %add3A_165 = arith.constant 12 : i32
    %add3A_166 = vector.broadcast %add3A_165 : i32 to vector<16xi32>
    %add3A_167 = arith.addi %shift_right_arithmetic3A_79, %add3A_166 : vector<16xi32>
    %gather3A_168 = tpu.vector_load_idx %arg7[%add3A_167] : memref<128xi32, #tpu.memory_space<vmem>>[vector<16xi32>], vector<16xi32>,
    %gather3A_169 = tpu.vector_load_idx %arg8[%add3A_167] : memref<128xi32, #tpu.memory_space<vmem>>[vector<16xi32>], vector<16xi32>,
    %add3A_170 = arith.addi %gather3A_168, %mul3A_89 : vector<16xi32>
    %swap3A_171 = arith.constant 0 : i32
    %swap3A_172 = arith.index_cast %swap3A_171 : i32 to index
    %swap3A_173 = arith.constant 96 : index
    %swap3A_174 = tpu.vector_load %arg9[%swap3A_172, %swap3A_173] {strides = array<i32>} : memref<8x128xi32, #tpu.memory_space<vmem>>, vector<16xi32>,
    tpu.vector_store %arg9[%swap3A_172, %swap3A_173], %add3A_170 {strides = array<i32>} : memref<8x128xi32, #tpu.memory_space<vmem>>, vector<16xi32>,
    %convert_element_type3A_175 = arith.sitofp %gather3A_169 : vector<16xi32> to vector<16xf32>
    %swap3A_176 = arith.constant 96 : index
    %swap3A_177 = tpu.vector_load %arg12[%swap3A_176] {strides = array<i32>} : memref<1024xf32, #tpu.memory_space<vmem>>, vector<16xf32>,
    tpu.vector_store %arg12[%swap3A_176], %convert_element_type3A_175 {strides = array<i32>} : memref<1024xf32, #tpu.memory_space<vmem>>, vector<16xf32>,
    %add3A_178 = arith.constant 14 : i32
    %add3A_179 = vector.broadcast %add3A_178 : i32 to vector<16xi32>
    %add3A_180 = arith.addi %shift_right_arithmetic3A_79, %add3A_179 : vector<16xi32>
    %gather3A_181 = tpu.vector_load_idx %arg7[%add3A_180] : memref<128xi32, #tpu.memory_space<vmem>>[vector<16xi32>], vector<16xi32>,
    %gather3A_182 = tpu.vector_load_idx %arg8[%add3A_180] : memref<128xi32, #tpu.memory_space<vmem>>[vector<16xi32>], vector<16xi32>,
    %add3A_183 = arith.addi %gather3A_181, %mul3A_89 : vector<16xi32>
    %swap3A_184 = arith.constant 0 : i32
    %swap3A_185 = arith.index_cast %swap3A_184 : i32 to index
    %swap3A_186 = arith.constant 112 : index
    %swap3A_187 = tpu.vector_load %arg9[%swap3A_185, %swap3A_186] {strides = array<i32>} : memref<8x128xi32, #tpu.memory_space<vmem>>, vector<16xi32>,
    tpu.vector_store %arg9[%swap3A_185, %swap3A_186], %add3A_183 {strides = array<i32>} : memref<8x128xi32, #tpu.memory_space<vmem>>, vector<16xi32>,
    %convert_element_type3A_188 = arith.sitofp %gather3A_182 : vector<16xi32> to vector<16xf32>
    %swap3A_189 = arith.constant 112 : index
    %swap3A_190 = tpu.vector_load %arg12[%swap3A_189] {strides = array<i32>} : memref<1024xf32, #tpu.memory_space<vmem>>, vector<16xf32>,
    tpu.vector_store %arg12[%swap3A_189], %convert_element_type3A_188 {strides = array<i32>} : memref<1024xf32, #tpu.memory_space<vmem>>, vector<16xf32>,
    %dma_start3A_191 = arith.constant 0 : i32
    %dma_start3A_192 = arith.constant 0 : i32
    %dma_start3A_193 = arith.constant 0 : i32
    %dma_start3A_194 = tpu.memref_slice %arg10[%dma_start3A_192, %dma_start3A_193] : memref<8x128xf32, #tpu.memory_space<vmem>> -> memref<1x128xf32, #tpu.memory_space<vmem>>
    %dma_start3A_195 = tpu.memref_squeeze %dma_start3A_194 : memref<1x128xf32, #tpu.memory_space<vmem>> -> memref<128xf32, #tpu.memory_space<vmem>>
    %dma_start3A_196 = arith.constant 0 : i32
    %dma_start3A_197 = tpu.memref_slice %arg9[%dma_start3A_191, %dma_start3A_196] : memref<8x128xi32, #tpu.memory_space<vmem>> -> memref<1x128xi32, #tpu.memory_space<vmem>>
    %dma_start3A_198 = tpu.memref_squeeze %dma_start3A_197 : memref<1x128xi32, #tpu.memory_space<vmem>> -> memref<128xi32, #tpu.memory_space<vmem>>
    %dma_start3A_199 = arith.constant 0 : i32
    %dma_start3A_200 = tpu.memref_slice %arg2[%dma_start3A_199] : memref<16777216xf32, #tpu.memory_space<hbm>> -> memref<16777216xf32, #tpu.memory_space<hbm>>
    tpu.enqueue_indirect_dma source(%dma_start3A_200 : memref<16777216xf32, #tpu.memory_space<hbm>>) target(%dma_start3A_195 : memref<128xf32, #tpu.memory_space<vmem>>) offsets(%dma_start3A_198 : memref<128xi32, #tpu.memory_space<vmem>>) semaphore(%arg16 : memref<!tpu.dma_semaphore, #tpu.memory_space<semaphore_mem>>)
    %add3A_201 = arith.constant 16 : i32
    %add3A_202 = vector.broadcast %add3A_201 : i32 to vector<16xi32>
    %add3A_203 = arith.addi %shift_right_arithmetic3A_79, %add3A_202 : vector<16xi32>
    %gather3A_204 = tpu.vector_load_idx %arg7[%add3A_203] : memref<128xi32, #tpu.memory_space<vmem>>[vector<16xi32>], vector<16xi32>,
    %gather3A_205 = tpu.vector_load_idx %arg8[%add3A_203] : memref<128xi32, #tpu.memory_space<vmem>>[vector<16xi32>], vector<16xi32>,
    %add3A_206 = arith.addi %gather3A_204, %mul3A_89 : vector<16xi32>
    %swap3A_207 = arith.constant 1 : i32
    %swap3A_208 = arith.index_cast %swap3A_207 : i32 to index
    %swap3A_209 = arith.constant 0 : index
    %swap3A_210 = tpu.vector_load %arg9[%swap3A_208, %swap3A_209] {strides = array<i32>} : memref<8x128xi32, #tpu.memory_space<vmem>>, vector<16xi32>,
    tpu.vector_store %arg9[%swap3A_208, %swap3A_209], %add3A_206 {strides = array<i32>} : memref<8x128xi32, #tpu.memory_space<vmem>>, vector<16xi32>,
    %convert_element_type3A_211 = arith.sitofp %gather3A_205 : vector<16xi32> to vector<16xf32>
    %swap3A_212 = arith.constant 128 : index
    %swap3A_213 = tpu.vector_load %arg12[%swap3A_212] {strides = array<i32>} : memref<1024xf32, #tpu.memory_space<vmem>>, vector<16xf32>,
    tpu.vector_store %arg12[%swap3A_212], %convert_element_type3A_211 {strides = array<i32>} : memref<1024xf32, #tpu.memory_space<vmem>>, vector<16xf32>,
    %add3A_214 = arith.constant 18 : i32
    %add3A_215 = vector.broadcast %add3A_214 : i32 to vector<16xi32>
    %add3A_216 = arith.addi %shift_right_arithmetic3A_79, %add3A_215 : vector<16xi32>
    %gather3A_217 = tpu.vector_load_idx %arg7[%add3A_216] : memref<128xi32, #tpu.memory_space<vmem>>[vector<16xi32>], vector<16xi32>,
    %gather3A_218 = tpu.vector_load_idx %arg8[%add3A_216] : memref<128xi32, #tpu.memory_space<vmem>>[vector<16xi32>], vector<16xi32>,
    %add3A_219 = arith.addi %gather3A_217, %mul3A_89 : vector<16xi32>
    %swap3A_220 = arith.constant 1 : i32
    %swap3A_221 = arith.index_cast %swap3A_220 : i32 to index
    %swap3A_222 = arith.constant 16 : index
    %swap3A_223 = tpu.vector_load %arg9[%swap3A_221, %swap3A_222] {strides = array<i32>} : memref<8x128xi32, #tpu.memory_space<vmem>>, vector<16xi32>,
    tpu.vector_store %arg9[%swap3A_221, %swap3A_222], %add3A_219 {strides = array<i32>} : memref<8x128xi32, #tpu.memory_space<vmem>>, vector<16xi32>,
    %convert_element_type3A_224 = arith.sitofp %gather3A_218 : vector<16xi32> to vector<16xf32>
    %swap3A_225 = arith.constant 144 : index
    %swap3A_226 = tpu.vector_load %arg12[%swap3A_225] {strides = array<i32>} : memref<1024xf32, #tpu.memory_space<vmem>>, vector<16xf32>,
    tpu.vector_store %arg12[%swap3A_225], %convert_element_type3A_224 {strides = array<i32>} : memref<1024xf32, #tpu.memory_space<vmem>>, vector<16xf32>,
    %add3A_227 = arith.constant 20 : i32
    %add3A_228 = vector.broadcast %add3A_227 : i32 to vector<16xi32>
    %add3A_229 = arith.addi %shift_right_arithmetic3A_79, %add3A_228 : vector<16xi32>
    %gather3A_230 = tpu.vector_load_idx %arg7[%add3A_229] : memref<128xi32, #tpu.memory_space<vmem>>[vector<16xi32>], vector<16xi32>,
    %gather3A_231 = tpu.vector_load_idx %arg8[%add3A_229] : memref<128xi32, #tpu.memory_space<vmem>>[vector<16xi32>], vector<16xi32>,
    %add3A_232 = arith.addi %gather3A_230, %mul3A_89 : vector<16xi32>
    %swap3A_233 = arith.constant 1 : i32
    %swap3A_234 = arith.index_cast %swap3A_233 : i32 to index
    %swap3A_235 = arith.constant 32 : index
    %swap3A_236 = tpu.vector_load %arg9[%swap3A_234, %swap3A_235] {strides = array<i32>} : memref<8x128xi32, #tpu.memory_space<vmem>>, vector<16xi32>,
    tpu.vector_store %arg9[%swap3A_234, %swap3A_235], %add3A_232 {strides = array<i32>} : memref<8x128xi32, #tpu.memory_space<vmem>>, vector<16xi32>,
    %convert_element_type3A_237 = arith.sitofp %gather3A_231 : vector<16xi32> to vector<16xf32>
    %swap3A_238 = arith.constant 160 : index
    %swap3A_239 = tpu.vector_load %arg12[%swap3A_238] {strides = array<i32>} : memref<1024xf32, #tpu.memory_space<vmem>>, vector<16xf32>,
    tpu.vector_store %arg12[%swap3A_238], %convert_element_type3A_237 {strides = array<i32>} : memref<1024xf32, #tpu.memory_space<vmem>>, vector<16xf32>,
    %add3A_240 = arith.constant 22 : i32
    %add3A_241 = vector.broadcast %add3A_240 : i32 to vector<16xi32>
    %add3A_242 = arith.addi %shift_right_arithmetic3A_79, %add3A_241 : vector<16xi32>
    %gather3A_243 = tpu.vector_load_idx %arg7[%add3A_242] : memref<128xi32, #tpu.memory_space<vmem>>[vector<16xi32>], vector<16xi32>,
    %gather3A_244 = tpu.vector_load_idx %arg8[%add3A_242] : memref<128xi32, #tpu.memory_space<vmem>>[vector<16xi32>], vector<16xi32>,
    %add3A_245 = arith.addi %gather3A_243, %mul3A_89 : vector<16xi32>
    %swap3A_246 = arith.constant 1 : i32
    %swap3A_247 = arith.index_cast %swap3A_246 : i32 to index
    %swap3A_248 = arith.constant 48 : index
    %swap3A_249 = tpu.vector_load %arg9[%swap3A_247, %swap3A_248] {strides = array<i32>} : memref<8x128xi32, #tpu.memory_space<vmem>>, vector<16xi32>,
    tpu.vector_store %arg9[%swap3A_247, %swap3A_248], %add3A_245 {strides = array<i32>} : memref<8x128xi32, #tpu.memory_space<vmem>>, vector<16xi32>,
    %convert_element_type3A_250 = arith.sitofp %gather3A_244 : vector<16xi32> to vector<16xf32>
    %swap3A_251 = arith.constant 176 : index
    %swap3A_252 = tpu.vector_load %arg12[%swap3A_251] {strides = array<i32>} : memref<1024xf32, #tpu.memory_space<vmem>>, vector<16xf32>,
    tpu.vector_store %arg12[%swap3A_251], %convert_element_type3A_250 {strides = array<i32>} : memref<1024xf32, #tpu.memory_space<vmem>>, vector<16xf32>,
    %add3A_253 = arith.constant 24 : i32
    %add3A_254 = vector.broadcast %add3A_253 : i32 to vector<16xi32>
    %add3A_255 = arith.addi %shift_right_arithmetic3A_79, %add3A_254 : vector<16xi32>
    %gather3A_256 = tpu.vector_load_idx %arg7[%add3A_255] : memref<128xi32, #tpu.memory_space<vmem>>[vector<16xi32>], vector<16xi32>,
    %gather3A_257 = tpu.vector_load_idx %arg8[%add3A_255] : memref<128xi32, #tpu.memory_space<vmem>>[vector<16xi32>], vector<16xi32>,
    %add3A_258 = arith.addi %gather3A_256, %mul3A_89 : vector<16xi32>
    %swap3A_259 = arith.constant 1 : i32
    %swap3A_260 = arith.index_cast %swap3A_259 : i32 to index
    %swap3A_261 = arith.constant 64 : index
    %swap3A_262 = tpu.vector_load %arg9[%swap3A_260, %swap3A_261] {strides = array<i32>} : memref<8x128xi32, #tpu.memory_space<vmem>>, vector<16xi32>,
    tpu.vector_store %arg9[%swap3A_260, %swap3A_261], %add3A_258 {strides = array<i32>} : memref<8x128xi32, #tpu.memory_space<vmem>>, vector<16xi32>,
    %convert_element_type3A_263 = arith.sitofp %gather3A_257 : vector<16xi32> to vector<16xf32>
    %swap3A_264 = arith.constant 192 : index
    %swap3A_265 = tpu.vector_load %arg12[%swap3A_264] {strides = array<i32>} : memref<1024xf32, #tpu.memory_space<vmem>>, vector<16xf32>,
    tpu.vector_store %arg12[%swap3A_264], %convert_element_type3A_263 {strides = array<i32>} : memref<1024xf32, #tpu.memory_space<vmem>>, vector<16xf32>,
    %add3A_266 = arith.constant 26 : i32
    %add3A_267 = vector.broadcast %add3A_266 : i32 to vector<16xi32>
    %add3A_268 = arith.addi %shift_right_arithmetic3A_79, %add3A_267 : vector<16xi32>
    %gather3A_269 = tpu.vector_load_idx %arg7[%add3A_268] : memref<128xi32, #tpu.memory_space<vmem>>[vector<16xi32>], vector<16xi32>,
    %gather3A_270 = tpu.vector_load_idx %arg8[%add3A_268] : memref<128xi32, #tpu.memory_space<vmem>>[vector<16xi32>], vector<16xi32>,
    %add3A_271 = arith.addi %gather3A_269, %mul3A_89 : vector<16xi32>
    %swap3A_272 = arith.constant 1 : i32
    %swap3A_273 = arith.index_cast %swap3A_272 : i32 to index
    %swap3A_274 = arith.constant 80 : index
    %swap3A_275 = tpu.vector_load %arg9[%swap3A_273, %swap3A_274] {strides = array<i32>} : memref<8x128xi32, #tpu.memory_space<vmem>>, vector<16xi32>,
    tpu.vector_store %arg9[%swap3A_273, %swap3A_274], %add3A_271 {strides = array<i32>} : memref<8x128xi32, #tpu.memory_space<vmem>>, vector<16xi32>,
    %convert_element_type3A_276 = arith.sitofp %gather3A_270 : vector<16xi32> to vector<16xf32>
    %swap3A_277 = arith.constant 208 : index
    %swap3A_278 = tpu.vector_load %arg12[%swap3A_277] {strides = array<i32>} : memref<1024xf32, #tpu.memory_space<vmem>>, vector<16xf32>,
    tpu.vector_store %arg12[%swap3A_277], %convert_element_type3A_276 {strides = array<i32>} : memref<1024xf32, #tpu.memory_space<vmem>>, vector<16xf32>,
    %add3A_279 = arith.constant 28 : i32
    %add3A_280 = vector.broadcast %add3A_279 : i32 to vector<16xi32>
    %add3A_281 = arith.addi %shift_right_arithmetic3A_79, %add3A_280 : vector<16xi32>
    %gather3A_282 = tpu.vector_load_idx %arg7[%add3A_281] : memref<128xi32, #tpu.memory_space<vmem>>[vector<16xi32>], vector<16xi32>,
    %gather3A_283 = tpu.vector_load_idx %arg8[%add3A_281] : memref<128xi32, #tpu.memory_space<vmem>>[vector<16xi32>], vector<16xi32>,
    %add3A_284 = arith.addi %gather3A_282, %mul3A_89 : vector<16xi32>
    %swap3A_285 = arith.constant 1 : i32
    %swap3A_286 = arith.index_cast %swap3A_285 : i32 to index
    %swap3A_287 = arith.constant 96 : index
    %swap3A_288 = tpu.vector_load %arg9[%swap3A_286, %swap3A_287] {strides = array<i32>} : memref<8x128xi32, #tpu.memory_space<vmem>>, vector<16xi32>,
    tpu.vector_store %arg9[%swap3A_286, %swap3A_287], %add3A_284 {strides = array<i32>} : memref<8x128xi32, #tpu.memory_space<vmem>>, vector<16xi32>,
    %convert_element_type3A_289 = arith.sitofp %gather3A_283 : vector<16xi32> to vector<16xf32>
    %swap3A_290 = arith.constant 224 : index
    %swap3A_291 = tpu.vector_load %arg12[%swap3A_290] {strides = array<i32>} : memref<1024xf32, #tpu.memory_space<vmem>>, vector<16xf32>,
    tpu.vector_store %arg12[%swap3A_290], %convert_element_type3A_289 {strides = array<i32>} : memref<1024xf32, #tpu.memory_space<vmem>>, vector<16xf32>,
    %add3A_292 = arith.constant 30 : i32
    %add3A_293 = vector.broadcast %add3A_292 : i32 to vector<16xi32>
    %add3A_294 = arith.addi %shift_right_arithmetic3A_79, %add3A_293 : vector<16xi32>
    %gather3A_295 = tpu.vector_load_idx %arg7[%add3A_294] : memref<128xi32, #tpu.memory_space<vmem>>[vector<16xi32>], vector<16xi32>,
    %gather3A_296 = tpu.vector_load_idx %arg8[%add3A_294] : memref<128xi32, #tpu.memory_space<vmem>>[vector<16xi32>], vector<16xi32>,
    %add3A_297 = arith.addi %gather3A_295, %mul3A_89 : vector<16xi32>
    %swap3A_298 = arith.constant 1 : i32
    %swap3A_299 = arith.index_cast %swap3A_298 : i32 to index
    %swap3A_300 = arith.constant 112 : index
    %swap3A_301 = tpu.vector_load %arg9[%swap3A_299, %swap3A_300] {strides = array<i32>} : memref<8x128xi32, #tpu.memory_space<vmem>>, vector<16xi32>,
    tpu.vector_store %arg9[%swap3A_299, %swap3A_300], %add3A_297 {strides = array<i32>} : memref<8x128xi32, #tpu.memory_space<vmem>>, vector<16xi32>,
    %convert_element_type3A_302 = arith.sitofp %gather3A_296 : vector<16xi32> to vector<16xf32>
    %swap3A_303 = arith.constant 240 : index
    %swap3A_304 = tpu.vector_load %arg12[%swap3A_303] {strides = array<i32>} : memref<1024xf32, #tpu.memory_space<vmem>>, vector<16xf32>,
    tpu.vector_store %arg12[%swap3A_303], %convert_element_type3A_302 {strides = array<i32>} : memref<1024xf32, #tpu.memory_space<vmem>>, vector<16xf32>,
    %dma_start3A_305 = arith.constant 1 : i32
    %dma_start3A_306 = arith.constant 1 : i32
    %dma_start3A_307 = arith.constant 0 : i32
    %dma_start3A_308 = tpu.memref_slice %arg10[%dma_start3A_306, %dma_start3A_307] : memref<8x128xf32, #tpu.memory_space<vmem>> -> memref<1x128xf32, #tpu.memory_space<vmem>>
    %dma_start3A_309 = tpu.memref_squeeze %dma_start3A_308 : memref<1x128xf32, #tpu.memory_space<vmem>> -> memref<128xf32, #tpu.memory_space<vmem>>
    %dma_start3A_310 = arith.constant 0 : i32
    %dma_start3A_311 = tpu.memref_slice %arg9[%dma_start3A_305, %dma_start3A_310] : memref<8x128xi32, #tpu.memory_space<vmem>> -> memref<1x128xi32, #tpu.memory_space<vmem>>
    %dma_start3A_312 = tpu.memref_squeeze %dma_start3A_311 : memref<1x128xi32, #tpu.memory_space<vmem>> -> memref<128xi32, #tpu.memory_space<vmem>>
    %dma_start3A_313 = arith.constant 0 : i32
    %dma_start3A_314 = tpu.memref_slice %arg2[%dma_start3A_313] : memref<16777216xf32, #tpu.memory_space<hbm>> -> memref<16777216xf32, #tpu.memory_space<hbm>>
    tpu.enqueue_indirect_dma source(%dma_start3A_314 : memref<16777216xf32, #tpu.memory_space<hbm>>) target(%dma_start3A_309 : memref<128xf32, #tpu.memory_space<vmem>>) offsets(%dma_start3A_312 : memref<128xi32, #tpu.memory_space<vmem>>) semaphore(%arg16 : memref<!tpu.dma_semaphore, #tpu.memory_space<semaphore_mem>>)
    %add3A_315 = arith.constant 32 : i32
    %add3A_316 = vector.broadcast %add3A_315 : i32 to vector<16xi32>
    %add3A_317 = arith.addi %shift_right_arithmetic3A_79, %add3A_316 : vector<16xi32>
    %gather3A_318 = tpu.vector_load_idx %arg7[%add3A_317] : memref<128xi32, #tpu.memory_space<vmem>>[vector<16xi32>], vector<16xi32>,
    %gather3A_319 = tpu.vector_load_idx %arg8[%add3A_317] : memref<128xi32, #tpu.memory_space<vmem>>[vector<16xi32>], vector<16xi32>,
    %add3A_320 = arith.addi %gather3A_318, %mul3A_89 : vector<16xi32>
    %swap3A_321 = arith.constant 2 : i32
    %swap3A_322 = arith.index_cast %swap3A_321 : i32 to index
    %swap3A_323 = arith.constant 0 : index
    %swap3A_324 = tpu.vector_load %arg9[%swap3A_322, %swap3A_323] {strides = array<i32>} : memref<8x128xi32, #tpu.memory_space<vmem>>, vector<16xi32>,
    tpu.vector_store %arg9[%swap3A_322, %swap3A_323], %add3A_320 {strides = array<i32>} : memref<8x128xi32, #tpu.memory_space<vmem>>, vector<16xi32>,
    %convert_element_type3A_325 = arith.sitofp %gather3A_319 : vector<16xi32> to vector<16xf32>
    %swap3A_326 = arith.constant 256 : index
    %swap3A_327 = tpu.vector_load %arg12[%swap3A_326] {strides = array<i32>} : memref<1024xf32, #tpu.memory_space<vmem>>, vector<16xf32>,
    tpu.vector_store %arg12[%swap3A_326], %convert_element_type3A_325 {strides = array<i32>} : memref<1024xf32, #tpu.memory_space<vmem>>, vector<16xf32>,
    %add3A_328 = arith.constant 34 : i32
    %add3A_329 = vector.broadcast %add3A_328 : i32 to vector<16xi32>
    %add3A_330 = arith.addi %shift_right_arithmetic3A_79, %add3A_329 : vector<16xi32>
    %gather3A_331 = tpu.vector_load_idx %arg7[%add3A_330] : memref<128xi32, #tpu.memory_space<vmem>>[vector<16xi32>], vector<16xi32>,
    %gather3A_332 = tpu.vector_load_idx %arg8[%add3A_330] : memref<128xi32, #tpu.memory_space<vmem>>[vector<16xi32>], vector<16xi32>,
    %add3A_333 = arith.addi %gather3A_331, %mul3A_89 : vector<16xi32>
    %swap3A_334 = arith.constant 2 : i32
    %swap3A_335 = arith.index_cast %swap3A_334 : i32 to index
    %swap3A_336 = arith.constant 16 : index
    %swap3A_337 = tpu.vector_load %arg9[%swap3A_335, %swap3A_336] {strides = array<i32>} : memref<8x128xi32, #tpu.memory_space<vmem>>, vector<16xi32>,
    tpu.vector_store %arg9[%swap3A_335, %swap3A_336], %add3A_333 {strides = array<i32>} : memref<8x128xi32, #tpu.memory_space<vmem>>, vector<16xi32>,
    %convert_element_type3A_338 = arith.sitofp %gather3A_332 : vector<16xi32> to vector<16xf32>
    %swap3A_339 = arith.constant 272 : index
    %swap3A_340 = tpu.vector_load %arg12[%swap3A_339] {strides = array<i32>} : memref<1024xf32, #tpu.memory_space<vmem>>, vector<16xf32>,
    tpu.vector_store %arg12[%swap3A_339], %convert_element_type3A_338 {strides = array<i32>} : memref<1024xf32, #tpu.memory_space<vmem>>, vector<16xf32>,
    %add3A_341 = arith.constant 36 : i32
    %add3A_342 = vector.broadcast %add3A_341 : i32 to vector<16xi32>
    %add3A_343 = arith.addi %shift_right_arithmetic3A_79, %add3A_342 : vector<16xi32>
    %gather3A_344 = tpu.vector_load_idx %arg7[%add3A_343] : memref<128xi32, #tpu.memory_space<vmem>>[vector<16xi32>], vector<16xi32>,
    %gather3A_345 = tpu.vector_load_idx %arg8[%add3A_343] : memref<128xi32, #tpu.memory_space<vmem>>[vector<16xi32>], vector<16xi32>,
    %add3A_346 = arith.addi %gather3A_344, %mul3A_89 : vector<16xi32>
    %swap3A_347 = arith.constant 2 : i32
    %swap3A_348 = arith.index_cast %swap3A_347 : i32 to index
    %swap3A_349 = arith.constant 32 : index
    %swap3A_350 = tpu.vector_load %arg9[%swap3A_348, %swap3A_349] {strides = array<i32>} : memref<8x128xi32, #tpu.memory_space<vmem>>, vector<16xi32>,
    tpu.vector_store %arg9[%swap3A_348, %swap3A_349], %add3A_346 {strides = array<i32>} : memref<8x128xi32, #tpu.memory_space<vmem>>, vector<16xi32>,
    %convert_element_type3A_351 = arith.sitofp %gather3A_345 : vector<16xi32> to vector<16xf32>
    %swap3A_352 = arith.constant 288 : index
    %swap3A_353 = tpu.vector_load %arg12[%swap3A_352] {strides = array<i32>} : memref<1024xf32, #tpu.memory_space<vmem>>, vector<16xf32>,
    tpu.vector_store %arg12[%swap3A_352], %convert_element_type3A_351 {strides = array<i32>} : memref<1024xf32, #tpu.memory_space<vmem>>, vector<16xf32>,
    %add3A_354 = arith.constant 38 : i32
    %add3A_355 = vector.broadcast %add3A_354 : i32 to vector<16xi32>
    %add3A_356 = arith.addi %shift_right_arithmetic3A_79, %add3A_355 : vector<16xi32>
    %gather3A_357 = tpu.vector_load_idx %arg7[%add3A_356] : memref<128xi32, #tpu.memory_space<vmem>>[vector<16xi32>], vector<16xi32>,
    %gather3A_358 = tpu.vector_load_idx %arg8[%add3A_356] : memref<128xi32, #tpu.memory_space<vmem>>[vector<16xi32>], vector<16xi32>,
    %add3A_359 = arith.addi %gather3A_357, %mul3A_89 : vector<16xi32>
    %swap3A_360 = arith.constant 2 : i32
    %swap3A_361 = arith.index_cast %swap3A_360 : i32 to index
    %swap3A_362 = arith.constant 48 : index
    %swap3A_363 = tpu.vector_load %arg9[%swap3A_361, %swap3A_362] {strides = array<i32>} : memref<8x128xi32, #tpu.memory_space<vmem>>, vector<16xi32>,
    tpu.vector_store %arg9[%swap3A_361, %swap3A_362], %add3A_359 {strides = array<i32>} : memref<8x128xi32, #tpu.memory_space<vmem>>, vector<16xi32>,
    %convert_element_type3A_364 = arith.sitofp %gather3A_358 : vector<16xi32> to vector<16xf32>
    %swap3A_365 = arith.constant 304 : index
    %swap3A_366 = tpu.vector_load %arg12[%swap3A_365] {strides = array<i32>} : memref<1024xf32, #tpu.memory_space<vmem>>, vector<16xf32>,
    tpu.vector_store %arg12[%swap3A_365], %convert_element_type3A_364 {strides = array<i32>} : memref<1024xf32, #tpu.memory_space<vmem>>, vector<16xf32>,
    %add3A_367 = arith.constant 40 : i32
    %add3A_368 = vector.broadcast %add3A_367 : i32 to vector<16xi32>
    %add3A_369 = arith.addi %shift_right_arithmetic3A_79, %add3A_368 : vector<16xi32>
    %gather3A_370 = tpu.vector_load_idx %arg7[%add3A_369] : memref<128xi32, #tpu.memory_space<vmem>>[vector<16xi32>], vector<16xi32>,
    %gather3A_371 = tpu.vector_load_idx %arg8[%add3A_369] : memref<128xi32, #tpu.memory_space<vmem>>[vector<16xi32>], vector<16xi32>,
    %add3A_372 = arith.addi %gather3A_370, %mul3A_89 : vector<16xi32>
    %swap3A_373 = arith.constant 2 : i32
    %swap3A_374 = arith.index_cast %swap3A_373 : i32 to index
    %swap3A_375 = arith.constant 64 : index
    %swap3A_376 = tpu.vector_load %arg9[%swap3A_374, %swap3A_375] {strides = array<i32>} : memref<8x128xi32, #tpu.memory_space<vmem>>, vector<16xi32>,
    tpu.vector_store %arg9[%swap3A_374, %swap3A_375], %add3A_372 {strides = array<i32>} : memref<8x128xi32, #tpu.memory_space<vmem>>, vector<16xi32>,
    %convert_element_type3A_377 = arith.sitofp %gather3A_371 : vector<16xi32> to vector<16xf32>
    %swap3A_378 = arith.constant 320 : index
    %swap3A_379 = tpu.vector_load %arg12[%swap3A_378] {strides = array<i32>} : memref<1024xf32, #tpu.memory_space<vmem>>, vector<16xf32>,
    tpu.vector_store %arg12[%swap3A_378], %convert_element_type3A_377 {strides = array<i32>} : memref<1024xf32, #tpu.memory_space<vmem>>, vector<16xf32>,
    %add3A_380 = arith.constant 42 : i32
    %add3A_381 = vector.broadcast %add3A_380 : i32 to vector<16xi32>
    %add3A_382 = arith.addi %shift_right_arithmetic3A_79, %add3A_381 : vector<16xi32>
    %gather3A_383 = tpu.vector_load_idx %arg7[%add3A_382] : memref<128xi32, #tpu.memory_space<vmem>>[vector<16xi32>], vector<16xi32>,
    %gather3A_384 = tpu.vector_load_idx %arg8[%add3A_382] : memref<128xi32, #tpu.memory_space<vmem>>[vector<16xi32>], vector<16xi32>,
    %add3A_385 = arith.addi %gather3A_383, %mul3A_89 : vector<16xi32>
    %swap3A_386 = arith.constant 2 : i32
    %swap3A_387 = arith.index_cast %swap3A_386 : i32 to index
    %swap3A_388 = arith.constant 80 : index
    %swap3A_389 = tpu.vector_load %arg9[%swap3A_387, %swap3A_388] {strides = array<i32>} : memref<8x128xi32, #tpu.memory_space<vmem>>, vector<16xi32>,
    tpu.vector_store %arg9[%swap3A_387, %swap3A_388], %add3A_385 {strides = array<i32>} : memref<8x128xi32, #tpu.memory_space<vmem>>, vector<16xi32>,
    %convert_element_type3A_390 = arith.sitofp %gather3A_384 : vector<16xi32> to vector<16xf32>
    %swap3A_391 = arith.constant 336 : index
    %swap3A_392 = tpu.vector_load %arg12[%swap3A_391] {strides = array<i32>} : memref<1024xf32, #tpu.memory_space<vmem>>, vector<16xf32>,
    tpu.vector_store %arg12[%swap3A_391], %convert_element_type3A_390 {strides = array<i32>} : memref<1024xf32, #tpu.memory_space<vmem>>, vector<16xf32>,
    %add3A_393 = arith.constant 44 : i32
    %add3A_394 = vector.broadcast %add3A_393 : i32 to vector<16xi32>
    %add3A_395 = arith.addi %shift_right_arithmetic3A_79, %add3A_394 : vector<16xi32>
    %gather3A_396 = tpu.vector_load_idx %arg7[%add3A_395] : memref<128xi32, #tpu.memory_space<vmem>>[vector<16xi32>], vector<16xi32>,
    %gather3A_397 = tpu.vector_load_idx %arg8[%add3A_395] : memref<128xi32, #tpu.memory_space<vmem>>[vector<16xi32>], vector<16xi32>,
    %add3A_398 = arith.addi %gather3A_396, %mul3A_89 : vector<16xi32>
    %swap3A_399 = arith.constant 2 : i32
    %swap3A_400 = arith.index_cast %swap3A_399 : i32 to index
    %swap3A_401 = arith.constant 96 : index
    %swap3A_402 = tpu.vector_load %arg9[%swap3A_400, %swap3A_401] {strides = array<i32>} : memref<8x128xi32, #tpu.memory_space<vmem>>, vector<16xi32>,
    tpu.vector_store %arg9[%swap3A_400, %swap3A_401], %add3A_398 {strides = array<i32>} : memref<8x128xi32, #tpu.memory_space<vmem>>, vector<16xi32>,
    %convert_element_type3A_403 = arith.sitofp %gather3A_397 : vector<16xi32> to vector<16xf32>
    %swap3A_404 = arith.constant 352 : index
    %swap3A_405 = tpu.vector_load %arg12[%swap3A_404] {strides = array<i32>} : memref<1024xf32, #tpu.memory_space<vmem>>, vector<16xf32>,
    tpu.vector_store %arg12[%swap3A_404], %convert_element_type3A_403 {strides = array<i32>} : memref<1024xf32, #tpu.memory_space<vmem>>, vector<16xf32>,
    %add3A_406 = arith.constant 46 : i32
    %add3A_407 = vector.broadcast %add3A_406 : i32 to vector<16xi32>
    %add3A_408 = arith.addi %shift_right_arithmetic3A_79, %add3A_407 : vector<16xi32>
    %gather3A_409 = tpu.vector_load_idx %arg7[%add3A_408] : memref<128xi32, #tpu.memory_space<vmem>>[vector<16xi32>], vector<16xi32>,
    %gather3A_410 = tpu.vector_load_idx %arg8[%add3A_408] : memref<128xi32, #tpu.memory_space<vmem>>[vector<16xi32>], vector<16xi32>,
    %add3A_411 = arith.addi %gather3A_409, %mul3A_89 : vector<16xi32>
    %swap3A_412 = arith.constant 2 : i32
    %swap3A_413 = arith.index_cast %swap3A_412 : i32 to index
    %swap3A_414 = arith.constant 112 : index
    %swap3A_415 = tpu.vector_load %arg9[%swap3A_413, %swap3A_414] {strides = array<i32>} : memref<8x128xi32, #tpu.memory_space<vmem>>, vector<16xi32>,
    tpu.vector_store %arg9[%swap3A_413, %swap3A_414], %add3A_411 {strides = array<i32>} : memref<8x128xi32, #tpu.memory_space<vmem>>, vector<16xi32>,
    %convert_element_type3A_416 = arith.sitofp %gather3A_410 : vector<16xi32> to vector<16xf32>
    %swap3A_417 = arith.constant 368 : index
    %swap3A_418 = tpu.vector_load %arg12[%swap3A_417] {strides = array<i32>} : memref<1024xf32, #tpu.memory_space<vmem>>, vector<16xf32>,
    tpu.vector_store %arg12[%swap3A_417], %convert_element_type3A_416 {strides = array<i32>} : memref<1024xf32, #tpu.memory_space<vmem>>, vector<16xf32>,
    %dma_start3A_419 = arith.constant 2 : i32
    %dma_start3A_420 = arith.constant 2 : i32
    %dma_start3A_421 = arith.constant 0 : i32
    %dma_start3A_422 = tpu.memref_slice %arg10[%dma_start3A_420, %dma_start3A_421] : memref<8x128xf32, #tpu.memory_space<vmem>> -> memref<1x128xf32, #tpu.memory_space<vmem>>
    %dma_start3A_423 = tpu.memref_squeeze %dma_start3A_422 : memref<1x128xf32, #tpu.memory_space<vmem>> -> memref<128xf32, #tpu.memory_space<vmem>>
    %dma_start3A_424 = arith.constant 0 : i32
    %dma_start3A_425 = tpu.memref_slice %arg9[%dma_start3A_419, %dma_start3A_424] : memref<8x128xi32, #tpu.memory_space<vmem>> -> memref<1x128xi32, #tpu.memory_space<vmem>>
    %dma_start3A_426 = tpu.memref_squeeze %dma_start3A_425 : memref<1x128xi32, #tpu.memory_space<vmem>> -> memref<128xi32, #tpu.memory_space<vmem>>
    %dma_start3A_427 = arith.constant 0 : i32
    %dma_start3A_428 = tpu.memref_slice %arg2[%dma_start3A_427] : memref<16777216xf32, #tpu.memory_space<hbm>> -> memref<16777216xf32, #tpu.memory_space<hbm>>
    tpu.enqueue_indirect_dma source(%dma_start3A_428 : memref<16777216xf32, #tpu.memory_space<hbm>>) target(%dma_start3A_423 : memref<128xf32, #tpu.memory_space<vmem>>) offsets(%dma_start3A_426 : memref<128xi32, #tpu.memory_space<vmem>>) semaphore(%arg16 : memref<!tpu.dma_semaphore, #tpu.memory_space<semaphore_mem>>)
    %add3A_429 = arith.constant 48 : i32
    %add3A_430 = vector.broadcast %add3A_429 : i32 to vector<16xi32>
    %add3A_431 = arith.addi %shift_right_arithmetic3A_79, %add3A_430 : vector<16xi32>
    %gather3A_432 = tpu.vector_load_idx %arg7[%add3A_431] : memref<128xi32, #tpu.memory_space<vmem>>[vector<16xi32>], vector<16xi32>,
    %gather3A_433 = tpu.vector_load_idx %arg8[%add3A_431] : memref<128xi32, #tpu.memory_space<vmem>>[vector<16xi32>], vector<16xi32>,
    %add3A_434 = arith.addi %gather3A_432, %mul3A_89 : vector<16xi32>
    %swap3A_435 = arith.constant 3 : i32
    %swap3A_436 = arith.index_cast %swap3A_435 : i32 to index
    %swap3A_437 = arith.constant 0 : index
    %swap3A_438 = tpu.vector_load %arg9[%swap3A_436, %swap3A_437] {strides = array<i32>} : memref<8x128xi32, #tpu.memory_space<vmem>>, vector<16xi32>,
    tpu.vector_store %arg9[%swap3A_436, %swap3A_437], %add3A_434 {strides = array<i32>} : memref<8x128xi32, #tpu.memory_space<vmem>>, vector<16xi32>,
    %convert_element_type3A_439 = arith.sitofp %gather3A_433 : vector<16xi32> to vector<16xf32>
    %swap3A_440 = arith.constant 384 : index
    %swap3A_441 = tpu.vector_load %arg12[%swap3A_440] {strides = array<i32>} : memref<1024xf32, #tpu.memory_space<vmem>>, vector<16xf32>,
    tpu.vector_store %arg12[%swap3A_440], %convert_element_type3A_439 {strides = array<i32>} : memref<1024xf32, #tpu.memory_space<vmem>>, vector<16xf32>,
    %add3A_442 = arith.constant 50 : i32
    %add3A_443 = vector.broadcast %add3A_442 : i32 to vector<16xi32>
    %add3A_444 = arith.addi %shift_right_arithmetic3A_79, %add3A_443 : vector<16xi32>
    %gather3A_445 = tpu.vector_load_idx %arg7[%add3A_444] : memref<128xi32, #tpu.memory_space<vmem>>[vector<16xi32>], vector<16xi32>,
    %gather3A_446 = tpu.vector_load_idx %arg8[%add3A_444] : memref<128xi32, #tpu.memory_space<vmem>>[vector<16xi32>], vector<16xi32>,
    %add3A_447 = arith.addi %gather3A_445, %mul3A_89 : vector<16xi32>
    %swap3A_448 = arith.constant 3 : i32
    %swap3A_449 = arith.index_cast %swap3A_448 : i32 to index
    %swap3A_450 = arith.constant 16 : index
    %swap3A_451 = tpu.vector_load %arg9[%swap3A_449, %swap3A_450] {strides = array<i32>} : memref<8x128xi32, #tpu.memory_space<vmem>>, vector<16xi32>,
    tpu.vector_store %arg9[%swap3A_449, %swap3A_450], %add3A_447 {strides = array<i32>} : memref<8x128xi32, #tpu.memory_space<vmem>>, vector<16xi32>,
    %convert_element_type3A_452 = arith.sitofp %gather3A_446 : vector<16xi32> to vector<16xf32>
    %swap3A_453 = arith.constant 400 : index
    %swap3A_454 = tpu.vector_load %arg12[%swap3A_453] {strides = array<i32>} : memref<1024xf32, #tpu.memory_space<vmem>>, vector<16xf32>,
    tpu.vector_store %arg12[%swap3A_453], %convert_element_type3A_452 {strides = array<i32>} : memref<1024xf32, #tpu.memory_space<vmem>>, vector<16xf32>,
    %add3A_455 = arith.constant 52 : i32
    %add3A_456 = vector.broadcast %add3A_455 : i32 to vector<16xi32>
    %add3A_457 = arith.addi %shift_right_arithmetic3A_79, %add3A_456 : vector<16xi32>
    %gather3A_458 = tpu.vector_load_idx %arg7[%add3A_457] : memref<128xi32, #tpu.memory_space<vmem>>[vector<16xi32>], vector<16xi32>,
    %gather3A_459 = tpu.vector_load_idx %arg8[%add3A_457] : memref<128xi32, #tpu.memory_space<vmem>>[vector<16xi32>], vector<16xi32>,
    %add3A_460 = arith.addi %gather3A_458, %mul3A_89 : vector<16xi32>
    %swap3A_461 = arith.constant 3 : i32
    %swap3A_462 = arith.index_cast %swap3A_461 : i32 to index
    %swap3A_463 = arith.constant 32 : index
    %swap3A_464 = tpu.vector_load %arg9[%swap3A_462, %swap3A_463] {strides = array<i32>} : memref<8x128xi32, #tpu.memory_space<vmem>>, vector<16xi32>,
    tpu.vector_store %arg9[%swap3A_462, %swap3A_463], %add3A_460 {strides = array<i32>} : memref<8x128xi32, #tpu.memory_space<vmem>>, vector<16xi32>,
    %convert_element_type3A_465 = arith.sitofp %gather3A_459 : vector<16xi32> to vector<16xf32>
    %swap3A_466 = arith.constant 416 : index
    %swap3A_467 = tpu.vector_load %arg12[%swap3A_466] {strides = array<i32>} : memref<1024xf32, #tpu.memory_space<vmem>>, vector<16xf32>,
    tpu.vector_store %arg12[%swap3A_466], %convert_element_type3A_465 {strides = array<i32>} : memref<1024xf32, #tpu.memory_space<vmem>>, vector<16xf32>,
    %add3A_468 = arith.constant 54 : i32
    %add3A_469 = vector.broadcast %add3A_468 : i32 to vector<16xi32>
    %add3A_470 = arith.addi %shift_right_arithmetic3A_79, %add3A_469 : vector<16xi32>
    %gather3A_471 = tpu.vector_load_idx %arg7[%add3A_470] : memref<128xi32, #tpu.memory_space<vmem>>[vector<16xi32>], vector<16xi32>,
    %gather3A_472 = tpu.vector_load_idx %arg8[%add3A_470] : memref<128xi32, #tpu.memory_space<vmem>>[vector<16xi32>], vector<16xi32>,
    %add3A_473 = arith.addi %gather3A_471, %mul3A_89 : vector<16xi32>
    %swap3A_474 = arith.constant 3 : i32
    %swap3A_475 = arith.index_cast %swap3A_474 : i32 to index
    %swap3A_476 = arith.constant 48 : index
    %swap3A_477 = tpu.vector_load %arg9[%swap3A_475, %swap3A_476] {strides = array<i32>} : memref<8x128xi32, #tpu.memory_space<vmem>>, vector<16xi32>,
    tpu.vector_store %arg9[%swap3A_475, %swap3A_476], %add3A_473 {strides = array<i32>} : memref<8x128xi32, #tpu.memory_space<vmem>>, vector<16xi32>,
    %convert_element_type3A_478 = arith.sitofp %gather3A_472 : vector<16xi32> to vector<16xf32>
    %swap3A_479 = arith.constant 432 : index
    %swap3A_480 = tpu.vector_load %arg12[%swap3A_479] {strides = array<i32>} : memref<1024xf32, #tpu.memory_space<vmem>>, vector<16xf32>,
    tpu.vector_store %arg12[%swap3A_479], %convert_element_type3A_478 {strides = array<i32>} : memref<1024xf32, #tpu.memory_space<vmem>>, vector<16xf32>,
    %add3A_481 = arith.constant 56 : i32
    %add3A_482 = vector.broadcast %add3A_481 : i32 to vector<16xi32>
    %add3A_483 = arith.addi %shift_right_arithmetic3A_79, %add3A_482 : vector<16xi32>
    %gather3A_484 = tpu.vector_load_idx %arg7[%add3A_483] : memref<128xi32, #tpu.memory_space<vmem>>[vector<16xi32>], vector<16xi32>,
    %gather3A_485 = tpu.vector_load_idx %arg8[%add3A_483] : memref<128xi32, #tpu.memory_space<vmem>>[vector<16xi32>], vector<16xi32>,
    %add3A_486 = arith.addi %gather3A_484, %mul3A_89 : vector<16xi32>
    %swap3A_487 = arith.constant 3 : i32
    %swap3A_488 = arith.index_cast %swap3A_487 : i32 to index
    %swap3A_489 = arith.constant 64 : index
    %swap3A_490 = tpu.vector_load %arg9[%swap3A_488, %swap3A_489] {strides = array<i32>} : memref<8x128xi32, #tpu.memory_space<vmem>>, vector<16xi32>,
    tpu.vector_store %arg9[%swap3A_488, %swap3A_489], %add3A_486 {strides = array<i32>} : memref<8x128xi32, #tpu.memory_space<vmem>>, vector<16xi32>,
    %convert_element_type3A_491 = arith.sitofp %gather3A_485 : vector<16xi32> to vector<16xf32>
    %swap3A_492 = arith.constant 448 : index
    %swap3A_493 = tpu.vector_load %arg12[%swap3A_492] {strides = array<i32>} : memref<1024xf32, #tpu.memory_space<vmem>>, vector<16xf32>,
    tpu.vector_store %arg12[%swap3A_492], %convert_element_type3A_491 {strides = array<i32>} : memref<1024xf32, #tpu.memory_space<vmem>>, vector<16xf32>,
    %add3A_494 = arith.constant 58 : i32
    %add3A_495 = vector.broadcast %add3A_494 : i32 to vector<16xi32>
    %add3A_496 = arith.addi %shift_right_arithmetic3A_79, %add3A_495 : vector<16xi32>
    %gather3A_497 = tpu.vector_load_idx %arg7[%add3A_496] : memref<128xi32, #tpu.memory_space<vmem>>[vector<16xi32>], vector<16xi32>,
    %gather3A_498 = tpu.vector_load_idx %arg8[%add3A_496] : memref<128xi32, #tpu.memory_space<vmem>>[vector<16xi32>], vector<16xi32>,
    %add3A_499 = arith.addi %gather3A_497, %mul3A_89 : vector<16xi32>
    %swap3A_500 = arith.constant 3 : i32
    %swap3A_501 = arith.index_cast %swap3A_500 : i32 to index
    %swap3A_502 = arith.constant 80 : index
    %swap3A_503 = tpu.vector_load %arg9[%swap3A_501, %swap3A_502] {strides = array<i32>} : memref<8x128xi32, #tpu.memory_space<vmem>>, vector<16xi32>,
    tpu.vector_store %arg9[%swap3A_501, %swap3A_502], %add3A_499 {strides = array<i32>} : memref<8x128xi32, #tpu.memory_space<vmem>>, vector<16xi32>,
    %convert_element_type3A_504 = arith.sitofp %gather3A_498 : vector<16xi32> to vector<16xf32>
    %swap3A_505 = arith.constant 464 : index
    %swap3A_506 = tpu.vector_load %arg12[%swap3A_505] {strides = array<i32>} : memref<1024xf32, #tpu.memory_space<vmem>>, vector<16xf32>,
    tpu.vector_store %arg12[%swap3A_505], %convert_element_type3A_504 {strides = array<i32>} : memref<1024xf32, #tpu.memory_space<vmem>>, vector<16xf32>,
    %add3A_507 = arith.constant 60 : i32
    %add3A_508 = vector.broadcast %add3A_507 : i32 to vector<16xi32>
    %add3A_509 = arith.addi %shift_right_arithmetic3A_79, %add3A_508 : vector<16xi32>
    %gather3A_510 = tpu.vector_load_idx %arg7[%add3A_509] : memref<128xi32, #tpu.memory_space<vmem>>[vector<16xi32>], vector<16xi32>,
    %gather3A_511 = tpu.vector_load_idx %arg8[%add3A_509] : memref<128xi32, #tpu.memory_space<vmem>>[vector<16xi32>], vector<16xi32>,
    %add3A_512 = arith.addi %gather3A_510, %mul3A_89 : vector<16xi32>
    %swap3A_513 = arith.constant 3 : i32
    %swap3A_514 = arith.index_cast %swap3A_513 : i32 to index
    %swap3A_515 = arith.constant 96 : index
    %swap3A_516 = tpu.vector_load %arg9[%swap3A_514, %swap3A_515] {strides = array<i32>} : memref<8x128xi32, #tpu.memory_space<vmem>>, vector<16xi32>,
    tpu.vector_store %arg9[%swap3A_514, %swap3A_515], %add3A_512 {strides = array<i32>} : memref<8x128xi32, #tpu.memory_space<vmem>>, vector<16xi32>,
    %convert_element_type3A_517 = arith.sitofp %gather3A_511 : vector<16xi32> to vector<16xf32>
    %swap3A_518 = arith.constant 480 : index
    %swap3A_519 = tpu.vector_load %arg12[%swap3A_518] {strides = array<i32>} : memref<1024xf32, #tpu.memory_space<vmem>>, vector<16xf32>,
    tpu.vector_store %arg12[%swap3A_518], %convert_element_type3A_517 {strides = array<i32>} : memref<1024xf32, #tpu.memory_space<vmem>>, vector<16xf32>,
    %add3A_520 = arith.constant 62 : i32
    %add3A_521 = vector.broadcast %add3A_520 : i32 to vector<16xi32>
    %add3A_522 = arith.addi %shift_right_arithmetic3A_79, %add3A_521 : vector<16xi32>
    %gather3A_523 = tpu.vector_load_idx %arg7[%add3A_522] : memref<128xi32, #tpu.memory_space<vmem>>[vector<16xi32>], vector<16xi32>,
    %gather3A_524 = tpu.vector_load_idx %arg8[%add3A_522] : memref<128xi32, #tpu.memory_space<vmem>>[vector<16xi32>], vector<16xi32>,
    %add3A_525 = arith.addi %gather3A_523, %mul3A_89 : vector<16xi32>
    %swap3A_526 = arith.constant 3 : i32
    %swap3A_527 = arith.index_cast %swap3A_526 : i32 to index
    %swap3A_528 = arith.constant 112 : index
    %swap3A_529 = tpu.vector_load %arg9[%swap3A_527, %swap3A_528] {strides = array<i32>} : memref<8x128xi32, #tpu.memory_space<vmem>>, vector<16xi32>,
    tpu.vector_store %arg9[%swap3A_527, %swap3A_528], %add3A_525 {strides = array<i32>} : memref<8x128xi32, #tpu.memory_space<vmem>>, vector<16xi32>,
    %convert_element_type3A_530 = arith.sitofp %gather3A_524 : vector<16xi32> to vector<16xf32>
    %swap3A_531 = arith.constant 496 : index
    %swap3A_532 = tpu.vector_load %arg12[%swap3A_531] {strides = array<i32>} : memref<1024xf32, #tpu.memory_space<vmem>>, vector<16xf32>,
    tpu.vector_store %arg12[%swap3A_531], %convert_element_type3A_530 {strides = array<i32>} : memref<1024xf32, #tpu.memory_space<vmem>>, vector<16xf32>,
    %dma_start3A_533 = arith.constant 3 : i32
    %dma_start3A_534 = arith.constant 3 : i32
    %dma_start3A_535 = arith.constant 0 : i32
    %dma_start3A_536 = tpu.memref_slice %arg10[%dma_start3A_534, %dma_start3A_535] : memref<8x128xf32, #tpu.memory_space<vmem>> -> memref<1x128xf32, #tpu.memory_space<vmem>>
    %dma_start3A_537 = tpu.memref_squeeze %dma_start3A_536 : memref<1x128xf32, #tpu.memory_space<vmem>> -> memref<128xf32, #tpu.memory_space<vmem>>
    %dma_start3A_538 = arith.constant 0 : i32
    %dma_start3A_539 = tpu.memref_slice %arg9[%dma_start3A_533, %dma_start3A_538] : memref<8x128xi32, #tpu.memory_space<vmem>> -> memref<1x128xi32, #tpu.memory_space<vmem>>
    %dma_start3A_540 = tpu.memref_squeeze %dma_start3A_539 : memref<1x128xi32, #tpu.memory_space<vmem>> -> memref<128xi32, #tpu.memory_space<vmem>>
    %dma_start3A_541 = arith.constant 0 : i32
    %dma_start3A_542 = tpu.memref_slice %arg2[%dma_start3A_541] : memref<16777216xf32, #tpu.memory_space<hbm>> -> memref<16777216xf32, #tpu.memory_space<hbm>>
    tpu.enqueue_indirect_dma source(%dma_start3A_542 : memref<16777216xf32, #tpu.memory_space<hbm>>) target(%dma_start3A_537 : memref<128xf32, #tpu.memory_space<vmem>>) offsets(%dma_start3A_540 : memref<128xi32, #tpu.memory_space<vmem>>) semaphore(%arg16 : memref<!tpu.dma_semaphore, #tpu.memory_space<semaphore_mem>>)
    %add3A_543 = arith.constant 64 : i32
    %add3A_544 = vector.broadcast %add3A_543 : i32 to vector<16xi32>
    %add3A_545 = arith.addi %shift_right_arithmetic3A_79, %add3A_544 : vector<16xi32>
    %gather3A_546 = tpu.vector_load_idx %arg7[%add3A_545] : memref<128xi32, #tpu.memory_space<vmem>>[vector<16xi32>], vector<16xi32>,
    %gather3A_547 = tpu.vector_load_idx %arg8[%add3A_545] : memref<128xi32, #tpu.memory_space<vmem>>[vector<16xi32>], vector<16xi32>,
    %add3A_548 = arith.addi %gather3A_546, %mul3A_89 : vector<16xi32>
    %swap3A_549 = arith.constant 4 : i32
    %swap3A_550 = arith.index_cast %swap3A_549 : i32 to index
    %swap3A_551 = arith.constant 0 : index
    %swap3A_552 = tpu.vector_load %arg9[%swap3A_550, %swap3A_551] {strides = array<i32>} : memref<8x128xi32, #tpu.memory_space<vmem>>, vector<16xi32>,
    tpu.vector_store %arg9[%swap3A_550, %swap3A_551], %add3A_548 {strides = array<i32>} : memref<8x128xi32, #tpu.memory_space<vmem>>, vector<16xi32>,
    %convert_element_type3A_553 = arith.sitofp %gather3A_547 : vector<16xi32> to vector<16xf32>
    %swap3A_554 = arith.constant 512 : index
    %swap3A_555 = tpu.vector_load %arg12[%swap3A_554] {strides = array<i32>} : memref<1024xf32, #tpu.memory_space<vmem>>, vector<16xf32>,
    tpu.vector_store %arg12[%swap3A_554], %convert_element_type3A_553 {strides = array<i32>} : memref<1024xf32, #tpu.memory_space<vmem>>, vector<16xf32>,
    %add3A_556 = arith.constant 66 : i32
    %add3A_557 = vector.broadcast %add3A_556 : i32 to vector<16xi32>
    %add3A_558 = arith.addi %shift_right_arithmetic3A_79, %add3A_557 : vector<16xi32>
    %gather3A_559 = tpu.vector_load_idx %arg7[%add3A_558] : memref<128xi32, #tpu.memory_space<vmem>>[vector<16xi32>], vector<16xi32>,
    %gather3A_560 = tpu.vector_load_idx %arg8[%add3A_558] : memref<128xi32, #tpu.memory_space<vmem>>[vector<16xi32>], vector<16xi32>,
    %add3A_561 = arith.addi %gather3A_559, %mul3A_89 : vector<16xi32>
    %swap3A_562 = arith.constant 4 : i32
    %swap3A_563 = arith.index_cast %swap3A_562 : i32 to index
    %swap3A_564 = arith.constant 16 : index
    %swap3A_565 = tpu.vector_load %arg9[%swap3A_563, %swap3A_564] {strides = array<i32>} : memref<8x128xi32, #tpu.memory_space<vmem>>, vector<16xi32>,
    tpu.vector_store %arg9[%swap3A_563, %swap3A_564], %add3A_561 {strides = array<i32>} : memref<8x128xi32, #tpu.memory_space<vmem>>, vector<16xi32>,
    %convert_element_type3A_566 = arith.sitofp %gather3A_560 : vector<16xi32> to vector<16xf32>
    %swap3A_567 = arith.constant 528 : index
    %swap3A_568 = tpu.vector_load %arg12[%swap3A_567] {strides = array<i32>} : memref<1024xf32, #tpu.memory_space<vmem>>, vector<16xf32>,
    tpu.vector_store %arg12[%swap3A_567], %convert_element_type3A_566 {strides = array<i32>} : memref<1024xf32, #tpu.memory_space<vmem>>, vector<16xf32>,
    %add3A_569 = arith.constant 68 : i32
    %add3A_570 = vector.broadcast %add3A_569 : i32 to vector<16xi32>
    %add3A_571 = arith.addi %shift_right_arithmetic3A_79, %add3A_570 : vector<16xi32>
    %gather3A_572 = tpu.vector_load_idx %arg7[%add3A_571] : memref<128xi32, #tpu.memory_space<vmem>>[vector<16xi32>], vector<16xi32>,
    %gather3A_573 = tpu.vector_load_idx %arg8[%add3A_571] : memref<128xi32, #tpu.memory_space<vmem>>[vector<16xi32>], vector<16xi32>,
    %add3A_574 = arith.addi %gather3A_572, %mul3A_89 : vector<16xi32>
    %swap3A_575 = arith.constant 4 : i32
    %swap3A_576 = arith.index_cast %swap3A_575 : i32 to index
    %swap3A_577 = arith.constant 32 : index
    %swap3A_578 = tpu.vector_load %arg9[%swap3A_576, %swap3A_577] {strides = array<i32>} : memref<8x128xi32, #tpu.memory_space<vmem>>, vector<16xi32>,
    tpu.vector_store %arg9[%swap3A_576, %swap3A_577], %add3A_574 {strides = array<i32>} : memref<8x128xi32, #tpu.memory_space<vmem>>, vector<16xi32>,
    %convert_element_type3A_579 = arith.sitofp %gather3A_573 : vector<16xi32> to vector<16xf32>
    %swap3A_580 = arith.constant 544 : index
    %swap3A_581 = tpu.vector_load %arg12[%swap3A_580] {strides = array<i32>} : memref<1024xf32, #tpu.memory_space<vmem>>, vector<16xf32>,
    tpu.vector_store %arg12[%swap3A_580], %convert_element_type3A_579 {strides = array<i32>} : memref<1024xf32, #tpu.memory_space<vmem>>, vector<16xf32>,
    %add3A_582 = arith.constant 70 : i32
    %add3A_583 = vector.broadcast %add3A_582 : i32 to vector<16xi32>
    %add3A_584 = arith.addi %shift_right_arithmetic3A_79, %add3A_583 : vector<16xi32>
    %gather3A_585 = tpu.vector_load_idx %arg7[%add3A_584] : memref<128xi32, #tpu.memory_space<vmem>>[vector<16xi32>], vector<16xi32>,
    %gather3A_586 = tpu.vector_load_idx %arg8[%add3A_584] : memref<128xi32, #tpu.memory_space<vmem>>[vector<16xi32>], vector<16xi32>,
    %add3A_587 = arith.addi %gather3A_585, %mul3A_89 : vector<16xi32>
    %swap3A_588 = arith.constant 4 : i32
    %swap3A_589 = arith.index_cast %swap3A_588 : i32 to index
    %swap3A_590 = arith.constant 48 : index
    %swap3A_591 = tpu.vector_load %arg9[%swap3A_589, %swap3A_590] {strides = array<i32>} : memref<8x128xi32, #tpu.memory_space<vmem>>, vector<16xi32>,
    tpu.vector_store %arg9[%swap3A_589, %swap3A_590], %add3A_587 {strides = array<i32>} : memref<8x128xi32, #tpu.memory_space<vmem>>, vector<16xi32>,
    %convert_element_type3A_592 = arith.sitofp %gather3A_586 : vector<16xi32> to vector<16xf32>
    %swap3A_593 = arith.constant 560 : index
    %swap3A_594 = tpu.vector_load %arg12[%swap3A_593] {strides = array<i32>} : memref<1024xf32, #tpu.memory_space<vmem>>, vector<16xf32>,
    tpu.vector_store %arg12[%swap3A_593], %convert_element_type3A_592 {strides = array<i32>} : memref<1024xf32, #tpu.memory_space<vmem>>, vector<16xf32>,
    %add3A_595 = arith.constant 72 : i32
    %add3A_596 = vector.broadcast %add3A_595 : i32 to vector<16xi32>
    %add3A_597 = arith.addi %shift_right_arithmetic3A_79, %add3A_596 : vector<16xi32>
    %gather3A_598 = tpu.vector_load_idx %arg7[%add3A_597] : memref<128xi32, #tpu.memory_space<vmem>>[vector<16xi32>], vector<16xi32>,
    %gather3A_599 = tpu.vector_load_idx %arg8[%add3A_597] : memref<128xi32, #tpu.memory_space<vmem>>[vector<16xi32>], vector<16xi32>,
    %add3A_600 = arith.addi %gather3A_598, %mul3A_89 : vector<16xi32>
    %swap3A_601 = arith.constant 4 : i32
    %swap3A_602 = arith.index_cast %swap3A_601 : i32 to index
    %swap3A_603 = arith.constant 64 : index
    %swap3A_604 = tpu.vector_load %arg9[%swap3A_602, %swap3A_603] {strides = array<i32>} : memref<8x128xi32, #tpu.memory_space<vmem>>, vector<16xi32>,
    tpu.vector_store %arg9[%swap3A_602, %swap3A_603], %add3A_600 {strides = array<i32>} : memref<8x128xi32, #tpu.memory_space<vmem>>, vector<16xi32>,
    %convert_element_type3A_605 = arith.sitofp %gather3A_599 : vector<16xi32> to vector<16xf32>
    %swap3A_606 = arith.constant 576 : index
    %swap3A_607 = tpu.vector_load %arg12[%swap3A_606] {strides = array<i32>} : memref<1024xf32, #tpu.memory_space<vmem>>, vector<16xf32>,
    tpu.vector_store %arg12[%swap3A_606], %convert_element_type3A_605 {strides = array<i32>} : memref<1024xf32, #tpu.memory_space<vmem>>, vector<16xf32>,
    %add3A_608 = arith.constant 74 : i32
    %add3A_609 = vector.broadcast %add3A_608 : i32 to vector<16xi32>
    %add3A_610 = arith.addi %shift_right_arithmetic3A_79, %add3A_609 : vector<16xi32>
    %gather3A_611 = tpu.vector_load_idx %arg7[%add3A_610] : memref<128xi32, #tpu.memory_space<vmem>>[vector<16xi32>], vector<16xi32>,
    %gather3A_612 = tpu.vector_load_idx %arg8[%add3A_610] : memref<128xi32, #tpu.memory_space<vmem>>[vector<16xi32>], vector<16xi32>,
    %add3A_613 = arith.addi %gather3A_611, %mul3A_89 : vector<16xi32>
    %swap3A_614 = arith.constant 4 : i32
    %swap3A_615 = arith.index_cast %swap3A_614 : i32 to index
    %swap3A_616 = arith.constant 80 : index
    %swap3A_617 = tpu.vector_load %arg9[%swap3A_615, %swap3A_616] {strides = array<i32>} : memref<8x128xi32, #tpu.memory_space<vmem>>, vector<16xi32>,
    tpu.vector_store %arg9[%swap3A_615, %swap3A_616], %add3A_613 {strides = array<i32>} : memref<8x128xi32, #tpu.memory_space<vmem>>, vector<16xi32>,
    %convert_element_type3A_618 = arith.sitofp %gather3A_612 : vector<16xi32> to vector<16xf32>
    %swap3A_619 = arith.constant 592 : index
    %swap3A_620 = tpu.vector_load %arg12[%swap3A_619] {strides = array<i32>} : memref<1024xf32, #tpu.memory_space<vmem>>, vector<16xf32>,
    tpu.vector_store %arg12[%swap3A_619], %convert_element_type3A_618 {strides = array<i32>} : memref<1024xf32, #tpu.memory_space<vmem>>, vector<16xf32>,
    %add3A_621 = arith.constant 76 : i32
    %add3A_622 = vector.broadcast %add3A_621 : i32 to vector<16xi32>
    %add3A_623 = arith.addi %shift_right_arithmetic3A_79, %add3A_622 : vector<16xi32>
    %gather3A_624 = tpu.vector_load_idx %arg7[%add3A_623] : memref<128xi32, #tpu.memory_space<vmem>>[vector<16xi32>], vector<16xi32>,
    %gather3A_625 = tpu.vector_load_idx %arg8[%add3A_623] : memref<128xi32, #tpu.memory_space<vmem>>[vector<16xi32>], vector<16xi32>,
    %add3A_626 = arith.addi %gather3A_624, %mul3A_89 : vector<16xi32>
    %swap3A_627 = arith.constant 4 : i32
    %swap3A_628 = arith.index_cast %swap3A_627 : i32 to index
    %swap3A_629 = arith.constant 96 : index
    %swap3A_630 = tpu.vector_load %arg9[%swap3A_628, %swap3A_629] {strides = array<i32>} : memref<8x128xi32, #tpu.memory_space<vmem>>, vector<16xi32>,
    tpu.vector_store %arg9[%swap3A_628, %swap3A_629], %add3A_626 {strides = array<i32>} : memref<8x128xi32, #tpu.memory_space<vmem>>, vector<16xi32>,
    %convert_element_type3A_631 = arith.sitofp %gather3A_625 : vector<16xi32> to vector<16xf32>
    %swap3A_632 = arith.constant 608 : index
    %swap3A_633 = tpu.vector_load %arg12[%swap3A_632] {strides = array<i32>} : memref<1024xf32, #tpu.memory_space<vmem>>, vector<16xf32>,
    tpu.vector_store %arg12[%swap3A_632], %convert_element_type3A_631 {strides = array<i32>} : memref<1024xf32, #tpu.memory_space<vmem>>, vector<16xf32>,
    %add3A_634 = arith.constant 78 : i32
    %add3A_635 = vector.broadcast %add3A_634 : i32 to vector<16xi32>
    %add3A_636 = arith.addi %shift_right_arithmetic3A_79, %add3A_635 : vector<16xi32>
    %gather3A_637 = tpu.vector_load_idx %arg7[%add3A_636] : memref<128xi32, #tpu.memory_space<vmem>>[vector<16xi32>], vector<16xi32>,
    %gather3A_638 = tpu.vector_load_idx %arg8[%add3A_636] : memref<128xi32, #tpu.memory_space<vmem>>[vector<16xi32>], vector<16xi32>,
    %add3A_639 = arith.addi %gather3A_637, %mul3A_89 : vector<16xi32>
    %swap3A_640 = arith.constant 4 : i32
    %swap3A_641 = arith.index_cast %swap3A_640 : i32 to index
    %swap3A_642 = arith.constant 112 : index
    %swap3A_643 = tpu.vector_load %arg9[%swap3A_641, %swap3A_642] {strides = array<i32>} : memref<8x128xi32, #tpu.memory_space<vmem>>, vector<16xi32>,
    tpu.vector_store %arg9[%swap3A_641, %swap3A_642], %add3A_639 {strides = array<i32>} : memref<8x128xi32, #tpu.memory_space<vmem>>, vector<16xi32>,
    %convert_element_type3A_644 = arith.sitofp %gather3A_638 : vector<16xi32> to vector<16xf32>
    %swap3A_645 = arith.constant 624 : index
    %swap3A_646 = tpu.vector_load %arg12[%swap3A_645] {strides = array<i32>} : memref<1024xf32, #tpu.memory_space<vmem>>, vector<16xf32>,
    tpu.vector_store %arg12[%swap3A_645], %convert_element_type3A_644 {strides = array<i32>} : memref<1024xf32, #tpu.memory_space<vmem>>, vector<16xf32>,
    %dma_start3A_647 = arith.constant 4 : i32
    %dma_start3A_648 = arith.constant 4 : i32
    %dma_start3A_649 = arith.constant 0 : i32
    %dma_start3A_650 = tpu.memref_slice %arg10[%dma_start3A_648, %dma_start3A_649] : memref<8x128xf32, #tpu.memory_space<vmem>> -> memref<1x128xf32, #tpu.memory_space<vmem>>
    %dma_start3A_651 = tpu.memref_squeeze %dma_start3A_650 : memref<1x128xf32, #tpu.memory_space<vmem>> -> memref<128xf32, #tpu.memory_space<vmem>>
    %dma_start3A_652 = arith.constant 0 : i32
    %dma_start3A_653 = tpu.memref_slice %arg9[%dma_start3A_647, %dma_start3A_652] : memref<8x128xi32, #tpu.memory_space<vmem>> -> memref<1x128xi32, #tpu.memory_space<vmem>>
    %dma_start3A_654 = tpu.memref_squeeze %dma_start3A_653 : memref<1x128xi32, #tpu.memory_space<vmem>> -> memref<128xi32, #tpu.memory_space<vmem>>
    %dma_start3A_655 = arith.constant 0 : i32
    %dma_start3A_656 = tpu.memref_slice %arg2[%dma_start3A_655] : memref<16777216xf32, #tpu.memory_space<hbm>> -> memref<16777216xf32, #tpu.memory_space<hbm>>
    tpu.enqueue_indirect_dma source(%dma_start3A_656 : memref<16777216xf32, #tpu.memory_space<hbm>>) target(%dma_start3A_651 : memref<128xf32, #tpu.memory_space<vmem>>) offsets(%dma_start3A_654 : memref<128xi32, #tpu.memory_space<vmem>>) semaphore(%arg16 : memref<!tpu.dma_semaphore, #tpu.memory_space<semaphore_mem>>)
    %add3A_657 = arith.constant 80 : i32
    %add3A_658 = vector.broadcast %add3A_657 : i32 to vector<16xi32>
    %add3A_659 = arith.addi %shift_right_arithmetic3A_79, %add3A_658 : vector<16xi32>
    %gather3A_660 = tpu.vector_load_idx %arg7[%add3A_659] : memref<128xi32, #tpu.memory_space<vmem>>[vector<16xi32>], vector<16xi32>,
    %gather3A_661 = tpu.vector_load_idx %arg8[%add3A_659] : memref<128xi32, #tpu.memory_space<vmem>>[vector<16xi32>], vector<16xi32>,
    %add3A_662 = arith.addi %gather3A_660, %mul3A_89 : vector<16xi32>
    %swap3A_663 = arith.constant 5 : i32
    %swap3A_664 = arith.index_cast %swap3A_663 : i32 to index
    %swap3A_665 = arith.constant 0 : index
    %swap3A_666 = tpu.vector_load %arg9[%swap3A_664, %swap3A_665] {strides = array<i32>} : memref<8x128xi32, #tpu.memory_space<vmem>>, vector<16xi32>,
    tpu.vector_store %arg9[%swap3A_664, %swap3A_665], %add3A_662 {strides = array<i32>} : memref<8x128xi32, #tpu.memory_space<vmem>>, vector<16xi32>,
    %convert_element_type3A_667 = arith.sitofp %gather3A_661 : vector<16xi32> to vector<16xf32>
    %swap3A_668 = arith.constant 640 : index
    %swap3A_669 = tpu.vector_load %arg12[%swap3A_668] {strides = array<i32>} : memref<1024xf32, #tpu.memory_space<vmem>>, vector<16xf32>,
    tpu.vector_store %arg12[%swap3A_668], %convert_element_type3A_667 {strides = array<i32>} : memref<1024xf32, #tpu.memory_space<vmem>>, vector<16xf32>,
    %add3A_670 = arith.constant 82 : i32
    %add3A_671 = vector.broadcast %add3A_670 : i32 to vector<16xi32>
    %add3A_672 = arith.addi %shift_right_arithmetic3A_79, %add3A_671 : vector<16xi32>
    %gather3A_673 = tpu.vector_load_idx %arg7[%add3A_672] : memref<128xi32, #tpu.memory_space<vmem>>[vector<16xi32>], vector<16xi32>,
    %gather3A_674 = tpu.vector_load_idx %arg8[%add3A_672] : memref<128xi32, #tpu.memory_space<vmem>>[vector<16xi32>], vector<16xi32>,
    %add3A_675 = arith.addi %gather3A_673, %mul3A_89 : vector<16xi32>
    %swap3A_676 = arith.constant 5 : i32
    %swap3A_677 = arith.index_cast %swap3A_676 : i32 to index
    %swap3A_678 = arith.constant 16 : index
    %swap3A_679 = tpu.vector_load %arg9[%swap3A_677, %swap3A_678] {strides = array<i32>} : memref<8x128xi32, #tpu.memory_space<vmem>>, vector<16xi32>,
    tpu.vector_store %arg9[%swap3A_677, %swap3A_678], %add3A_675 {strides = array<i32>} : memref<8x128xi32, #tpu.memory_space<vmem>>, vector<16xi32>,
    %convert_element_type3A_680 = arith.sitofp %gather3A_674 : vector<16xi32> to vector<16xf32>
    %swap3A_681 = arith.constant 656 : index
    %swap3A_682 = tpu.vector_load %arg12[%swap3A_681] {strides = array<i32>} : memref<1024xf32, #tpu.memory_space<vmem>>, vector<16xf32>,
    tpu.vector_store %arg12[%swap3A_681], %convert_element_type3A_680 {strides = array<i32>} : memref<1024xf32, #tpu.memory_space<vmem>>, vector<16xf32>,
    %add3A_683 = arith.constant 84 : i32
    %add3A_684 = vector.broadcast %add3A_683 : i32 to vector<16xi32>
    %add3A_685 = arith.addi %shift_right_arithmetic3A_79, %add3A_684 : vector<16xi32>
    %gather3A_686 = tpu.vector_load_idx %arg7[%add3A_685] : memref<128xi32, #tpu.memory_space<vmem>>[vector<16xi32>], vector<16xi32>,
    %gather3A_687 = tpu.vector_load_idx %arg8[%add3A_685] : memref<128xi32, #tpu.memory_space<vmem>>[vector<16xi32>], vector<16xi32>,
    %add3A_688 = arith.addi %gather3A_686, %mul3A_89 : vector<16xi32>
    %swap3A_689 = arith.constant 5 : i32
    %swap3A_690 = arith.index_cast %swap3A_689 : i32 to index
    %swap3A_691 = arith.constant 32 : index
    %swap3A_692 = tpu.vector_load %arg9[%swap3A_690, %swap3A_691] {strides = array<i32>} : memref<8x128xi32, #tpu.memory_space<vmem>>, vector<16xi32>,
    tpu.vector_store %arg9[%swap3A_690, %swap3A_691], %add3A_688 {strides = array<i32>} : memref<8x128xi32, #tpu.memory_space<vmem>>, vector<16xi32>,
    %convert_element_type3A_693 = arith.sitofp %gather3A_687 : vector<16xi32> to vector<16xf32>
    %swap3A_694 = arith.constant 672 : index
    %swap3A_695 = tpu.vector_load %arg12[%swap3A_694] {strides = array<i32>} : memref<1024xf32, #tpu.memory_space<vmem>>, vector<16xf32>,
    tpu.vector_store %arg12[%swap3A_694], %convert_element_type3A_693 {strides = array<i32>} : memref<1024xf32, #tpu.memory_space<vmem>>, vector<16xf32>,
    %add3A_696 = arith.constant 86 : i32
    %add3A_697 = vector.broadcast %add3A_696 : i32 to vector<16xi32>
    %add3A_698 = arith.addi %shift_right_arithmetic3A_79, %add3A_697 : vector<16xi32>
    %gather3A_699 = tpu.vector_load_idx %arg7[%add3A_698] : memref<128xi32, #tpu.memory_space<vmem>>[vector<16xi32>], vector<16xi32>,
    %gather3A_700 = tpu.vector_load_idx %arg8[%add3A_698] : memref<128xi32, #tpu.memory_space<vmem>>[vector<16xi32>], vector<16xi32>,
    %add3A_701 = arith.addi %gather3A_699, %mul3A_89 : vector<16xi32>
    %swap3A_702 = arith.constant 5 : i32
    %swap3A_703 = arith.index_cast %swap3A_702 : i32 to index
    %swap3A_704 = arith.constant 48 : index
    %swap3A_705 = tpu.vector_load %arg9[%swap3A_703, %swap3A_704] {strides = array<i32>} : memref<8x128xi32, #tpu.memory_space<vmem>>, vector<16xi32>,
    tpu.vector_store %arg9[%swap3A_703, %swap3A_704], %add3A_701 {strides = array<i32>} : memref<8x128xi32, #tpu.memory_space<vmem>>, vector<16xi32>,
    %convert_element_type3A_706 = arith.sitofp %gather3A_700 : vector<16xi32> to vector<16xf32>
    %swap3A_707 = arith.constant 688 : index
    %swap3A_708 = tpu.vector_load %arg12[%swap3A_707] {strides = array<i32>} : memref<1024xf32, #tpu.memory_space<vmem>>, vector<16xf32>,
    tpu.vector_store %arg12[%swap3A_707], %convert_element_type3A_706 {strides = array<i32>} : memref<1024xf32, #tpu.memory_space<vmem>>, vector<16xf32>,
    %add3A_709 = arith.constant 88 : i32
    %add3A_710 = vector.broadcast %add3A_709 : i32 to vector<16xi32>
    %add3A_711 = arith.addi %shift_right_arithmetic3A_79, %add3A_710 : vector<16xi32>
    %gather3A_712 = tpu.vector_load_idx %arg7[%add3A_711] : memref<128xi32, #tpu.memory_space<vmem>>[vector<16xi32>], vector<16xi32>,
    %gather3A_713 = tpu.vector_load_idx %arg8[%add3A_711] : memref<128xi32, #tpu.memory_space<vmem>>[vector<16xi32>], vector<16xi32>,
    %add3A_714 = arith.addi %gather3A_712, %mul3A_89 : vector<16xi32>
    %swap3A_715 = arith.constant 5 : i32
    %swap3A_716 = arith.index_cast %swap3A_715 : i32 to index
    %swap3A_717 = arith.constant 64 : index
    %swap3A_718 = tpu.vector_load %arg9[%swap3A_716, %swap3A_717] {strides = array<i32>} : memref<8x128xi32, #tpu.memory_space<vmem>>, vector<16xi32>,
    tpu.vector_store %arg9[%swap3A_716, %swap3A_717], %add3A_714 {strides = array<i32>} : memref<8x128xi32, #tpu.memory_space<vmem>>, vector<16xi32>,
    %convert_element_type3A_719 = arith.sitofp %gather3A_713 : vector<16xi32> to vector<16xf32>
    %swap3A_720 = arith.constant 704 : index
    %swap3A_721 = tpu.vector_load %arg12[%swap3A_720] {strides = array<i32>} : memref<1024xf32, #tpu.memory_space<vmem>>, vector<16xf32>,
    tpu.vector_store %arg12[%swap3A_720], %convert_element_type3A_719 {strides = array<i32>} : memref<1024xf32, #tpu.memory_space<vmem>>, vector<16xf32>,
    %add3A_722 = arith.constant 90 : i32
    %add3A_723 = vector.broadcast %add3A_722 : i32 to vector<16xi32>
    %add3A_724 = arith.addi %shift_right_arithmetic3A_79, %add3A_723 : vector<16xi32>
    %gather3A_725 = tpu.vector_load_idx %arg7[%add3A_724] : memref<128xi32, #tpu.memory_space<vmem>>[vector<16xi32>], vector<16xi32>,
    %gather3A_726 = tpu.vector_load_idx %arg8[%add3A_724] : memref<128xi32, #tpu.memory_space<vmem>>[vector<16xi32>], vector<16xi32>,
    %add3A_727 = arith.addi %gather3A_725, %mul3A_89 : vector<16xi32>
    %swap3A_728 = arith.constant 5 : i32
    %swap3A_729 = arith.index_cast %swap3A_728 : i32 to index
    %swap3A_730 = arith.constant 80 : index
    %swap3A_731 = tpu.vector_load %arg9[%swap3A_729, %swap3A_730] {strides = array<i32>} : memref<8x128xi32, #tpu.memory_space<vmem>>, vector<16xi32>,
    tpu.vector_store %arg9[%swap3A_729, %swap3A_730], %add3A_727 {strides = array<i32>} : memref<8x128xi32, #tpu.memory_space<vmem>>, vector<16xi32>,
    %convert_element_type3A_732 = arith.sitofp %gather3A_726 : vector<16xi32> to vector<16xf32>
    %swap3A_733 = arith.constant 720 : index
    %swap3A_734 = tpu.vector_load %arg12[%swap3A_733] {strides = array<i32>} : memref<1024xf32, #tpu.memory_space<vmem>>, vector<16xf32>,
    tpu.vector_store %arg12[%swap3A_733], %convert_element_type3A_732 {strides = array<i32>} : memref<1024xf32, #tpu.memory_space<vmem>>, vector<16xf32>,
    %add3A_735 = arith.constant 92 : i32
    %add3A_736 = vector.broadcast %add3A_735 : i32 to vector<16xi32>
    %add3A_737 = arith.addi %shift_right_arithmetic3A_79, %add3A_736 : vector<16xi32>
    %gather3A_738 = tpu.vector_load_idx %arg7[%add3A_737] : memref<128xi32, #tpu.memory_space<vmem>>[vector<16xi32>], vector<16xi32>,
    %gather3A_739 = tpu.vector_load_idx %arg8[%add3A_737] : memref<128xi32, #tpu.memory_space<vmem>>[vector<16xi32>], vector<16xi32>,
    %add3A_740 = arith.addi %gather3A_738, %mul3A_89 : vector<16xi32>
    %swap3A_741 = arith.constant 5 : i32
    %swap3A_742 = arith.index_cast %swap3A_741 : i32 to index
    %swap3A_743 = arith.constant 96 : index
    %swap3A_744 = tpu.vector_load %arg9[%swap3A_742, %swap3A_743] {strides = array<i32>} : memref<8x128xi32, #tpu.memory_space<vmem>>, vector<16xi32>,
    tpu.vector_store %arg9[%swap3A_742, %swap3A_743], %add3A_740 {strides = array<i32>} : memref<8x128xi32, #tpu.memory_space<vmem>>, vector<16xi32>,
    %convert_element_type3A_745 = arith.sitofp %gather3A_739 : vector<16xi32> to vector<16xf32>
    %swap3A_746 = arith.constant 736 : index
    %swap3A_747 = tpu.vector_load %arg12[%swap3A_746] {strides = array<i32>} : memref<1024xf32, #tpu.memory_space<vmem>>, vector<16xf32>,
    tpu.vector_store %arg12[%swap3A_746], %convert_element_type3A_745 {strides = array<i32>} : memref<1024xf32, #tpu.memory_space<vmem>>, vector<16xf32>,
    %add3A_748 = arith.constant 94 : i32
    %add3A_749 = vector.broadcast %add3A_748 : i32 to vector<16xi32>
    %add3A_750 = arith.addi %shift_right_arithmetic3A_79, %add3A_749 : vector<16xi32>
    %gather3A_751 = tpu.vector_load_idx %arg7[%add3A_750] : memref<128xi32, #tpu.memory_space<vmem>>[vector<16xi32>], vector<16xi32>,
    %gather3A_752 = tpu.vector_load_idx %arg8[%add3A_750] : memref<128xi32, #tpu.memory_space<vmem>>[vector<16xi32>], vector<16xi32>,
    %add3A_753 = arith.addi %gather3A_751, %mul3A_89 : vector<16xi32>
    %swap3A_754 = arith.constant 5 : i32
    %swap3A_755 = arith.index_cast %swap3A_754 : i32 to index
    %swap3A_756 = arith.constant 112 : index
    %swap3A_757 = tpu.vector_load %arg9[%swap3A_755, %swap3A_756] {strides = array<i32>} : memref<8x128xi32, #tpu.memory_space<vmem>>, vector<16xi32>,
    tpu.vector_store %arg9[%swap3A_755, %swap3A_756], %add3A_753 {strides = array<i32>} : memref<8x128xi32, #tpu.memory_space<vmem>>, vector<16xi32>,
    %convert_element_type3A_758 = arith.sitofp %gather3A_752 : vector<16xi32> to vector<16xf32>
    %swap3A_759 = arith.constant 752 : index
    %swap3A_760 = tpu.vector_load %arg12[%swap3A_759] {strides = array<i32>} : memref<1024xf32, #tpu.memory_space<vmem>>, vector<16xf32>,
    tpu.vector_store %arg12[%swap3A_759], %convert_element_type3A_758 {strides = array<i32>} : memref<1024xf32, #tpu.memory_space<vmem>>, vector<16xf32>,
    %dma_start3A_761 = arith.constant 5 : i32
    %dma_start3A_762 = arith.constant 5 : i32
    %dma_start3A_763 = arith.constant 0 : i32
    %dma_start3A_764 = tpu.memref_slice %arg10[%dma_start3A_762, %dma_start3A_763] : memref<8x128xf32, #tpu.memory_space<vmem>> -> memref<1x128xf32, #tpu.memory_space<vmem>>
    %dma_start3A_765 = tpu.memref_squeeze %dma_start3A_764 : memref<1x128xf32, #tpu.memory_space<vmem>> -> memref<128xf32, #tpu.memory_space<vmem>>
    %dma_start3A_766 = arith.constant 0 : i32
    %dma_start3A_767 = tpu.memref_slice %arg9[%dma_start3A_761, %dma_start3A_766] : memref<8x128xi32, #tpu.memory_space<vmem>> -> memref<1x128xi32, #tpu.memory_space<vmem>>
    %dma_start3A_768 = tpu.memref_squeeze %dma_start3A_767 : memref<1x128xi32, #tpu.memory_space<vmem>> -> memref<128xi32, #tpu.memory_space<vmem>>
    %dma_start3A_769 = arith.constant 0 : i32
    %dma_start3A_770 = tpu.memref_slice %arg2[%dma_start3A_769] : memref<16777216xf32, #tpu.memory_space<hbm>> -> memref<16777216xf32, #tpu.memory_space<hbm>>
    tpu.enqueue_indirect_dma source(%dma_start3A_770 : memref<16777216xf32, #tpu.memory_space<hbm>>) target(%dma_start3A_765 : memref<128xf32, #tpu.memory_space<vmem>>) offsets(%dma_start3A_768 : memref<128xi32, #tpu.memory_space<vmem>>) semaphore(%arg16 : memref<!tpu.dma_semaphore, #tpu.memory_space<semaphore_mem>>)
    %add3A_771 = arith.constant 96 : i32
    %add3A_772 = vector.broadcast %add3A_771 : i32 to vector<16xi32>
    %add3A_773 = arith.addi %shift_right_arithmetic3A_79, %add3A_772 : vector<16xi32>
    %gather3A_774 = tpu.vector_load_idx %arg7[%add3A_773] : memref<128xi32, #tpu.memory_space<vmem>>[vector<16xi32>], vector<16xi32>,
    %gather3A_775 = tpu.vector_load_idx %arg8[%add3A_773] : memref<128xi32, #tpu.memory_space<vmem>>[vector<16xi32>], vector<16xi32>,
    %add3A_776 = arith.addi %gather3A_774, %mul3A_89 : vector<16xi32>
    %swap3A_777 = arith.constant 6 : i32
    %swap3A_778 = arith.index_cast %swap3A_777 : i32 to index
    %swap3A_779 = arith.constant 0 : index
    %swap3A_780 = tpu.vector_load %arg9[%swap3A_778, %swap3A_779] {strides = array<i32>} : memref<8x128xi32, #tpu.memory_space<vmem>>, vector<16xi32>,
    tpu.vector_store %arg9[%swap3A_778, %swap3A_779], %add3A_776 {strides = array<i32>} : memref<8x128xi32, #tpu.memory_space<vmem>>, vector<16xi32>,
    %convert_element_type3A_781 = arith.sitofp %gather3A_775 : vector<16xi32> to vector<16xf32>
    %swap3A_782 = arith.constant 768 : index
    %swap3A_783 = tpu.vector_load %arg12[%swap3A_782] {strides = array<i32>} : memref<1024xf32, #tpu.memory_space<vmem>>, vector<16xf32>,
    tpu.vector_store %arg12[%swap3A_782], %convert_element_type3A_781 {strides = array<i32>} : memref<1024xf32, #tpu.memory_space<vmem>>, vector<16xf32>,
    %add3A_784 = arith.constant 98 : i32
    %add3A_785 = vector.broadcast %add3A_784 : i32 to vector<16xi32>
    %add3A_786 = arith.addi %shift_right_arithmetic3A_79, %add3A_785 : vector<16xi32>
    %gather3A_787 = tpu.vector_load_idx %arg7[%add3A_786] : memref<128xi32, #tpu.memory_space<vmem>>[vector<16xi32>], vector<16xi32>,
    %gather3A_788 = tpu.vector_load_idx %arg8[%add3A_786] : memref<128xi32, #tpu.memory_space<vmem>>[vector<16xi32>], vector<16xi32>,
    %add3A_789 = arith.addi %gather3A_787, %mul3A_89 : vector<16xi32>
    %swap3A_790 = arith.constant 6 : i32
    %swap3A_791 = arith.index_cast %swap3A_790 : i32 to index
    %swap3A_792 = arith.constant 16 : index
    %swap3A_793 = tpu.vector_load %arg9[%swap3A_791, %swap3A_792] {strides = array<i32>} : memref<8x128xi32, #tpu.memory_space<vmem>>, vector<16xi32>,
    tpu.vector_store %arg9[%swap3A_791, %swap3A_792], %add3A_789 {strides = array<i32>} : memref<8x128xi32, #tpu.memory_space<vmem>>, vector<16xi32>,
    %convert_element_type3A_794 = arith.sitofp %gather3A_788 : vector<16xi32> to vector<16xf32>
    %swap3A_795 = arith.constant 784 : index
    %swap3A_796 = tpu.vector_load %arg12[%swap3A_795] {strides = array<i32>} : memref<1024xf32, #tpu.memory_space<vmem>>, vector<16xf32>,
    tpu.vector_store %arg12[%swap3A_795], %convert_element_type3A_794 {strides = array<i32>} : memref<1024xf32, #tpu.memory_space<vmem>>, vector<16xf32>,
    %add3A_797 = arith.constant 100 : i32
    %add3A_798 = vector.broadcast %add3A_797 : i32 to vector<16xi32>
    %add3A_799 = arith.addi %shift_right_arithmetic3A_79, %add3A_798 : vector<16xi32>
    %gather3A_800 = tpu.vector_load_idx %arg7[%add3A_799] : memref<128xi32, #tpu.memory_space<vmem>>[vector<16xi32>], vector<16xi32>,
    %gather3A_801 = tpu.vector_load_idx %arg8[%add3A_799] : memref<128xi32, #tpu.memory_space<vmem>>[vector<16xi32>], vector<16xi32>,
    %add3A_802 = arith.addi %gather3A_800, %mul3A_89 : vector<16xi32>
    %swap3A_803 = arith.constant 6 : i32
    %swap3A_804 = arith.index_cast %swap3A_803 : i32 to index
    %swap3A_805 = arith.constant 32 : index
    %swap3A_806 = tpu.vector_load %arg9[%swap3A_804, %swap3A_805] {strides = array<i32>} : memref<8x128xi32, #tpu.memory_space<vmem>>, vector<16xi32>,
    tpu.vector_store %arg9[%swap3A_804, %swap3A_805], %add3A_802 {strides = array<i32>} : memref<8x128xi32, #tpu.memory_space<vmem>>, vector<16xi32>,
    %convert_element_type3A_807 = arith.sitofp %gather3A_801 : vector<16xi32> to vector<16xf32>
    %swap3A_808 = arith.constant 800 : index
    %swap3A_809 = tpu.vector_load %arg12[%swap3A_808] {strides = array<i32>} : memref<1024xf32, #tpu.memory_space<vmem>>, vector<16xf32>,
    tpu.vector_store %arg12[%swap3A_808], %convert_element_type3A_807 {strides = array<i32>} : memref<1024xf32, #tpu.memory_space<vmem>>, vector<16xf32>,
    %add3A_810 = arith.constant 102 : i32
    %add3A_811 = vector.broadcast %add3A_810 : i32 to vector<16xi32>
    %add3A_812 = arith.addi %shift_right_arithmetic3A_79, %add3A_811 : vector<16xi32>
    %gather3A_813 = tpu.vector_load_idx %arg7[%add3A_812] : memref<128xi32, #tpu.memory_space<vmem>>[vector<16xi32>], vector<16xi32>,
    %gather3A_814 = tpu.vector_load_idx %arg8[%add3A_812] : memref<128xi32, #tpu.memory_space<vmem>>[vector<16xi32>], vector<16xi32>,
    %add3A_815 = arith.addi %gather3A_813, %mul3A_89 : vector<16xi32>
    %swap3A_816 = arith.constant 6 : i32
    %swap3A_817 = arith.index_cast %swap3A_816 : i32 to index
    %swap3A_818 = arith.constant 48 : index
    %swap3A_819 = tpu.vector_load %arg9[%swap3A_817, %swap3A_818] {strides = array<i32>} : memref<8x128xi32, #tpu.memory_space<vmem>>, vector<16xi32>,
    tpu.vector_store %arg9[%swap3A_817, %swap3A_818], %add3A_815 {strides = array<i32>} : memref<8x128xi32, #tpu.memory_space<vmem>>, vector<16xi32>,
    %convert_element_type3A_820 = arith.sitofp %gather3A_814 : vector<16xi32> to vector<16xf32>
    %swap3A_821 = arith.constant 816 : index
    %swap3A_822 = tpu.vector_load %arg12[%swap3A_821] {strides = array<i32>} : memref<1024xf32, #tpu.memory_space<vmem>>, vector<16xf32>,
    tpu.vector_store %arg12[%swap3A_821], %convert_element_type3A_820 {strides = array<i32>} : memref<1024xf32, #tpu.memory_space<vmem>>, vector<16xf32>,
    %add3A_823 = arith.constant 104 : i32
    %add3A_824 = vector.broadcast %add3A_823 : i32 to vector<16xi32>
    %add3A_825 = arith.addi %shift_right_arithmetic3A_79, %add3A_824 : vector<16xi32>
    %gather3A_826 = tpu.vector_load_idx %arg7[%add3A_825] : memref<128xi32, #tpu.memory_space<vmem>>[vector<16xi32>], vector<16xi32>,
    %gather3A_827 = tpu.vector_load_idx %arg8[%add3A_825] : memref<128xi32, #tpu.memory_space<vmem>>[vector<16xi32>], vector<16xi32>,
    %add3A_828 = arith.addi %gather3A_826, %mul3A_89 : vector<16xi32>
    %swap3A_829 = arith.constant 6 : i32
    %swap3A_830 = arith.index_cast %swap3A_829 : i32 to index
    %swap3A_831 = arith.constant 64 : index
    %swap3A_832 = tpu.vector_load %arg9[%swap3A_830, %swap3A_831] {strides = array<i32>} : memref<8x128xi32, #tpu.memory_space<vmem>>, vector<16xi32>,
    tpu.vector_store %arg9[%swap3A_830, %swap3A_831], %add3A_828 {strides = array<i32>} : memref<8x128xi32, #tpu.memory_space<vmem>>, vector<16xi32>,
    %convert_element_type3A_833 = arith.sitofp %gather3A_827 : vector<16xi32> to vector<16xf32>
    %swap3A_834 = arith.constant 832 : index
    %swap3A_835 = tpu.vector_load %arg12[%swap3A_834] {strides = array<i32>} : memref<1024xf32, #tpu.memory_space<vmem>>, vector<16xf32>,
    tpu.vector_store %arg12[%swap3A_834], %convert_element_type3A_833 {strides = array<i32>} : memref<1024xf32, #tpu.memory_space<vmem>>, vector<16xf32>,
    %add3A_836 = arith.constant 106 : i32
    %add3A_837 = vector.broadcast %add3A_836 : i32 to vector<16xi32>
    %add3A_838 = arith.addi %shift_right_arithmetic3A_79, %add3A_837 : vector<16xi32>
    %gather3A_839 = tpu.vector_load_idx %arg7[%add3A_838] : memref<128xi32, #tpu.memory_space<vmem>>[vector<16xi32>], vector<16xi32>,
    %gather3A_840 = tpu.vector_load_idx %arg8[%add3A_838] : memref<128xi32, #tpu.memory_space<vmem>>[vector<16xi32>], vector<16xi32>,
    %add3A_841 = arith.addi %gather3A_839, %mul3A_89 : vector<16xi32>
    %swap3A_842 = arith.constant 6 : i32
    %swap3A_843 = arith.index_cast %swap3A_842 : i32 to index
    %swap3A_844 = arith.constant 80 : index
    %swap3A_845 = tpu.vector_load %arg9[%swap3A_843, %swap3A_844] {strides = array<i32>} : memref<8x128xi32, #tpu.memory_space<vmem>>, vector<16xi32>,
    tpu.vector_store %arg9[%swap3A_843, %swap3A_844], %add3A_841 {strides = array<i32>} : memref<8x128xi32, #tpu.memory_space<vmem>>, vector<16xi32>,
    %convert_element_type3A_846 = arith.sitofp %gather3A_840 : vector<16xi32> to vector<16xf32>
    %swap3A_847 = arith.constant 848 : index
    %swap3A_848 = tpu.vector_load %arg12[%swap3A_847] {strides = array<i32>} : memref<1024xf32, #tpu.memory_space<vmem>>, vector<16xf32>,
    tpu.vector_store %arg12[%swap3A_847], %convert_element_type3A_846 {strides = array<i32>} : memref<1024xf32, #tpu.memory_space<vmem>>, vector<16xf32>,
    %add3A_849 = arith.constant 108 : i32
    %add3A_850 = vector.broadcast %add3A_849 : i32 to vector<16xi32>
    %add3A_851 = arith.addi %shift_right_arithmetic3A_79, %add3A_850 : vector<16xi32>
    %gather3A_852 = tpu.vector_load_idx %arg7[%add3A_851] : memref<128xi32, #tpu.memory_space<vmem>>[vector<16xi32>], vector<16xi32>,
    %gather3A_853 = tpu.vector_load_idx %arg8[%add3A_851] : memref<128xi32, #tpu.memory_space<vmem>>[vector<16xi32>], vector<16xi32>,
    %add3A_854 = arith.addi %gather3A_852, %mul3A_89 : vector<16xi32>
    %swap3A_855 = arith.constant 6 : i32
    %swap3A_856 = arith.index_cast %swap3A_855 : i32 to index
    %swap3A_857 = arith.constant 96 : index
    %swap3A_858 = tpu.vector_load %arg9[%swap3A_856, %swap3A_857] {strides = array<i32>} : memref<8x128xi32, #tpu.memory_space<vmem>>, vector<16xi32>,
    tpu.vector_store %arg9[%swap3A_856, %swap3A_857], %add3A_854 {strides = array<i32>} : memref<8x128xi32, #tpu.memory_space<vmem>>, vector<16xi32>,
    %convert_element_type3A_859 = arith.sitofp %gather3A_853 : vector<16xi32> to vector<16xf32>
    %swap3A_860 = arith.constant 864 : index
    %swap3A_861 = tpu.vector_load %arg12[%swap3A_860] {strides = array<i32>} : memref<1024xf32, #tpu.memory_space<vmem>>, vector<16xf32>,
    tpu.vector_store %arg12[%swap3A_860], %convert_element_type3A_859 {strides = array<i32>} : memref<1024xf32, #tpu.memory_space<vmem>>, vector<16xf32>,
    %add3A_862 = arith.constant 110 : i32
    %add3A_863 = vector.broadcast %add3A_862 : i32 to vector<16xi32>
    %add3A_864 = arith.addi %shift_right_arithmetic3A_79, %add3A_863 : vector<16xi32>
    %gather3A_865 = tpu.vector_load_idx %arg7[%add3A_864] : memref<128xi32, #tpu.memory_space<vmem>>[vector<16xi32>], vector<16xi32>,
    %gather3A_866 = tpu.vector_load_idx %arg8[%add3A_864] : memref<128xi32, #tpu.memory_space<vmem>>[vector<16xi32>], vector<16xi32>,
    %add3A_867 = arith.addi %gather3A_865, %mul3A_89 : vector<16xi32>
    %swap3A_868 = arith.constant 6 : i32
    %swap3A_869 = arith.index_cast %swap3A_868 : i32 to index
    %swap3A_870 = arith.constant 112 : index
    %swap3A_871 = tpu.vector_load %arg9[%swap3A_869, %swap3A_870] {strides = array<i32>} : memref<8x128xi32, #tpu.memory_space<vmem>>, vector<16xi32>,
    tpu.vector_store %arg9[%swap3A_869, %swap3A_870], %add3A_867 {strides = array<i32>} : memref<8x128xi32, #tpu.memory_space<vmem>>, vector<16xi32>,
    %convert_element_type3A_872 = arith.sitofp %gather3A_866 : vector<16xi32> to vector<16xf32>
    %swap3A_873 = arith.constant 880 : index
    %swap3A_874 = tpu.vector_load %arg12[%swap3A_873] {strides = array<i32>} : memref<1024xf32, #tpu.memory_space<vmem>>, vector<16xf32>,
    tpu.vector_store %arg12[%swap3A_873], %convert_element_type3A_872 {strides = array<i32>} : memref<1024xf32, #tpu.memory_space<vmem>>, vector<16xf32>,
    %dma_start3A_875 = arith.constant 6 : i32
    %dma_start3A_876 = arith.constant 6 : i32
    %dma_start3A_877 = arith.constant 0 : i32
    %dma_start3A_878 = tpu.memref_slice %arg10[%dma_start3A_876, %dma_start3A_877] : memref<8x128xf32, #tpu.memory_space<vmem>> -> memref<1x128xf32, #tpu.memory_space<vmem>>
    %dma_start3A_879 = tpu.memref_squeeze %dma_start3A_878 : memref<1x128xf32, #tpu.memory_space<vmem>> -> memref<128xf32, #tpu.memory_space<vmem>>
    %dma_start3A_880 = arith.constant 0 : i32
    %dma_start3A_881 = tpu.memref_slice %arg9[%dma_start3A_875, %dma_start3A_880] : memref<8x128xi32, #tpu.memory_space<vmem>> -> memref<1x128xi32, #tpu.memory_space<vmem>>
    %dma_start3A_882 = tpu.memref_squeeze %dma_start3A_881 : memref<1x128xi32, #tpu.memory_space<vmem>> -> memref<128xi32, #tpu.memory_space<vmem>>
    %dma_start3A_883 = arith.constant 0 : i32
    %dma_start3A_884 = tpu.memref_slice %arg2[%dma_start3A_883] : memref<16777216xf32, #tpu.memory_space<hbm>> -> memref<16777216xf32, #tpu.memory_space<hbm>>
    tpu.enqueue_indirect_dma source(%dma_start3A_884 : memref<16777216xf32, #tpu.memory_space<hbm>>) target(%dma_start3A_879 : memref<128xf32, #tpu.memory_space<vmem>>) offsets(%dma_start3A_882 : memref<128xi32, #tpu.memory_space<vmem>>) semaphore(%arg16 : memref<!tpu.dma_semaphore, #tpu.memory_space<semaphore_mem>>)
    %add3A_885 = arith.constant 112 : i32
    %add3A_886 = vector.broadcast %add3A_885 : i32 to vector<16xi32>
    %add3A_887 = arith.addi %shift_right_arithmetic3A_79, %add3A_886 : vector<16xi32>
    %gather3A_888 = tpu.vector_load_idx %arg7[%add3A_887] : memref<128xi32, #tpu.memory_space<vmem>>[vector<16xi32>], vector<16xi32>,
    %gather3A_889 = tpu.vector_load_idx %arg8[%add3A_887] : memref<128xi32, #tpu.memory_space<vmem>>[vector<16xi32>], vector<16xi32>,
    %add3A_890 = arith.addi %gather3A_888, %mul3A_89 : vector<16xi32>
    %swap3A_891 = arith.constant 7 : i32
    %swap3A_892 = arith.index_cast %swap3A_891 : i32 to index
    %swap3A_893 = arith.constant 0 : index
    %swap3A_894 = tpu.vector_load %arg9[%swap3A_892, %swap3A_893] {strides = array<i32>} : memref<8x128xi32, #tpu.memory_space<vmem>>, vector<16xi32>,
    tpu.vector_store %arg9[%swap3A_892, %swap3A_893], %add3A_890 {strides = array<i32>} : memref<8x128xi32, #tpu.memory_space<vmem>>, vector<16xi32>,
    %convert_element_type3A_895 = arith.sitofp %gather3A_889 : vector<16xi32> to vector<16xf32>
    %swap3A_896 = arith.constant 896 : index
    %swap3A_897 = tpu.vector_load %arg12[%swap3A_896] {strides = array<i32>} : memref<1024xf32, #tpu.memory_space<vmem>>, vector<16xf32>,
    tpu.vector_store %arg12[%swap3A_896], %convert_element_type3A_895 {strides = array<i32>} : memref<1024xf32, #tpu.memory_space<vmem>>, vector<16xf32>,
    %add3A_898 = arith.constant 114 : i32
    %add3A_899 = vector.broadcast %add3A_898 : i32 to vector<16xi32>
    %add3A_900 = arith.addi %shift_right_arithmetic3A_79, %add3A_899 : vector<16xi32>
    %gather3A_901 = tpu.vector_load_idx %arg7[%add3A_900] : memref<128xi32, #tpu.memory_space<vmem>>[vector<16xi32>], vector<16xi32>,
    %gather3A_902 = tpu.vector_load_idx %arg8[%add3A_900] : memref<128xi32, #tpu.memory_space<vmem>>[vector<16xi32>], vector<16xi32>,
    %add3A_903 = arith.addi %gather3A_901, %mul3A_89 : vector<16xi32>
    %swap3A_904 = arith.constant 7 : i32
    %swap3A_905 = arith.index_cast %swap3A_904 : i32 to index
    %swap3A_906 = arith.constant 16 : index
    %swap3A_907 = tpu.vector_load %arg9[%swap3A_905, %swap3A_906] {strides = array<i32>} : memref<8x128xi32, #tpu.memory_space<vmem>>, vector<16xi32>,
    tpu.vector_store %arg9[%swap3A_905, %swap3A_906], %add3A_903 {strides = array<i32>} : memref<8x128xi32, #tpu.memory_space<vmem>>, vector<16xi32>,
    %convert_element_type3A_908 = arith.sitofp %gather3A_902 : vector<16xi32> to vector<16xf32>
    %swap3A_909 = arith.constant 912 : index
    %swap3A_910 = tpu.vector_load %arg12[%swap3A_909] {strides = array<i32>} : memref<1024xf32, #tpu.memory_space<vmem>>, vector<16xf32>,
    tpu.vector_store %arg12[%swap3A_909], %convert_element_type3A_908 {strides = array<i32>} : memref<1024xf32, #tpu.memory_space<vmem>>, vector<16xf32>,
    %add3A_911 = arith.constant 116 : i32
    %add3A_912 = vector.broadcast %add3A_911 : i32 to vector<16xi32>
    %add3A_913 = arith.addi %shift_right_arithmetic3A_79, %add3A_912 : vector<16xi32>
    %gather3A_914 = tpu.vector_load_idx %arg7[%add3A_913] : memref<128xi32, #tpu.memory_space<vmem>>[vector<16xi32>], vector<16xi32>,
    %gather3A_915 = tpu.vector_load_idx %arg8[%add3A_913] : memref<128xi32, #tpu.memory_space<vmem>>[vector<16xi32>], vector<16xi32>,
    %add3A_916 = arith.addi %gather3A_914, %mul3A_89 : vector<16xi32>
    %swap3A_917 = arith.constant 7 : i32
    %swap3A_918 = arith.index_cast %swap3A_917 : i32 to index
    %swap3A_919 = arith.constant 32 : index
    %swap3A_920 = tpu.vector_load %arg9[%swap3A_918, %swap3A_919] {strides = array<i32>} : memref<8x128xi32, #tpu.memory_space<vmem>>, vector<16xi32>,
    tpu.vector_store %arg9[%swap3A_918, %swap3A_919], %add3A_916 {strides = array<i32>} : memref<8x128xi32, #tpu.memory_space<vmem>>, vector<16xi32>,
    %convert_element_type3A_921 = arith.sitofp %gather3A_915 : vector<16xi32> to vector<16xf32>
    %swap3A_922 = arith.constant 928 : index
    %swap3A_923 = tpu.vector_load %arg12[%swap3A_922] {strides = array<i32>} : memref<1024xf32, #tpu.memory_space<vmem>>, vector<16xf32>,
    tpu.vector_store %arg12[%swap3A_922], %convert_element_type3A_921 {strides = array<i32>} : memref<1024xf32, #tpu.memory_space<vmem>>, vector<16xf32>,
    %add3A_924 = arith.constant 118 : i32
    %add3A_925 = vector.broadcast %add3A_924 : i32 to vector<16xi32>
    %add3A_926 = arith.addi %shift_right_arithmetic3A_79, %add3A_925 : vector<16xi32>
    %gather3A_927 = tpu.vector_load_idx %arg7[%add3A_926] : memref<128xi32, #tpu.memory_space<vmem>>[vector<16xi32>], vector<16xi32>,
    %gather3A_928 = tpu.vector_load_idx %arg8[%add3A_926] : memref<128xi32, #tpu.memory_space<vmem>>[vector<16xi32>], vector<16xi32>,
    %add3A_929 = arith.addi %gather3A_927, %mul3A_89 : vector<16xi32>
    %swap3A_930 = arith.constant 7 : i32
    %swap3A_931 = arith.index_cast %swap3A_930 : i32 to index
    %swap3A_932 = arith.constant 48 : index
    %swap3A_933 = tpu.vector_load %arg9[%swap3A_931, %swap3A_932] {strides = array<i32>} : memref<8x128xi32, #tpu.memory_space<vmem>>, vector<16xi32>,
    tpu.vector_store %arg9[%swap3A_931, %swap3A_932], %add3A_929 {strides = array<i32>} : memref<8x128xi32, #tpu.memory_space<vmem>>, vector<16xi32>,
    %convert_element_type3A_934 = arith.sitofp %gather3A_928 : vector<16xi32> to vector<16xf32>
    %swap3A_935 = arith.constant 944 : index
    %swap3A_936 = tpu.vector_load %arg12[%swap3A_935] {strides = array<i32>} : memref<1024xf32, #tpu.memory_space<vmem>>, vector<16xf32>,
    tpu.vector_store %arg12[%swap3A_935], %convert_element_type3A_934 {strides = array<i32>} : memref<1024xf32, #tpu.memory_space<vmem>>, vector<16xf32>,
    %add3A_937 = arith.constant 120 : i32
    %add3A_938 = vector.broadcast %add3A_937 : i32 to vector<16xi32>
    %add3A_939 = arith.addi %shift_right_arithmetic3A_79, %add3A_938 : vector<16xi32>
    %gather3A_940 = tpu.vector_load_idx %arg7[%add3A_939] : memref<128xi32, #tpu.memory_space<vmem>>[vector<16xi32>], vector<16xi32>,
    %gather3A_941 = tpu.vector_load_idx %arg8[%add3A_939] : memref<128xi32, #tpu.memory_space<vmem>>[vector<16xi32>], vector<16xi32>,
    %add3A_942 = arith.addi %gather3A_940, %mul3A_89 : vector<16xi32>
    %swap3A_943 = arith.constant 7 : i32
    %swap3A_944 = arith.index_cast %swap3A_943 : i32 to index
    %swap3A_945 = arith.constant 64 : index
    %swap3A_946 = tpu.vector_load %arg9[%swap3A_944, %swap3A_945] {strides = array<i32>} : memref<8x128xi32, #tpu.memory_space<vmem>>, vector<16xi32>,
    tpu.vector_store %arg9[%swap3A_944, %swap3A_945], %add3A_942 {strides = array<i32>} : memref<8x128xi32, #tpu.memory_space<vmem>>, vector<16xi32>,
    %convert_element_type3A_947 = arith.sitofp %gather3A_941 : vector<16xi32> to vector<16xf32>
    %swap3A_948 = arith.constant 960 : index
    %swap3A_949 = tpu.vector_load %arg12[%swap3A_948] {strides = array<i32>} : memref<1024xf32, #tpu.memory_space<vmem>>, vector<16xf32>,
    tpu.vector_store %arg12[%swap3A_948], %convert_element_type3A_947 {strides = array<i32>} : memref<1024xf32, #tpu.memory_space<vmem>>, vector<16xf32>,
    %add3A_950 = arith.constant 122 : i32
    %add3A_951 = vector.broadcast %add3A_950 : i32 to vector<16xi32>
    %add3A_952 = arith.addi %shift_right_arithmetic3A_79, %add3A_951 : vector<16xi32>
    %gather3A_953 = tpu.vector_load_idx %arg7[%add3A_952] : memref<128xi32, #tpu.memory_space<vmem>>[vector<16xi32>], vector<16xi32>,
    %gather3A_954 = tpu.vector_load_idx %arg8[%add3A_952] : memref<128xi32, #tpu.memory_space<vmem>>[vector<16xi32>], vector<16xi32>,
    %add3A_955 = arith.addi %gather3A_953, %mul3A_89 : vector<16xi32>
    %swap3A_956 = arith.constant 7 : i32
    %swap3A_957 = arith.index_cast %swap3A_956 : i32 to index
    %swap3A_958 = arith.constant 80 : index
    %swap3A_959 = tpu.vector_load %arg9[%swap3A_957, %swap3A_958] {strides = array<i32>} : memref<8x128xi32, #tpu.memory_space<vmem>>, vector<16xi32>,
    tpu.vector_store %arg9[%swap3A_957, %swap3A_958], %add3A_955 {strides = array<i32>} : memref<8x128xi32, #tpu.memory_space<vmem>>, vector<16xi32>,
    %convert_element_type3A_960 = arith.sitofp %gather3A_954 : vector<16xi32> to vector<16xf32>
    %swap3A_961 = arith.constant 976 : index
    %swap3A_962 = tpu.vector_load %arg12[%swap3A_961] {strides = array<i32>} : memref<1024xf32, #tpu.memory_space<vmem>>, vector<16xf32>,
    tpu.vector_store %arg12[%swap3A_961], %convert_element_type3A_960 {strides = array<i32>} : memref<1024xf32, #tpu.memory_space<vmem>>, vector<16xf32>,
    %add3A_963 = arith.constant 124 : i32
    %add3A_964 = vector.broadcast %add3A_963 : i32 to vector<16xi32>
    %add3A_965 = arith.addi %shift_right_arithmetic3A_79, %add3A_964 : vector<16xi32>
    %gather3A_966 = tpu.vector_load_idx %arg7[%add3A_965] : memref<128xi32, #tpu.memory_space<vmem>>[vector<16xi32>], vector<16xi32>,
    %gather3A_967 = tpu.vector_load_idx %arg8[%add3A_965] : memref<128xi32, #tpu.memory_space<vmem>>[vector<16xi32>], vector<16xi32>,
    %add3A_968 = arith.addi %gather3A_966, %mul3A_89 : vector<16xi32>
    %swap3A_969 = arith.constant 7 : i32
    %swap3A_970 = arith.index_cast %swap3A_969 : i32 to index
    %swap3A_971 = arith.constant 96 : index
    %swap3A_972 = tpu.vector_load %arg9[%swap3A_970, %swap3A_971] {strides = array<i32>} : memref<8x128xi32, #tpu.memory_space<vmem>>, vector<16xi32>,
    tpu.vector_store %arg9[%swap3A_970, %swap3A_971], %add3A_968 {strides = array<i32>} : memref<8x128xi32, #tpu.memory_space<vmem>>, vector<16xi32>,
    %convert_element_type3A_973 = arith.sitofp %gather3A_967 : vector<16xi32> to vector<16xf32>
    %swap3A_974 = arith.constant 992 : index
    %swap3A_975 = tpu.vector_load %arg12[%swap3A_974] {strides = array<i32>} : memref<1024xf32, #tpu.memory_space<vmem>>, vector<16xf32>,
    tpu.vector_store %arg12[%swap3A_974], %convert_element_type3A_973 {strides = array<i32>} : memref<1024xf32, #tpu.memory_space<vmem>>, vector<16xf32>,
    %add3A_976 = arith.constant 126 : i32
    %add3A_977 = vector.broadcast %add3A_976 : i32 to vector<16xi32>
    %add3A_978 = arith.addi %shift_right_arithmetic3A_79, %add3A_977 : vector<16xi32>
    %gather3A_979 = tpu.vector_load_idx %arg7[%add3A_978] : memref<128xi32, #tpu.memory_space<vmem>>[vector<16xi32>], vector<16xi32>,
    %gather3A_980 = tpu.vector_load_idx %arg8[%add3A_978] : memref<128xi32, #tpu.memory_space<vmem>>[vector<16xi32>], vector<16xi32>,
    %add3A_981 = arith.addi %gather3A_979, %mul3A_89 : vector<16xi32>
    %swap3A_982 = arith.constant 7 : i32
    %swap3A_983 = arith.index_cast %swap3A_982 : i32 to index
    %swap3A_984 = arith.constant 112 : index
    %swap3A_985 = tpu.vector_load %arg9[%swap3A_983, %swap3A_984] {strides = array<i32>} : memref<8x128xi32, #tpu.memory_space<vmem>>, vector<16xi32>,
    tpu.vector_store %arg9[%swap3A_983, %swap3A_984], %add3A_981 {strides = array<i32>} : memref<8x128xi32, #tpu.memory_space<vmem>>, vector<16xi32>,
    %convert_element_type3A_986 = arith.sitofp %gather3A_980 : vector<16xi32> to vector<16xf32>
    %swap3A_987 = arith.constant 1008 : index
    %swap3A_988 = tpu.vector_load %arg12[%swap3A_987] {strides = array<i32>} : memref<1024xf32, #tpu.memory_space<vmem>>, vector<16xf32>,
    tpu.vector_store %arg12[%swap3A_987], %convert_element_type3A_986 {strides = array<i32>} : memref<1024xf32, #tpu.memory_space<vmem>>, vector<16xf32>,
    %dma_start3A_989 = arith.constant 7 : i32
    %dma_start3A_990 = arith.constant 7 : i32
    %dma_start3A_991 = arith.constant 0 : i32
    %dma_start3A_992 = tpu.memref_slice %arg10[%dma_start3A_990, %dma_start3A_991] : memref<8x128xf32, #tpu.memory_space<vmem>> -> memref<1x128xf32, #tpu.memory_space<vmem>>
    %dma_start3A_993 = tpu.memref_squeeze %dma_start3A_992 : memref<1x128xf32, #tpu.memory_space<vmem>> -> memref<128xf32, #tpu.memory_space<vmem>>
    %dma_start3A_994 = arith.constant 0 : i32
    %dma_start3A_995 = tpu.memref_slice %arg9[%dma_start3A_989, %dma_start3A_994] : memref<8x128xi32, #tpu.memory_space<vmem>> -> memref<1x128xi32, #tpu.memory_space<vmem>>
    %dma_start3A_996 = tpu.memref_squeeze %dma_start3A_995 : memref<1x128xi32, #tpu.memory_space<vmem>> -> memref<128xi32, #tpu.memory_space<vmem>>
    %dma_start3A_997 = arith.constant 0 : i32
    %dma_start3A_998 = tpu.memref_slice %arg2[%dma_start3A_997] : memref<16777216xf32, #tpu.memory_space<hbm>> -> memref<16777216xf32, #tpu.memory_space<hbm>>
    tpu.enqueue_indirect_dma source(%dma_start3A_998 : memref<16777216xf32, #tpu.memory_space<hbm>>) target(%dma_start3A_993 : memref<128xf32, #tpu.memory_space<vmem>>) offsets(%dma_start3A_996 : memref<128xi32, #tpu.memory_space<vmem>>) semaphore(%arg16 : memref<!tpu.dma_semaphore, #tpu.memory_space<semaphore_mem>>)
    %dma_wait3A_999 = tpu.memref_slice %arg5[%add3A_72] : memref<32768xf32, #tpu.memory_space<hbm>> -> memref<1024xf32, #tpu.memory_space<hbm>>
    %dma_wait3A_1000 = tpu.memref_slice %arg5[%add3A_72] : memref<32768xf32, #tpu.memory_space<hbm>> -> memref<1024xf32, #tpu.memory_space<hbm>>
    tpu.wait_dma2 semaphore(%arg18 : memref<!tpu.dma_semaphore, #tpu.memory_space<semaphore_mem>>) src(%dma_wait3A_1000 : memref<1024xf32, #tpu.memory_space<hbm>>) dst(%arg11 : memref<1024xf32, #tpu.memory_space<vmem>>)
    %dma_wait3A_1001 = arith.constant 0 : i32
    %dma_wait3A_1002 = arith.constant 0 : i32
    %dma_wait3A_1003 = arith.constant 0 : i32
    %dma_wait3A_1004 = tpu.memref_slice %arg10[%dma_wait3A_1002, %dma_wait3A_1003] : memref<8x128xf32, #tpu.memory_space<vmem>> -> memref<1x128xf32, #tpu.memory_space<vmem>>
    %dma_wait3A_1005 = tpu.memref_squeeze %dma_wait3A_1004 : memref<1x128xf32, #tpu.memory_space<vmem>> -> memref<128xf32, #tpu.memory_space<vmem>>
    %dma_wait3A_1006 = arith.constant 0 : i32
    %dma_wait3A_1007 = tpu.memref_slice %arg9[%dma_wait3A_1001, %dma_wait3A_1006] : memref<8x128xi32, #tpu.memory_space<vmem>> -> memref<1x128xi32, #tpu.memory_space<vmem>>
    %dma_wait3A_1008 = tpu.memref_squeeze %dma_wait3A_1007 : memref<1x128xi32, #tpu.memory_space<vmem>> -> memref<128xi32, #tpu.memory_space<vmem>>
    %dma_wait3A_1009 = arith.constant 0 : i32
    %dma_wait3A_1010 = tpu.memref_slice %arg2[%dma_wait3A_1009] : memref<16777216xf32, #tpu.memory_space<hbm>> -> memref<16777216xf32, #tpu.memory_space<hbm>>
    tpu.wait_indirect_dma semaphore(%arg16 : memref<!tpu.dma_semaphore, #tpu.memory_space<semaphore_mem>>) src(%dma_wait3A_1010 : memref<16777216xf32, #tpu.memory_space<hbm>>) dst(%dma_wait3A_1005 : memref<128xf32, #tpu.memory_space<vmem>>)
    %dma_wait3A_1011 = arith.constant 1 : i32
    %dma_wait3A_1012 = arith.constant 1 : i32
    %dma_wait3A_1013 = arith.constant 0 : i32
    %dma_wait3A_1014 = tpu.memref_slice %arg10[%dma_wait3A_1012, %dma_wait3A_1013] : memref<8x128xf32, #tpu.memory_space<vmem>> -> memref<1x128xf32, #tpu.memory_space<vmem>>
    %dma_wait3A_1015 = tpu.memref_squeeze %dma_wait3A_1014 : memref<1x128xf32, #tpu.memory_space<vmem>> -> memref<128xf32, #tpu.memory_space<vmem>>
    %dma_wait3A_1016 = arith.constant 0 : i32
    %dma_wait3A_1017 = tpu.memref_slice %arg9[%dma_wait3A_1011, %dma_wait3A_1016] : memref<8x128xi32, #tpu.memory_space<vmem>> -> memref<1x128xi32, #tpu.memory_space<vmem>>
    %dma_wait3A_1018 = tpu.memref_squeeze %dma_wait3A_1017 : memref<1x128xi32, #tpu.memory_space<vmem>> -> memref<128xi32, #tpu.memory_space<vmem>>
    %dma_wait3A_1019 = arith.constant 0 : i32
    %dma_wait3A_1020 = tpu.memref_slice %arg2[%dma_wait3A_1019] : memref<16777216xf32, #tpu.memory_space<hbm>> -> memref<16777216xf32, #tpu.memory_space<hbm>>
    tpu.wait_indirect_dma semaphore(%arg16 : memref<!tpu.dma_semaphore, #tpu.memory_space<semaphore_mem>>) src(%dma_wait3A_1020 : memref<16777216xf32, #tpu.memory_space<hbm>>) dst(%dma_wait3A_1015 : memref<128xf32, #tpu.memory_space<vmem>>)
    %dma_wait3A_1021 = arith.constant 2 : i32
    %dma_wait3A_1022 = arith.constant 2 : i32
    %dma_wait3A_1023 = arith.constant 0 : i32
    %dma_wait3A_1024 = tpu.memref_slice %arg10[%dma_wait3A_1022, %dma_wait3A_1023] : memref<8x128xf32, #tpu.memory_space<vmem>> -> memref<1x128xf32, #tpu.memory_space<vmem>>
    %dma_wait3A_1025 = tpu.memref_squeeze %dma_wait3A_1024 : memref<1x128xf32, #tpu.memory_space<vmem>> -> memref<128xf32, #tpu.memory_space<vmem>>
    %dma_wait3A_1026 = arith.constant 0 : i32
    %dma_wait3A_1027 = tpu.memref_slice %arg9[%dma_wait3A_1021, %dma_wait3A_1026] : memref<8x128xi32, #tpu.memory_space<vmem>> -> memref<1x128xi32, #tpu.memory_space<vmem>>
    %dma_wait3A_1028 = tpu.memref_squeeze %dma_wait3A_1027 : memref<1x128xi32, #tpu.memory_space<vmem>> -> memref<128xi32, #tpu.memory_space<vmem>>
    %dma_wait3A_1029 = arith.constant 0 : i32
    %dma_wait3A_1030 = tpu.memref_slice %arg2[%dma_wait3A_1029] : memref<16777216xf32, #tpu.memory_space<hbm>> -> memref<16777216xf32, #tpu.memory_space<hbm>>
    tpu.wait_indirect_dma semaphore(%arg16 : memref<!tpu.dma_semaphore, #tpu.memory_space<semaphore_mem>>) src(%dma_wait3A_1030 : memref<16777216xf32, #tpu.memory_space<hbm>>) dst(%dma_wait3A_1025 : memref<128xf32, #tpu.memory_space<vmem>>)
    %dma_wait3A_1031 = arith.constant 3 : i32
    %dma_wait3A_1032 = arith.constant 3 : i32
    %dma_wait3A_1033 = arith.constant 0 : i32
    %dma_wait3A_1034 = tpu.memref_slice %arg10[%dma_wait3A_1032, %dma_wait3A_1033] : memref<8x128xf32, #tpu.memory_space<vmem>> -> memref<1x128xf32, #tpu.memory_space<vmem>>
    %dma_wait3A_1035 = tpu.memref_squeeze %dma_wait3A_1034 : memref<1x128xf32, #tpu.memory_space<vmem>> -> memref<128xf32, #tpu.memory_space<vmem>>
    %dma_wait3A_1036 = arith.constant 0 : i32
    %dma_wait3A_1037 = tpu.memref_slice %arg9[%dma_wait3A_1031, %dma_wait3A_1036] : memref<8x128xi32, #tpu.memory_space<vmem>> -> memref<1x128xi32, #tpu.memory_space<vmem>>
    %dma_wait3A_1038 = tpu.memref_squeeze %dma_wait3A_1037 : memref<1x128xi32, #tpu.memory_space<vmem>> -> memref<128xi32, #tpu.memory_space<vmem>>
    %dma_wait3A_1039 = arith.constant 0 : i32
    %dma_wait3A_1040 = tpu.memref_slice %arg2[%dma_wait3A_1039] : memref<16777216xf32, #tpu.memory_space<hbm>> -> memref<16777216xf32, #tpu.memory_space<hbm>>
    tpu.wait_indirect_dma semaphore(%arg16 : memref<!tpu.dma_semaphore, #tpu.memory_space<semaphore_mem>>) src(%dma_wait3A_1040 : memref<16777216xf32, #tpu.memory_space<hbm>>) dst(%dma_wait3A_1035 : memref<128xf32, #tpu.memory_space<vmem>>)
    %dma_wait3A_1041 = arith.constant 4 : i32
    %dma_wait3A_1042 = arith.constant 4 : i32
    %dma_wait3A_1043 = arith.constant 0 : i32
    %dma_wait3A_1044 = tpu.memref_slice %arg10[%dma_wait3A_1042, %dma_wait3A_1043] : memref<8x128xf32, #tpu.memory_space<vmem>> -> memref<1x128xf32, #tpu.memory_space<vmem>>
    %dma_wait3A_1045 = tpu.memref_squeeze %dma_wait3A_1044 : memref<1x128xf32, #tpu.memory_space<vmem>> -> memref<128xf32, #tpu.memory_space<vmem>>
    %dma_wait3A_1046 = arith.constant 0 : i32
    %dma_wait3A_1047 = tpu.memref_slice %arg9[%dma_wait3A_1041, %dma_wait3A_1046] : memref<8x128xi32, #tpu.memory_space<vmem>> -> memref<1x128xi32, #tpu.memory_space<vmem>>
    %dma_wait3A_1048 = tpu.memref_squeeze %dma_wait3A_1047 : memref<1x128xi32, #tpu.memory_space<vmem>> -> memref<128xi32, #tpu.memory_space<vmem>>
    %dma_wait3A_1049 = arith.constant 0 : i32
    %dma_wait3A_1050 = tpu.memref_slice %arg2[%dma_wait3A_1049] : memref<16777216xf32, #tpu.memory_space<hbm>> -> memref<16777216xf32, #tpu.memory_space<hbm>>
    tpu.wait_indirect_dma semaphore(%arg16 : memref<!tpu.dma_semaphore, #tpu.memory_space<semaphore_mem>>) src(%dma_wait3A_1050 : memref<16777216xf32, #tpu.memory_space<hbm>>) dst(%dma_wait3A_1045 : memref<128xf32, #tpu.memory_space<vmem>>)
    %dma_wait3A_1051 = arith.constant 5 : i32
    %dma_wait3A_1052 = arith.constant 5 : i32
    %dma_wait3A_1053 = arith.constant 0 : i32
    %dma_wait3A_1054 = tpu.memref_slice %arg10[%dma_wait3A_1052, %dma_wait3A_1053] : memref<8x128xf32, #tpu.memory_space<vmem>> -> memref<1x128xf32, #tpu.memory_space<vmem>>
    %dma_wait3A_1055 = tpu.memref_squeeze %dma_wait3A_1054 : memref<1x128xf32, #tpu.memory_space<vmem>> -> memref<128xf32, #tpu.memory_space<vmem>>
    %dma_wait3A_1056 = arith.constant 0 : i32
    %dma_wait3A_1057 = tpu.memref_slice %arg9[%dma_wait3A_1051, %dma_wait3A_1056] : memref<8x128xi32, #tpu.memory_space<vmem>> -> memref<1x128xi32, #tpu.memory_space<vmem>>
    %dma_wait3A_1058 = tpu.memref_squeeze %dma_wait3A_1057 : memref<1x128xi32, #tpu.memory_space<vmem>> -> memref<128xi32, #tpu.memory_space<vmem>>
    %dma_wait3A_1059 = arith.constant 0 : i32
    %dma_wait3A_1060 = tpu.memref_slice %arg2[%dma_wait3A_1059] : memref<16777216xf32, #tpu.memory_space<hbm>> -> memref<16777216xf32, #tpu.memory_space<hbm>>
    tpu.wait_indirect_dma semaphore(%arg16 : memref<!tpu.dma_semaphore, #tpu.memory_space<semaphore_mem>>) src(%dma_wait3A_1060 : memref<16777216xf32, #tpu.memory_space<hbm>>) dst(%dma_wait3A_1055 : memref<128xf32, #tpu.memory_space<vmem>>)
    %dma_wait3A_1061 = arith.constant 6 : i32
    %dma_wait3A_1062 = arith.constant 6 : i32
    %dma_wait3A_1063 = arith.constant 0 : i32
    %dma_wait3A_1064 = tpu.memref_slice %arg10[%dma_wait3A_1062, %dma_wait3A_1063] : memref<8x128xf32, #tpu.memory_space<vmem>> -> memref<1x128xf32, #tpu.memory_space<vmem>>
    %dma_wait3A_1065 = tpu.memref_squeeze %dma_wait3A_1064 : memref<1x128xf32, #tpu.memory_space<vmem>> -> memref<128xf32, #tpu.memory_space<vmem>>
    %dma_wait3A_1066 = arith.constant 0 : i32
    %dma_wait3A_1067 = tpu.memref_slice %arg9[%dma_wait3A_1061, %dma_wait3A_1066] : memref<8x128xi32, #tpu.memory_space<vmem>> -> memref<1x128xi32, #tpu.memory_space<vmem>>
    %dma_wait3A_1068 = tpu.memref_squeeze %dma_wait3A_1067 : memref<1x128xi32, #tpu.memory_space<vmem>> -> memref<128xi32, #tpu.memory_space<vmem>>
    %dma_wait3A_1069 = arith.constant 0 : i32
    %dma_wait3A_1070 = tpu.memref_slice %arg2[%dma_wait3A_1069] : memref<16777216xf32, #tpu.memory_space<hbm>> -> memref<16777216xf32, #tpu.memory_space<hbm>>
    tpu.wait_indirect_dma semaphore(%arg16 : memref<!tpu.dma_semaphore, #tpu.memory_space<semaphore_mem>>) src(%dma_wait3A_1070 : memref<16777216xf32, #tpu.memory_space<hbm>>) dst(%dma_wait3A_1065 : memref<128xf32, #tpu.memory_space<vmem>>)
    %dma_wait3A_1071 = arith.constant 7 : i32
    %dma_wait3A_1072 = arith.constant 7 : i32
    %dma_wait3A_1073 = arith.constant 0 : i32
    %dma_wait3A_1074 = tpu.memref_slice %arg10[%dma_wait3A_1072, %dma_wait3A_1073] : memref<8x128xf32, #tpu.memory_space<vmem>> -> memref<1x128xf32, #tpu.memory_space<vmem>>
    %dma_wait3A_1075 = tpu.memref_squeeze %dma_wait3A_1074 : memref<1x128xf32, #tpu.memory_space<vmem>> -> memref<128xf32, #tpu.memory_space<vmem>>
    %dma_wait3A_1076 = arith.constant 0 : i32
    %dma_wait3A_1077 = tpu.memref_slice %arg9[%dma_wait3A_1071, %dma_wait3A_1076] : memref<8x128xi32, #tpu.memory_space<vmem>> -> memref<1x128xi32, #tpu.memory_space<vmem>>
    %dma_wait3A_1078 = tpu.memref_squeeze %dma_wait3A_1077 : memref<1x128xi32, #tpu.memory_space<vmem>> -> memref<128xi32, #tpu.memory_space<vmem>>
    %dma_wait3A_1079 = arith.constant 0 : i32
    %dma_wait3A_1080 = tpu.memref_slice %arg2[%dma_wait3A_1079] : memref<16777216xf32, #tpu.memory_space<hbm>> -> memref<16777216xf32, #tpu.memory_space<hbm>>
    tpu.wait_indirect_dma semaphore(%arg16 : memref<!tpu.dma_semaphore, #tpu.memory_space<semaphore_mem>>) src(%dma_wait3A_1080 : memref<16777216xf32, #tpu.memory_space<hbm>>) dst(%dma_wait3A_1075 : memref<128xf32, #tpu.memory_space<vmem>>)
    %broadcast_in_dim3A = arith.constant 0.000000e+00 : f32
    %broadcast_in_dim3A_1081 = vector.broadcast %broadcast_in_dim3A : f32 to vector<16xf32>
    %get3A = arith.constant 0 : index
    %get3A_1082 = tpu.vector_load %arg11[%get3A] {strides = array<i32>} : memref<1024xf32, #tpu.memory_space<vmem>>, vector<16xf32>,
    %get3A_1083 = arith.constant 0 : i32
    %get3A_1084 = arith.index_cast %get3A_1083 : i32 to index
    %get3A_1085 = arith.constant 0 : index
    %get3A_1086 = tpu.vector_load %arg10[%get3A_1084, %get3A_1085] {strides = array<i32>} : memref<8x128xf32, #tpu.memory_space<vmem>>, vector<16xf32>,
    %get3A_1087 = arith.constant 0 : index
    %get3A_1088 = tpu.vector_load %arg12[%get3A_1087] {strides = array<i32>} : memref<1024xf32, #tpu.memory_space<vmem>>, vector<16xf32>,
    %sub3A_1089 = arith.subf %get3A_1082, %get3A_1086 : vector<16xf32>
    %abs3A = math.absf %sub3A_1089 : vector<16xf32>
    %mul3A_1090 = arith.mulf %abs3A, %get3A_1088 : vector<16xf32>
    %add3A_1091 = arith.addf %broadcast_in_dim3A_1081, %mul3A_1090 : vector<16xf32>
    %get3A_1092 = arith.constant 16 : index
    %get3A_1093 = tpu.vector_load %arg11[%get3A_1092] {strides = array<i32>} : memref<1024xf32, #tpu.memory_space<vmem>>, vector<16xf32>,
    %get3A_1094 = arith.constant 0 : i32
    %get3A_1095 = arith.index_cast %get3A_1094 : i32 to index
    %get3A_1096 = arith.constant 16 : index
    %get3A_1097 = tpu.vector_load %arg10[%get3A_1095, %get3A_1096] {strides = array<i32>} : memref<8x128xf32, #tpu.memory_space<vmem>>, vector<16xf32>,
    %get3A_1098 = arith.constant 16 : index
    %get3A_1099 = tpu.vector_load %arg12[%get3A_1098] {strides = array<i32>} : memref<1024xf32, #tpu.memory_space<vmem>>, vector<16xf32>,
    %sub3A_1100 = arith.subf %get3A_1093, %get3A_1097 : vector<16xf32>
    %abs3A_1101 = math.absf %sub3A_1100 : vector<16xf32>
    %mul3A_1102 = arith.mulf %abs3A_1101, %get3A_1099 : vector<16xf32>
    %add3A_1103 = arith.addf %add3A_1091, %mul3A_1102 : vector<16xf32>
    %get3A_1104 = arith.constant 32 : index
    %get3A_1105 = tpu.vector_load %arg11[%get3A_1104] {strides = array<i32>} : memref<1024xf32, #tpu.memory_space<vmem>>, vector<16xf32>,
    %get3A_1106 = arith.constant 0 : i32
    %get3A_1107 = arith.index_cast %get3A_1106 : i32 to index
    %get3A_1108 = arith.constant 32 : index
    %get3A_1109 = tpu.vector_load %arg10[%get3A_1107, %get3A_1108] {strides = array<i32>} : memref<8x128xf32, #tpu.memory_space<vmem>>, vector<16xf32>,
    %get3A_1110 = arith.constant 32 : index
    %get3A_1111 = tpu.vector_load %arg12[%get3A_1110] {strides = array<i32>} : memref<1024xf32, #tpu.memory_space<vmem>>, vector<16xf32>,
    %sub3A_1112 = arith.subf %get3A_1105, %get3A_1109 : vector<16xf32>
    %abs3A_1113 = math.absf %sub3A_1112 : vector<16xf32>
    %mul3A_1114 = arith.mulf %abs3A_1113, %get3A_1111 : vector<16xf32>
    %add3A_1115 = arith.addf %add3A_1103, %mul3A_1114 : vector<16xf32>
    %get3A_1116 = arith.constant 48 : index
    %get3A_1117 = tpu.vector_load %arg11[%get3A_1116] {strides = array<i32>} : memref<1024xf32, #tpu.memory_space<vmem>>, vector<16xf32>,
    %get3A_1118 = arith.constant 0 : i32
    %get3A_1119 = arith.index_cast %get3A_1118 : i32 to index
    %get3A_1120 = arith.constant 48 : index
    %get3A_1121 = tpu.vector_load %arg10[%get3A_1119, %get3A_1120] {strides = array<i32>} : memref<8x128xf32, #tpu.memory_space<vmem>>, vector<16xf32>,
    %get3A_1122 = arith.constant 48 : index
    %get3A_1123 = tpu.vector_load %arg12[%get3A_1122] {strides = array<i32>} : memref<1024xf32, #tpu.memory_space<vmem>>, vector<16xf32>,
    %sub3A_1124 = arith.subf %get3A_1117, %get3A_1121 : vector<16xf32>
    %abs3A_1125 = math.absf %sub3A_1124 : vector<16xf32>
    %mul3A_1126 = arith.mulf %abs3A_1125, %get3A_1123 : vector<16xf32>
    %add3A_1127 = arith.addf %add3A_1115, %mul3A_1126 : vector<16xf32>
    %get3A_1128 = arith.constant 64 : index
    %get3A_1129 = tpu.vector_load %arg11[%get3A_1128] {strides = array<i32>} : memref<1024xf32, #tpu.memory_space<vmem>>, vector<16xf32>,
    %get3A_1130 = arith.constant 0 : i32
    %get3A_1131 = arith.index_cast %get3A_1130 : i32 to index
    %get3A_1132 = arith.constant 64 : index
    %get3A_1133 = tpu.vector_load %arg10[%get3A_1131, %get3A_1132] {strides = array<i32>} : memref<8x128xf32, #tpu.memory_space<vmem>>, vector<16xf32>,
    %get3A_1134 = arith.constant 64 : index
    %get3A_1135 = tpu.vector_load %arg12[%get3A_1134] {strides = array<i32>} : memref<1024xf32, #tpu.memory_space<vmem>>, vector<16xf32>,
    %sub3A_1136 = arith.subf %get3A_1129, %get3A_1133 : vector<16xf32>
    %abs3A_1137 = math.absf %sub3A_1136 : vector<16xf32>
    %mul3A_1138 = arith.mulf %abs3A_1137, %get3A_1135 : vector<16xf32>
    %add3A_1139 = arith.addf %add3A_1127, %mul3A_1138 : vector<16xf32>
    %get3A_1140 = arith.constant 80 : index
    %get3A_1141 = tpu.vector_load %arg11[%get3A_1140] {strides = array<i32>} : memref<1024xf32, #tpu.memory_space<vmem>>, vector<16xf32>,
    %get3A_1142 = arith.constant 0 : i32
    %get3A_1143 = arith.index_cast %get3A_1142 : i32 to index
    %get3A_1144 = arith.constant 80 : index
    %get3A_1145 = tpu.vector_load %arg10[%get3A_1143, %get3A_1144] {strides = array<i32>} : memref<8x128xf32, #tpu.memory_space<vmem>>, vector<16xf32>,
    %get3A_1146 = arith.constant 80 : index
    %get3A_1147 = tpu.vector_load %arg12[%get3A_1146] {strides = array<i32>} : memref<1024xf32, #tpu.memory_space<vmem>>, vector<16xf32>,
    %sub3A_1148 = arith.subf %get3A_1141, %get3A_1145 : vector<16xf32>
    %abs3A_1149 = math.absf %sub3A_1148 : vector<16xf32>
    %mul3A_1150 = arith.mulf %abs3A_1149, %get3A_1147 : vector<16xf32>
    %add3A_1151 = arith.addf %add3A_1139, %mul3A_1150 : vector<16xf32>
    %get3A_1152 = arith.constant 96 : index
    %get3A_1153 = tpu.vector_load %arg11[%get3A_1152] {strides = array<i32>} : memref<1024xf32, #tpu.memory_space<vmem>>, vector<16xf32>,
    %get3A_1154 = arith.constant 0 : i32
    %get3A_1155 = arith.index_cast %get3A_1154 : i32 to index
    %get3A_1156 = arith.constant 96 : index
    %get3A_1157 = tpu.vector_load %arg10[%get3A_1155, %get3A_1156] {strides = array<i32>} : memref<8x128xf32, #tpu.memory_space<vmem>>, vector<16xf32>,
    %get3A_1158 = arith.constant 96 : index
    %get3A_1159 = tpu.vector_load %arg12[%get3A_1158] {strides = array<i32>} : memref<1024xf32, #tpu.memory_space<vmem>>, vector<16xf32>,
    %sub3A_1160 = arith.subf %get3A_1153, %get3A_1157 : vector<16xf32>
    %abs3A_1161 = math.absf %sub3A_1160 : vector<16xf32>
    %mul3A_1162 = arith.mulf %abs3A_1161, %get3A_1159 : vector<16xf32>
    %add3A_1163 = arith.addf %add3A_1151, %mul3A_1162 : vector<16xf32>
    %get3A_1164 = arith.constant 112 : index
    %get3A_1165 = tpu.vector_load %arg11[%get3A_1164] {strides = array<i32>} : memref<1024xf32, #tpu.memory_space<vmem>>, vector<16xf32>,
    %get3A_1166 = arith.constant 0 : i32
    %get3A_1167 = arith.index_cast %get3A_1166 : i32 to index
    %get3A_1168 = arith.constant 112 : index
    %get3A_1169 = tpu.vector_load %arg10[%get3A_1167, %get3A_1168] {strides = array<i32>} : memref<8x128xf32, #tpu.memory_space<vmem>>, vector<16xf32>,
    %get3A_1170 = arith.constant 112 : index
    %get3A_1171 = tpu.vector_load %arg12[%get3A_1170] {strides = array<i32>} : memref<1024xf32, #tpu.memory_space<vmem>>, vector<16xf32>,
    %sub3A_1172 = arith.subf %get3A_1165, %get3A_1169 : vector<16xf32>
    %abs3A_1173 = math.absf %sub3A_1172 : vector<16xf32>
    %mul3A_1174 = arith.mulf %abs3A_1173, %get3A_1171 : vector<16xf32>
    %add3A_1175 = arith.addf %add3A_1163, %mul3A_1174 : vector<16xf32>
    %get3A_1176 = arith.constant 128 : index
    %get3A_1177 = tpu.vector_load %arg11[%get3A_1176] {strides = array<i32>} : memref<1024xf32, #tpu.memory_space<vmem>>, vector<16xf32>,
    %get3A_1178 = arith.constant 1 : i32
    %get3A_1179 = arith.index_cast %get3A_1178 : i32 to index
    %get3A_1180 = arith.constant 0 : index
    %get3A_1181 = tpu.vector_load %arg10[%get3A_1179, %get3A_1180] {strides = array<i32>} : memref<8x128xf32, #tpu.memory_space<vmem>>, vector<16xf32>,
    %get3A_1182 = arith.constant 128 : index
    %get3A_1183 = tpu.vector_load %arg12[%get3A_1182] {strides = array<i32>} : memref<1024xf32, #tpu.memory_space<vmem>>, vector<16xf32>,
    %sub3A_1184 = arith.subf %get3A_1177, %get3A_1181 : vector<16xf32>
    %abs3A_1185 = math.absf %sub3A_1184 : vector<16xf32>
    %mul3A_1186 = arith.mulf %abs3A_1185, %get3A_1183 : vector<16xf32>
    %add3A_1187 = arith.addf %add3A_1175, %mul3A_1186 : vector<16xf32>
    %get3A_1188 = arith.constant 144 : index
    %get3A_1189 = tpu.vector_load %arg11[%get3A_1188] {strides = array<i32>} : memref<1024xf32, #tpu.memory_space<vmem>>, vector<16xf32>,
    %get3A_1190 = arith.constant 1 : i32
    %get3A_1191 = arith.index_cast %get3A_1190 : i32 to index
    %get3A_1192 = arith.constant 16 : index
    %get3A_1193 = tpu.vector_load %arg10[%get3A_1191, %get3A_1192] {strides = array<i32>} : memref<8x128xf32, #tpu.memory_space<vmem>>, vector<16xf32>,
    %get3A_1194 = arith.constant 144 : index
    %get3A_1195 = tpu.vector_load %arg12[%get3A_1194] {strides = array<i32>} : memref<1024xf32, #tpu.memory_space<vmem>>, vector<16xf32>,
    %sub3A_1196 = arith.subf %get3A_1189, %get3A_1193 : vector<16xf32>
    %abs3A_1197 = math.absf %sub3A_1196 : vector<16xf32>
    %mul3A_1198 = arith.mulf %abs3A_1197, %get3A_1195 : vector<16xf32>
    %add3A_1199 = arith.addf %add3A_1187, %mul3A_1198 : vector<16xf32>
    %get3A_1200 = arith.constant 160 : index
    %get3A_1201 = tpu.vector_load %arg11[%get3A_1200] {strides = array<i32>} : memref<1024xf32, #tpu.memory_space<vmem>>, vector<16xf32>,
    %get3A_1202 = arith.constant 1 : i32
    %get3A_1203 = arith.index_cast %get3A_1202 : i32 to index
    %get3A_1204 = arith.constant 32 : index
    %get3A_1205 = tpu.vector_load %arg10[%get3A_1203, %get3A_1204] {strides = array<i32>} : memref<8x128xf32, #tpu.memory_space<vmem>>, vector<16xf32>,
    %get3A_1206 = arith.constant 160 : index
    %get3A_1207 = tpu.vector_load %arg12[%get3A_1206] {strides = array<i32>} : memref<1024xf32, #tpu.memory_space<vmem>>, vector<16xf32>,
    %sub3A_1208 = arith.subf %get3A_1201, %get3A_1205 : vector<16xf32>
    %abs3A_1209 = math.absf %sub3A_1208 : vector<16xf32>
    %mul3A_1210 = arith.mulf %abs3A_1209, %get3A_1207 : vector<16xf32>
    %add3A_1211 = arith.addf %add3A_1199, %mul3A_1210 : vector<16xf32>
    %get3A_1212 = arith.constant 176 : index
    %get3A_1213 = tpu.vector_load %arg11[%get3A_1212] {strides = array<i32>} : memref<1024xf32, #tpu.memory_space<vmem>>, vector<16xf32>,
    %get3A_1214 = arith.constant 1 : i32
    %get3A_1215 = arith.index_cast %get3A_1214 : i32 to index
    %get3A_1216 = arith.constant 48 : index
    %get3A_1217 = tpu.vector_load %arg10[%get3A_1215, %get3A_1216] {strides = array<i32>} : memref<8x128xf32, #tpu.memory_space<vmem>>, vector<16xf32>,
    %get3A_1218 = arith.constant 176 : index
    %get3A_1219 = tpu.vector_load %arg12[%get3A_1218] {strides = array<i32>} : memref<1024xf32, #tpu.memory_space<vmem>>, vector<16xf32>,
    %sub3A_1220 = arith.subf %get3A_1213, %get3A_1217 : vector<16xf32>
    %abs3A_1221 = math.absf %sub3A_1220 : vector<16xf32>
    %mul3A_1222 = arith.mulf %abs3A_1221, %get3A_1219 : vector<16xf32>
    %add3A_1223 = arith.addf %add3A_1211, %mul3A_1222 : vector<16xf32>
    %get3A_1224 = arith.constant 192 : index
    %get3A_1225 = tpu.vector_load %arg11[%get3A_1224] {strides = array<i32>} : memref<1024xf32, #tpu.memory_space<vmem>>, vector<16xf32>,
    %get3A_1226 = arith.constant 1 : i32
    %get3A_1227 = arith.index_cast %get3A_1226 : i32 to index
    %get3A_1228 = arith.constant 64 : index
    %get3A_1229 = tpu.vector_load %arg10[%get3A_1227, %get3A_1228] {strides = array<i32>} : memref<8x128xf32, #tpu.memory_space<vmem>>, vector<16xf32>,
    %get3A_1230 = arith.constant 192 : index
    %get3A_1231 = tpu.vector_load %arg12[%get3A_1230] {strides = array<i32>} : memref<1024xf32, #tpu.memory_space<vmem>>, vector<16xf32>,
    %sub3A_1232 = arith.subf %get3A_1225, %get3A_1229 : vector<16xf32>
    %abs3A_1233 = math.absf %sub3A_1232 : vector<16xf32>
    %mul3A_1234 = arith.mulf %abs3A_1233, %get3A_1231 : vector<16xf32>
    %add3A_1235 = arith.addf %add3A_1223, %mul3A_1234 : vector<16xf32>
    %get3A_1236 = arith.constant 208 : index
    %get3A_1237 = tpu.vector_load %arg11[%get3A_1236] {strides = array<i32>} : memref<1024xf32, #tpu.memory_space<vmem>>, vector<16xf32>,
    %get3A_1238 = arith.constant 1 : i32
    %get3A_1239 = arith.index_cast %get3A_1238 : i32 to index
    %get3A_1240 = arith.constant 80 : index
    %get3A_1241 = tpu.vector_load %arg10[%get3A_1239, %get3A_1240] {strides = array<i32>} : memref<8x128xf32, #tpu.memory_space<vmem>>, vector<16xf32>,
    %get3A_1242 = arith.constant 208 : index
    %get3A_1243 = tpu.vector_load %arg12[%get3A_1242] {strides = array<i32>} : memref<1024xf32, #tpu.memory_space<vmem>>, vector<16xf32>,
    %sub3A_1244 = arith.subf %get3A_1237, %get3A_1241 : vector<16xf32>
    %abs3A_1245 = math.absf %sub3A_1244 : vector<16xf32>
    %mul3A_1246 = arith.mulf %abs3A_1245, %get3A_1243 : vector<16xf32>
    %add3A_1247 = arith.addf %add3A_1235, %mul3A_1246 : vector<16xf32>
    %get3A_1248 = arith.constant 224 : index
    %get3A_1249 = tpu.vector_load %arg11[%get3A_1248] {strides = array<i32>} : memref<1024xf32, #tpu.memory_space<vmem>>, vector<16xf32>,
    %get3A_1250 = arith.constant 1 : i32
    %get3A_1251 = arith.index_cast %get3A_1250 : i32 to index
    %get3A_1252 = arith.constant 96 : index
    %get3A_1253 = tpu.vector_load %arg10[%get3A_1251, %get3A_1252] {strides = array<i32>} : memref<8x128xf32, #tpu.memory_space<vmem>>, vector<16xf32>,
    %get3A_1254 = arith.constant 224 : index
    %get3A_1255 = tpu.vector_load %arg12[%get3A_1254] {strides = array<i32>} : memref<1024xf32, #tpu.memory_space<vmem>>, vector<16xf32>,
    %sub3A_1256 = arith.subf %get3A_1249, %get3A_1253 : vector<16xf32>
    %abs3A_1257 = math.absf %sub3A_1256 : vector<16xf32>
    %mul3A_1258 = arith.mulf %abs3A_1257, %get3A_1255 : vector<16xf32>
    %add3A_1259 = arith.addf %add3A_1247, %mul3A_1258 : vector<16xf32>
    %get3A_1260 = arith.constant 240 : index
    %get3A_1261 = tpu.vector_load %arg11[%get3A_1260] {strides = array<i32>} : memref<1024xf32, #tpu.memory_space<vmem>>, vector<16xf32>,
    %get3A_1262 = arith.constant 1 : i32
    %get3A_1263 = arith.index_cast %get3A_1262 : i32 to index
    %get3A_1264 = arith.constant 112 : index
    %get3A_1265 = tpu.vector_load %arg10[%get3A_1263, %get3A_1264] {strides = array<i32>} : memref<8x128xf32, #tpu.memory_space<vmem>>, vector<16xf32>,
    %get3A_1266 = arith.constant 240 : index
    %get3A_1267 = tpu.vector_load %arg12[%get3A_1266] {strides = array<i32>} : memref<1024xf32, #tpu.memory_space<vmem>>, vector<16xf32>,
    %sub3A_1268 = arith.subf %get3A_1261, %get3A_1265 : vector<16xf32>
    %abs3A_1269 = math.absf %sub3A_1268 : vector<16xf32>
    %mul3A_1270 = arith.mulf %abs3A_1269, %get3A_1267 : vector<16xf32>
    %add3A_1271 = arith.addf %add3A_1259, %mul3A_1270 : vector<16xf32>
    %get3A_1272 = arith.constant 256 : index
    %get3A_1273 = tpu.vector_load %arg11[%get3A_1272] {strides = array<i32>} : memref<1024xf32, #tpu.memory_space<vmem>>, vector<16xf32>,
    %get3A_1274 = arith.constant 2 : i32
    %get3A_1275 = arith.index_cast %get3A_1274 : i32 to index
    %get3A_1276 = arith.constant 0 : index
    %get3A_1277 = tpu.vector_load %arg10[%get3A_1275, %get3A_1276] {strides = array<i32>} : memref<8x128xf32, #tpu.memory_space<vmem>>, vector<16xf32>,
    %get3A_1278 = arith.constant 256 : index
    %get3A_1279 = tpu.vector_load %arg12[%get3A_1278] {strides = array<i32>} : memref<1024xf32, #tpu.memory_space<vmem>>, vector<16xf32>,
    %sub3A_1280 = arith.subf %get3A_1273, %get3A_1277 : vector<16xf32>
    %abs3A_1281 = math.absf %sub3A_1280 : vector<16xf32>
    %mul3A_1282 = arith.mulf %abs3A_1281, %get3A_1279 : vector<16xf32>
    %add3A_1283 = arith.addf %add3A_1271, %mul3A_1282 : vector<16xf32>
    %get3A_1284 = arith.constant 272 : index
    %get3A_1285 = tpu.vector_load %arg11[%get3A_1284] {strides = array<i32>} : memref<1024xf32, #tpu.memory_space<vmem>>, vector<16xf32>,
    %get3A_1286 = arith.constant 2 : i32
    %get3A_1287 = arith.index_cast %get3A_1286 : i32 to index
    %get3A_1288 = arith.constant 16 : index
    %get3A_1289 = tpu.vector_load %arg10[%get3A_1287, %get3A_1288] {strides = array<i32>} : memref<8x128xf32, #tpu.memory_space<vmem>>, vector<16xf32>,
    %get3A_1290 = arith.constant 272 : index
    %get3A_1291 = tpu.vector_load %arg12[%get3A_1290] {strides = array<i32>} : memref<1024xf32, #tpu.memory_space<vmem>>, vector<16xf32>,
    %sub3A_1292 = arith.subf %get3A_1285, %get3A_1289 : vector<16xf32>
    %abs3A_1293 = math.absf %sub3A_1292 : vector<16xf32>
    %mul3A_1294 = arith.mulf %abs3A_1293, %get3A_1291 : vector<16xf32>
    %add3A_1295 = arith.addf %add3A_1283, %mul3A_1294 : vector<16xf32>
    %get3A_1296 = arith.constant 288 : index
    %get3A_1297 = tpu.vector_load %arg11[%get3A_1296] {strides = array<i32>} : memref<1024xf32, #tpu.memory_space<vmem>>, vector<16xf32>,
    %get3A_1298 = arith.constant 2 : i32
    %get3A_1299 = arith.index_cast %get3A_1298 : i32 to index
    %get3A_1300 = arith.constant 32 : index
    %get3A_1301 = tpu.vector_load %arg10[%get3A_1299, %get3A_1300] {strides = array<i32>} : memref<8x128xf32, #tpu.memory_space<vmem>>, vector<16xf32>,
    %get3A_1302 = arith.constant 288 : index
    %get3A_1303 = tpu.vector_load %arg12[%get3A_1302] {strides = array<i32>} : memref<1024xf32, #tpu.memory_space<vmem>>, vector<16xf32>,
    %sub3A_1304 = arith.subf %get3A_1297, %get3A_1301 : vector<16xf32>
    %abs3A_1305 = math.absf %sub3A_1304 : vector<16xf32>
    %mul3A_1306 = arith.mulf %abs3A_1305, %get3A_1303 : vector<16xf32>
    %add3A_1307 = arith.addf %add3A_1295, %mul3A_1306 : vector<16xf32>
    %get3A_1308 = arith.constant 304 : index
    %get3A_1309 = tpu.vector_load %arg11[%get3A_1308] {strides = array<i32>} : memref<1024xf32, #tpu.memory_space<vmem>>, vector<16xf32>,
    %get3A_1310 = arith.constant 2 : i32
    %get3A_1311 = arith.index_cast %get3A_1310 : i32 to index
    %get3A_1312 = arith.constant 48 : index
    %get3A_1313 = tpu.vector_load %arg10[%get3A_1311, %get3A_1312] {strides = array<i32>} : memref<8x128xf32, #tpu.memory_space<vmem>>, vector<16xf32>,
    %get3A_1314 = arith.constant 304 : index
    %get3A_1315 = tpu.vector_load %arg12[%get3A_1314] {strides = array<i32>} : memref<1024xf32, #tpu.memory_space<vmem>>, vector<16xf32>,
    %sub3A_1316 = arith.subf %get3A_1309, %get3A_1313 : vector<16xf32>
    %abs3A_1317 = math.absf %sub3A_1316 : vector<16xf32>
    %mul3A_1318 = arith.mulf %abs3A_1317, %get3A_1315 : vector<16xf32>
    %add3A_1319 = arith.addf %add3A_1307, %mul3A_1318 : vector<16xf32>
    %get3A_1320 = arith.constant 320 : index
    %get3A_1321 = tpu.vector_load %arg11[%get3A_1320] {strides = array<i32>} : memref<1024xf32, #tpu.memory_space<vmem>>, vector<16xf32>,
    %get3A_1322 = arith.constant 2 : i32
    %get3A_1323 = arith.index_cast %get3A_1322 : i32 to index
    %get3A_1324 = arith.constant 64 : index
    %get3A_1325 = tpu.vector_load %arg10[%get3A_1323, %get3A_1324] {strides = array<i32>} : memref<8x128xf32, #tpu.memory_space<vmem>>, vector<16xf32>,
    %get3A_1326 = arith.constant 320 : index
    %get3A_1327 = tpu.vector_load %arg12[%get3A_1326] {strides = array<i32>} : memref<1024xf32, #tpu.memory_space<vmem>>, vector<16xf32>,
    %sub3A_1328 = arith.subf %get3A_1321, %get3A_1325 : vector<16xf32>
    %abs3A_1329 = math.absf %sub3A_1328 : vector<16xf32>
    %mul3A_1330 = arith.mulf %abs3A_1329, %get3A_1327 : vector<16xf32>
    %add3A_1331 = arith.addf %add3A_1319, %mul3A_1330 : vector<16xf32>
    %get3A_1332 = arith.constant 336 : index
    %get3A_1333 = tpu.vector_load %arg11[%get3A_1332] {strides = array<i32>} : memref<1024xf32, #tpu.memory_space<vmem>>, vector<16xf32>,
    %get3A_1334 = arith.constant 2 : i32
    %get3A_1335 = arith.index_cast %get3A_1334 : i32 to index
    %get3A_1336 = arith.constant 80 : index
    %get3A_1337 = tpu.vector_load %arg10[%get3A_1335, %get3A_1336] {strides = array<i32>} : memref<8x128xf32, #tpu.memory_space<vmem>>, vector<16xf32>,
    %get3A_1338 = arith.constant 336 : index
    %get3A_1339 = tpu.vector_load %arg12[%get3A_1338] {strides = array<i32>} : memref<1024xf32, #tpu.memory_space<vmem>>, vector<16xf32>,
    %sub3A_1340 = arith.subf %get3A_1333, %get3A_1337 : vector<16xf32>
    %abs3A_1341 = math.absf %sub3A_1340 : vector<16xf32>
    %mul3A_1342 = arith.mulf %abs3A_1341, %get3A_1339 : vector<16xf32>
    %add3A_1343 = arith.addf %add3A_1331, %mul3A_1342 : vector<16xf32>
    %get3A_1344 = arith.constant 352 : index
    %get3A_1345 = tpu.vector_load %arg11[%get3A_1344] {strides = array<i32>} : memref<1024xf32, #tpu.memory_space<vmem>>, vector<16xf32>,
    %get3A_1346 = arith.constant 2 : i32
    %get3A_1347 = arith.index_cast %get3A_1346 : i32 to index
    %get3A_1348 = arith.constant 96 : index
    %get3A_1349 = tpu.vector_load %arg10[%get3A_1347, %get3A_1348] {strides = array<i32>} : memref<8x128xf32, #tpu.memory_space<vmem>>, vector<16xf32>,
    %get3A_1350 = arith.constant 352 : index
    %get3A_1351 = tpu.vector_load %arg12[%get3A_1350] {strides = array<i32>} : memref<1024xf32, #tpu.memory_space<vmem>>, vector<16xf32>,
    %sub3A_1352 = arith.subf %get3A_1345, %get3A_1349 : vector<16xf32>
    %abs3A_1353 = math.absf %sub3A_1352 : vector<16xf32>
    %mul3A_1354 = arith.mulf %abs3A_1353, %get3A_1351 : vector<16xf32>
    %add3A_1355 = arith.addf %add3A_1343, %mul3A_1354 : vector<16xf32>
    %get3A_1356 = arith.constant 368 : index
    %get3A_1357 = tpu.vector_load %arg11[%get3A_1356] {strides = array<i32>} : memref<1024xf32, #tpu.memory_space<vmem>>, vector<16xf32>,
    %get3A_1358 = arith.constant 2 : i32
    %get3A_1359 = arith.index_cast %get3A_1358 : i32 to index
    %get3A_1360 = arith.constant 112 : index
    %get3A_1361 = tpu.vector_load %arg10[%get3A_1359, %get3A_1360] {strides = array<i32>} : memref<8x128xf32, #tpu.memory_space<vmem>>, vector<16xf32>,
    %get3A_1362 = arith.constant 368 : index
    %get3A_1363 = tpu.vector_load %arg12[%get3A_1362] {strides = array<i32>} : memref<1024xf32, #tpu.memory_space<vmem>>, vector<16xf32>,
    %sub3A_1364 = arith.subf %get3A_1357, %get3A_1361 : vector<16xf32>
    %abs3A_1365 = math.absf %sub3A_1364 : vector<16xf32>
    %mul3A_1366 = arith.mulf %abs3A_1365, %get3A_1363 : vector<16xf32>
    %add3A_1367 = arith.addf %add3A_1355, %mul3A_1366 : vector<16xf32>
    %get3A_1368 = arith.constant 384 : index
    %get3A_1369 = tpu.vector_load %arg11[%get3A_1368] {strides = array<i32>} : memref<1024xf32, #tpu.memory_space<vmem>>, vector<16xf32>,
    %get3A_1370 = arith.constant 3 : i32
    %get3A_1371 = arith.index_cast %get3A_1370 : i32 to index
    %get3A_1372 = arith.constant 0 : index
    %get3A_1373 = tpu.vector_load %arg10[%get3A_1371, %get3A_1372] {strides = array<i32>} : memref<8x128xf32, #tpu.memory_space<vmem>>, vector<16xf32>,
    %get3A_1374 = arith.constant 384 : index
    %get3A_1375 = tpu.vector_load %arg12[%get3A_1374] {strides = array<i32>} : memref<1024xf32, #tpu.memory_space<vmem>>, vector<16xf32>,
    %sub3A_1376 = arith.subf %get3A_1369, %get3A_1373 : vector<16xf32>
    %abs3A_1377 = math.absf %sub3A_1376 : vector<16xf32>
    %mul3A_1378 = arith.mulf %abs3A_1377, %get3A_1375 : vector<16xf32>
    %add3A_1379 = arith.addf %add3A_1367, %mul3A_1378 : vector<16xf32>
    %get3A_1380 = arith.constant 400 : index
    %get3A_1381 = tpu.vector_load %arg11[%get3A_1380] {strides = array<i32>} : memref<1024xf32, #tpu.memory_space<vmem>>, vector<16xf32>,
    %get3A_1382 = arith.constant 3 : i32
    %get3A_1383 = arith.index_cast %get3A_1382 : i32 to index
    %get3A_1384 = arith.constant 16 : index
    %get3A_1385 = tpu.vector_load %arg10[%get3A_1383, %get3A_1384] {strides = array<i32>} : memref<8x128xf32, #tpu.memory_space<vmem>>, vector<16xf32>,
    %get3A_1386 = arith.constant 400 : index
    %get3A_1387 = tpu.vector_load %arg12[%get3A_1386] {strides = array<i32>} : memref<1024xf32, #tpu.memory_space<vmem>>, vector<16xf32>,
    %sub3A_1388 = arith.subf %get3A_1381, %get3A_1385 : vector<16xf32>
    %abs3A_1389 = math.absf %sub3A_1388 : vector<16xf32>
    %mul3A_1390 = arith.mulf %abs3A_1389, %get3A_1387 : vector<16xf32>
    %add3A_1391 = arith.addf %add3A_1379, %mul3A_1390 : vector<16xf32>
    %get3A_1392 = arith.constant 416 : index
    %get3A_1393 = tpu.vector_load %arg11[%get3A_1392] {strides = array<i32>} : memref<1024xf32, #tpu.memory_space<vmem>>, vector<16xf32>,
    %get3A_1394 = arith.constant 3 : i32
    %get3A_1395 = arith.index_cast %get3A_1394 : i32 to index
    %get3A_1396 = arith.constant 32 : index
    %get3A_1397 = tpu.vector_load %arg10[%get3A_1395, %get3A_1396] {strides = array<i32>} : memref<8x128xf32, #tpu.memory_space<vmem>>, vector<16xf32>,
    %get3A_1398 = arith.constant 416 : index
    %get3A_1399 = tpu.vector_load %arg12[%get3A_1398] {strides = array<i32>} : memref<1024xf32, #tpu.memory_space<vmem>>, vector<16xf32>,
    %sub3A_1400 = arith.subf %get3A_1393, %get3A_1397 : vector<16xf32>
    %abs3A_1401 = math.absf %sub3A_1400 : vector<16xf32>
    %mul3A_1402 = arith.mulf %abs3A_1401, %get3A_1399 : vector<16xf32>
    %add3A_1403 = arith.addf %add3A_1391, %mul3A_1402 : vector<16xf32>
    %get3A_1404 = arith.constant 432 : index
    %get3A_1405 = tpu.vector_load %arg11[%get3A_1404] {strides = array<i32>} : memref<1024xf32, #tpu.memory_space<vmem>>, vector<16xf32>,
    %get3A_1406 = arith.constant 3 : i32
    %get3A_1407 = arith.index_cast %get3A_1406 : i32 to index
    %get3A_1408 = arith.constant 48 : index
    %get3A_1409 = tpu.vector_load %arg10[%get3A_1407, %get3A_1408] {strides = array<i32>} : memref<8x128xf32, #tpu.memory_space<vmem>>, vector<16xf32>,
    %get3A_1410 = arith.constant 432 : index
    %get3A_1411 = tpu.vector_load %arg12[%get3A_1410] {strides = array<i32>} : memref<1024xf32, #tpu.memory_space<vmem>>, vector<16xf32>,
    %sub3A_1412 = arith.subf %get3A_1405, %get3A_1409 : vector<16xf32>
    %abs3A_1413 = math.absf %sub3A_1412 : vector<16xf32>
    %mul3A_1414 = arith.mulf %abs3A_1413, %get3A_1411 : vector<16xf32>
    %add3A_1415 = arith.addf %add3A_1403, %mul3A_1414 : vector<16xf32>
    %get3A_1416 = arith.constant 448 : index
    %get3A_1417 = tpu.vector_load %arg11[%get3A_1416] {strides = array<i32>} : memref<1024xf32, #tpu.memory_space<vmem>>, vector<16xf32>,
    %get3A_1418 = arith.constant 3 : i32
    %get3A_1419 = arith.index_cast %get3A_1418 : i32 to index
    %get3A_1420 = arith.constant 64 : index
    %get3A_1421 = tpu.vector_load %arg10[%get3A_1419, %get3A_1420] {strides = array<i32>} : memref<8x128xf32, #tpu.memory_space<vmem>>, vector<16xf32>,
    %get3A_1422 = arith.constant 448 : index
    %get3A_1423 = tpu.vector_load %arg12[%get3A_1422] {strides = array<i32>} : memref<1024xf32, #tpu.memory_space<vmem>>, vector<16xf32>,
    %sub3A_1424 = arith.subf %get3A_1417, %get3A_1421 : vector<16xf32>
    %abs3A_1425 = math.absf %sub3A_1424 : vector<16xf32>
    %mul3A_1426 = arith.mulf %abs3A_1425, %get3A_1423 : vector<16xf32>
    %add3A_1427 = arith.addf %add3A_1415, %mul3A_1426 : vector<16xf32>
    %get3A_1428 = arith.constant 464 : index
    %get3A_1429 = tpu.vector_load %arg11[%get3A_1428] {strides = array<i32>} : memref<1024xf32, #tpu.memory_space<vmem>>, vector<16xf32>,
    %get3A_1430 = arith.constant 3 : i32
    %get3A_1431 = arith.index_cast %get3A_1430 : i32 to index
    %get3A_1432 = arith.constant 80 : index
    %get3A_1433 = tpu.vector_load %arg10[%get3A_1431, %get3A_1432] {strides = array<i32>} : memref<8x128xf32, #tpu.memory_space<vmem>>, vector<16xf32>,
    %get3A_1434 = arith.constant 464 : index
    %get3A_1435 = tpu.vector_load %arg12[%get3A_1434] {strides = array<i32>} : memref<1024xf32, #tpu.memory_space<vmem>>, vector<16xf32>,
    %sub3A_1436 = arith.subf %get3A_1429, %get3A_1433 : vector<16xf32>
    %abs3A_1437 = math.absf %sub3A_1436 : vector<16xf32>
    %mul3A_1438 = arith.mulf %abs3A_1437, %get3A_1435 : vector<16xf32>
    %add3A_1439 = arith.addf %add3A_1427, %mul3A_1438 : vector<16xf32>
    %get3A_1440 = arith.constant 480 : index
    %get3A_1441 = tpu.vector_load %arg11[%get3A_1440] {strides = array<i32>} : memref<1024xf32, #tpu.memory_space<vmem>>, vector<16xf32>,
    %get3A_1442 = arith.constant 3 : i32
    %get3A_1443 = arith.index_cast %get3A_1442 : i32 to index
    %get3A_1444 = arith.constant 96 : index
    %get3A_1445 = tpu.vector_load %arg10[%get3A_1443, %get3A_1444] {strides = array<i32>} : memref<8x128xf32, #tpu.memory_space<vmem>>, vector<16xf32>,
    %get3A_1446 = arith.constant 480 : index
    %get3A_1447 = tpu.vector_load %arg12[%get3A_1446] {strides = array<i32>} : memref<1024xf32, #tpu.memory_space<vmem>>, vector<16xf32>,
    %sub3A_1448 = arith.subf %get3A_1441, %get3A_1445 : vector<16xf32>
    %abs3A_1449 = math.absf %sub3A_1448 : vector<16xf32>
    %mul3A_1450 = arith.mulf %abs3A_1449, %get3A_1447 : vector<16xf32>
    %add3A_1451 = arith.addf %add3A_1439, %mul3A_1450 : vector<16xf32>
    %get3A_1452 = arith.constant 496 : index
    %get3A_1453 = tpu.vector_load %arg11[%get3A_1452] {strides = array<i32>} : memref<1024xf32, #tpu.memory_space<vmem>>, vector<16xf32>,
    %get3A_1454 = arith.constant 3 : i32
    %get3A_1455 = arith.index_cast %get3A_1454 : i32 to index
    %get3A_1456 = arith.constant 112 : index
    %get3A_1457 = tpu.vector_load %arg10[%get3A_1455, %get3A_1456] {strides = array<i32>} : memref<8x128xf32, #tpu.memory_space<vmem>>, vector<16xf32>,
    %get3A_1458 = arith.constant 496 : index
    %get3A_1459 = tpu.vector_load %arg12[%get3A_1458] {strides = array<i32>} : memref<1024xf32, #tpu.memory_space<vmem>>, vector<16xf32>,
    %sub3A_1460 = arith.subf %get3A_1453, %get3A_1457 : vector<16xf32>
    %abs3A_1461 = math.absf %sub3A_1460 : vector<16xf32>
    %mul3A_1462 = arith.mulf %abs3A_1461, %get3A_1459 : vector<16xf32>
    %add3A_1463 = arith.addf %add3A_1451, %mul3A_1462 : vector<16xf32>
    %get3A_1464 = arith.constant 512 : index
    %get3A_1465 = tpu.vector_load %arg11[%get3A_1464] {strides = array<i32>} : memref<1024xf32, #tpu.memory_space<vmem>>, vector<16xf32>,
    %get3A_1466 = arith.constant 4 : i32
    %get3A_1467 = arith.index_cast %get3A_1466 : i32 to index
    %get3A_1468 = arith.constant 0 : index
    %get3A_1469 = tpu.vector_load %arg10[%get3A_1467, %get3A_1468] {strides = array<i32>} : memref<8x128xf32, #tpu.memory_space<vmem>>, vector<16xf32>,
    %get3A_1470 = arith.constant 512 : index
    %get3A_1471 = tpu.vector_load %arg12[%get3A_1470] {strides = array<i32>} : memref<1024xf32, #tpu.memory_space<vmem>>, vector<16xf32>,
    %sub3A_1472 = arith.subf %get3A_1465, %get3A_1469 : vector<16xf32>
    %abs3A_1473 = math.absf %sub3A_1472 : vector<16xf32>
    %mul3A_1474 = arith.mulf %abs3A_1473, %get3A_1471 : vector<16xf32>
    %add3A_1475 = arith.addf %add3A_1463, %mul3A_1474 : vector<16xf32>
    %get3A_1476 = arith.constant 528 : index
    %get3A_1477 = tpu.vector_load %arg11[%get3A_1476] {strides = array<i32>} : memref<1024xf32, #tpu.memory_space<vmem>>, vector<16xf32>,
    %get3A_1478 = arith.constant 4 : i32
    %get3A_1479 = arith.index_cast %get3A_1478 : i32 to index
    %get3A_1480 = arith.constant 16 : index
    %get3A_1481 = tpu.vector_load %arg10[%get3A_1479, %get3A_1480] {strides = array<i32>} : memref<8x128xf32, #tpu.memory_space<vmem>>, vector<16xf32>,
    %get3A_1482 = arith.constant 528 : index
    %get3A_1483 = tpu.vector_load %arg12[%get3A_1482] {strides = array<i32>} : memref<1024xf32, #tpu.memory_space<vmem>>, vector<16xf32>,
    %sub3A_1484 = arith.subf %get3A_1477, %get3A_1481 : vector<16xf32>
    %abs3A_1485 = math.absf %sub3A_1484 : vector<16xf32>
    %mul3A_1486 = arith.mulf %abs3A_1485, %get3A_1483 : vector<16xf32>
    %add3A_1487 = arith.addf %add3A_1475, %mul3A_1486 : vector<16xf32>
    %get3A_1488 = arith.constant 544 : index
    %get3A_1489 = tpu.vector_load %arg11[%get3A_1488] {strides = array<i32>} : memref<1024xf32, #tpu.memory_space<vmem>>, vector<16xf32>,
    %get3A_1490 = arith.constant 4 : i32
    %get3A_1491 = arith.index_cast %get3A_1490 : i32 to index
    %get3A_1492 = arith.constant 32 : index
    %get3A_1493 = tpu.vector_load %arg10[%get3A_1491, %get3A_1492] {strides = array<i32>} : memref<8x128xf32, #tpu.memory_space<vmem>>, vector<16xf32>,
    %get3A_1494 = arith.constant 544 : index
    %get3A_1495 = tpu.vector_load %arg12[%get3A_1494] {strides = array<i32>} : memref<1024xf32, #tpu.memory_space<vmem>>, vector<16xf32>,
    %sub3A_1496 = arith.subf %get3A_1489, %get3A_1493 : vector<16xf32>
    %abs3A_1497 = math.absf %sub3A_1496 : vector<16xf32>
    %mul3A_1498 = arith.mulf %abs3A_1497, %get3A_1495 : vector<16xf32>
    %add3A_1499 = arith.addf %add3A_1487, %mul3A_1498 : vector<16xf32>
    %get3A_1500 = arith.constant 560 : index
    %get3A_1501 = tpu.vector_load %arg11[%get3A_1500] {strides = array<i32>} : memref<1024xf32, #tpu.memory_space<vmem>>, vector<16xf32>,
    %get3A_1502 = arith.constant 4 : i32
    %get3A_1503 = arith.index_cast %get3A_1502 : i32 to index
    %get3A_1504 = arith.constant 48 : index
    %get3A_1505 = tpu.vector_load %arg10[%get3A_1503, %get3A_1504] {strides = array<i32>} : memref<8x128xf32, #tpu.memory_space<vmem>>, vector<16xf32>,
    %get3A_1506 = arith.constant 560 : index
    %get3A_1507 = tpu.vector_load %arg12[%get3A_1506] {strides = array<i32>} : memref<1024xf32, #tpu.memory_space<vmem>>, vector<16xf32>,
    %sub3A_1508 = arith.subf %get3A_1501, %get3A_1505 : vector<16xf32>
    %abs3A_1509 = math.absf %sub3A_1508 : vector<16xf32>
    %mul3A_1510 = arith.mulf %abs3A_1509, %get3A_1507 : vector<16xf32>
    %add3A_1511 = arith.addf %add3A_1499, %mul3A_1510 : vector<16xf32>
    %get3A_1512 = arith.constant 576 : index
    %get3A_1513 = tpu.vector_load %arg11[%get3A_1512] {strides = array<i32>} : memref<1024xf32, #tpu.memory_space<vmem>>, vector<16xf32>,
    %get3A_1514 = arith.constant 4 : i32
    %get3A_1515 = arith.index_cast %get3A_1514 : i32 to index
    %get3A_1516 = arith.constant 64 : index
    %get3A_1517 = tpu.vector_load %arg10[%get3A_1515, %get3A_1516] {strides = array<i32>} : memref<8x128xf32, #tpu.memory_space<vmem>>, vector<16xf32>,
    %get3A_1518 = arith.constant 576 : index
    %get3A_1519 = tpu.vector_load %arg12[%get3A_1518] {strides = array<i32>} : memref<1024xf32, #tpu.memory_space<vmem>>, vector<16xf32>,
    %sub3A_1520 = arith.subf %get3A_1513, %get3A_1517 : vector<16xf32>
    %abs3A_1521 = math.absf %sub3A_1520 : vector<16xf32>
    %mul3A_1522 = arith.mulf %abs3A_1521, %get3A_1519 : vector<16xf32>
    %add3A_1523 = arith.addf %add3A_1511, %mul3A_1522 : vector<16xf32>
    %get3A_1524 = arith.constant 592 : index
    %get3A_1525 = tpu.vector_load %arg11[%get3A_1524] {strides = array<i32>} : memref<1024xf32, #tpu.memory_space<vmem>>, vector<16xf32>,
    %get3A_1526 = arith.constant 4 : i32
    %get3A_1527 = arith.index_cast %get3A_1526 : i32 to index
    %get3A_1528 = arith.constant 80 : index
    %get3A_1529 = tpu.vector_load %arg10[%get3A_1527, %get3A_1528] {strides = array<i32>} : memref<8x128xf32, #tpu.memory_space<vmem>>, vector<16xf32>,
    %get3A_1530 = arith.constant 592 : index
    %get3A_1531 = tpu.vector_load %arg12[%get3A_1530] {strides = array<i32>} : memref<1024xf32, #tpu.memory_space<vmem>>, vector<16xf32>,
    %sub3A_1532 = arith.subf %get3A_1525, %get3A_1529 : vector<16xf32>
    %abs3A_1533 = math.absf %sub3A_1532 : vector<16xf32>
    %mul3A_1534 = arith.mulf %abs3A_1533, %get3A_1531 : vector<16xf32>
    %add3A_1535 = arith.addf %add3A_1523, %mul3A_1534 : vector<16xf32>
    %get3A_1536 = arith.constant 608 : index
    %get3A_1537 = tpu.vector_load %arg11[%get3A_1536] {strides = array<i32>} : memref<1024xf32, #tpu.memory_space<vmem>>, vector<16xf32>,
    %get3A_1538 = arith.constant 4 : i32
    %get3A_1539 = arith.index_cast %get3A_1538 : i32 to index
    %get3A_1540 = arith.constant 96 : index
    %get3A_1541 = tpu.vector_load %arg10[%get3A_1539, %get3A_1540] {strides = array<i32>} : memref<8x128xf32, #tpu.memory_space<vmem>>, vector<16xf32>,
    %get3A_1542 = arith.constant 608 : index
    %get3A_1543 = tpu.vector_load %arg12[%get3A_1542] {strides = array<i32>} : memref<1024xf32, #tpu.memory_space<vmem>>, vector<16xf32>,
    %sub3A_1544 = arith.subf %get3A_1537, %get3A_1541 : vector<16xf32>
    %abs3A_1545 = math.absf %sub3A_1544 : vector<16xf32>
    %mul3A_1546 = arith.mulf %abs3A_1545, %get3A_1543 : vector<16xf32>
    %add3A_1547 = arith.addf %add3A_1535, %mul3A_1546 : vector<16xf32>
    %get3A_1548 = arith.constant 624 : index
    %get3A_1549 = tpu.vector_load %arg11[%get3A_1548] {strides = array<i32>} : memref<1024xf32, #tpu.memory_space<vmem>>, vector<16xf32>,
    %get3A_1550 = arith.constant 4 : i32
    %get3A_1551 = arith.index_cast %get3A_1550 : i32 to index
    %get3A_1552 = arith.constant 112 : index
    %get3A_1553 = tpu.vector_load %arg10[%get3A_1551, %get3A_1552] {strides = array<i32>} : memref<8x128xf32, #tpu.memory_space<vmem>>, vector<16xf32>,
    %get3A_1554 = arith.constant 624 : index
    %get3A_1555 = tpu.vector_load %arg12[%get3A_1554] {strides = array<i32>} : memref<1024xf32, #tpu.memory_space<vmem>>, vector<16xf32>,
    %sub3A_1556 = arith.subf %get3A_1549, %get3A_1553 : vector<16xf32>
    %abs3A_1557 = math.absf %sub3A_1556 : vector<16xf32>
    %mul3A_1558 = arith.mulf %abs3A_1557, %get3A_1555 : vector<16xf32>
    %add3A_1559 = arith.addf %add3A_1547, %mul3A_1558 : vector<16xf32>
    %get3A_1560 = arith.constant 640 : index
    %get3A_1561 = tpu.vector_load %arg11[%get3A_1560] {strides = array<i32>} : memref<1024xf32, #tpu.memory_space<vmem>>, vector<16xf32>,
    %get3A_1562 = arith.constant 5 : i32
    %get3A_1563 = arith.index_cast %get3A_1562 : i32 to index
    %get3A_1564 = arith.constant 0 : index
    %get3A_1565 = tpu.vector_load %arg10[%get3A_1563, %get3A_1564] {strides = array<i32>} : memref<8x128xf32, #tpu.memory_space<vmem>>, vector<16xf32>,
    %get3A_1566 = arith.constant 640 : index
    %get3A_1567 = tpu.vector_load %arg12[%get3A_1566] {strides = array<i32>} : memref<1024xf32, #tpu.memory_space<vmem>>, vector<16xf32>,
    %sub3A_1568 = arith.subf %get3A_1561, %get3A_1565 : vector<16xf32>
    %abs3A_1569 = math.absf %sub3A_1568 : vector<16xf32>
    %mul3A_1570 = arith.mulf %abs3A_1569, %get3A_1567 : vector<16xf32>
    %add3A_1571 = arith.addf %add3A_1559, %mul3A_1570 : vector<16xf32>
    %get3A_1572 = arith.constant 656 : index
    %get3A_1573 = tpu.vector_load %arg11[%get3A_1572] {strides = array<i32>} : memref<1024xf32, #tpu.memory_space<vmem>>, vector<16xf32>,
    %get3A_1574 = arith.constant 5 : i32
    %get3A_1575 = arith.index_cast %get3A_1574 : i32 to index
    %get3A_1576 = arith.constant 16 : index
    %get3A_1577 = tpu.vector_load %arg10[%get3A_1575, %get3A_1576] {strides = array<i32>} : memref<8x128xf32, #tpu.memory_space<vmem>>, vector<16xf32>,
    %get3A_1578 = arith.constant 656 : index
    %get3A_1579 = tpu.vector_load %arg12[%get3A_1578] {strides = array<i32>} : memref<1024xf32, #tpu.memory_space<vmem>>, vector<16xf32>,
    %sub3A_1580 = arith.subf %get3A_1573, %get3A_1577 : vector<16xf32>
    %abs3A_1581 = math.absf %sub3A_1580 : vector<16xf32>
    %mul3A_1582 = arith.mulf %abs3A_1581, %get3A_1579 : vector<16xf32>
    %add3A_1583 = arith.addf %add3A_1571, %mul3A_1582 : vector<16xf32>
    %get3A_1584 = arith.constant 672 : index
    %get3A_1585 = tpu.vector_load %arg11[%get3A_1584] {strides = array<i32>} : memref<1024xf32, #tpu.memory_space<vmem>>, vector<16xf32>,
    %get3A_1586 = arith.constant 5 : i32
    %get3A_1587 = arith.index_cast %get3A_1586 : i32 to index
    %get3A_1588 = arith.constant 32 : index
    %get3A_1589 = tpu.vector_load %arg10[%get3A_1587, %get3A_1588] {strides = array<i32>} : memref<8x128xf32, #tpu.memory_space<vmem>>, vector<16xf32>,
    %get3A_1590 = arith.constant 672 : index
    %get3A_1591 = tpu.vector_load %arg12[%get3A_1590] {strides = array<i32>} : memref<1024xf32, #tpu.memory_space<vmem>>, vector<16xf32>,
    %sub3A_1592 = arith.subf %get3A_1585, %get3A_1589 : vector<16xf32>
    %abs3A_1593 = math.absf %sub3A_1592 : vector<16xf32>
    %mul3A_1594 = arith.mulf %abs3A_1593, %get3A_1591 : vector<16xf32>
    %add3A_1595 = arith.addf %add3A_1583, %mul3A_1594 : vector<16xf32>
    %get3A_1596 = arith.constant 688 : index
    %get3A_1597 = tpu.vector_load %arg11[%get3A_1596] {strides = array<i32>} : memref<1024xf32, #tpu.memory_space<vmem>>, vector<16xf32>,
    %get3A_1598 = arith.constant 5 : i32
    %get3A_1599 = arith.index_cast %get3A_1598 : i32 to index
    %get3A_1600 = arith.constant 48 : index
    %get3A_1601 = tpu.vector_load %arg10[%get3A_1599, %get3A_1600] {strides = array<i32>} : memref<8x128xf32, #tpu.memory_space<vmem>>, vector<16xf32>,
    %get3A_1602 = arith.constant 688 : index
    %get3A_1603 = tpu.vector_load %arg12[%get3A_1602] {strides = array<i32>} : memref<1024xf32, #tpu.memory_space<vmem>>, vector<16xf32>,
    %sub3A_1604 = arith.subf %get3A_1597, %get3A_1601 : vector<16xf32>
    %abs3A_1605 = math.absf %sub3A_1604 : vector<16xf32>
    %mul3A_1606 = arith.mulf %abs3A_1605, %get3A_1603 : vector<16xf32>
    %add3A_1607 = arith.addf %add3A_1595, %mul3A_1606 : vector<16xf32>
    %get3A_1608 = arith.constant 704 : index
    %get3A_1609 = tpu.vector_load %arg11[%get3A_1608] {strides = array<i32>} : memref<1024xf32, #tpu.memory_space<vmem>>, vector<16xf32>,
    %get3A_1610 = arith.constant 5 : i32
    %get3A_1611 = arith.index_cast %get3A_1610 : i32 to index
    %get3A_1612 = arith.constant 64 : index
    %get3A_1613 = tpu.vector_load %arg10[%get3A_1611, %get3A_1612] {strides = array<i32>} : memref<8x128xf32, #tpu.memory_space<vmem>>, vector<16xf32>,
    %get3A_1614 = arith.constant 704 : index
    %get3A_1615 = tpu.vector_load %arg12[%get3A_1614] {strides = array<i32>} : memref<1024xf32, #tpu.memory_space<vmem>>, vector<16xf32>,
    %sub3A_1616 = arith.subf %get3A_1609, %get3A_1613 : vector<16xf32>
    %abs3A_1617 = math.absf %sub3A_1616 : vector<16xf32>
    %mul3A_1618 = arith.mulf %abs3A_1617, %get3A_1615 : vector<16xf32>
    %add3A_1619 = arith.addf %add3A_1607, %mul3A_1618 : vector<16xf32>
    %get3A_1620 = arith.constant 720 : index
    %get3A_1621 = tpu.vector_load %arg11[%get3A_1620] {strides = array<i32>} : memref<1024xf32, #tpu.memory_space<vmem>>, vector<16xf32>,
    %get3A_1622 = arith.constant 5 : i32
    %get3A_1623 = arith.index_cast %get3A_1622 : i32 to index
    %get3A_1624 = arith.constant 80 : index
    %get3A_1625 = tpu.vector_load %arg10[%get3A_1623, %get3A_1624] {strides = array<i32>} : memref<8x128xf32, #tpu.memory_space<vmem>>, vector<16xf32>,
    %get3A_1626 = arith.constant 720 : index
    %get3A_1627 = tpu.vector_load %arg12[%get3A_1626] {strides = array<i32>} : memref<1024xf32, #tpu.memory_space<vmem>>, vector<16xf32>,
    %sub3A_1628 = arith.subf %get3A_1621, %get3A_1625 : vector<16xf32>
    %abs3A_1629 = math.absf %sub3A_1628 : vector<16xf32>
    %mul3A_1630 = arith.mulf %abs3A_1629, %get3A_1627 : vector<16xf32>
    %add3A_1631 = arith.addf %add3A_1619, %mul3A_1630 : vector<16xf32>
    %get3A_1632 = arith.constant 736 : index
    %get3A_1633 = tpu.vector_load %arg11[%get3A_1632] {strides = array<i32>} : memref<1024xf32, #tpu.memory_space<vmem>>, vector<16xf32>,
    %get3A_1634 = arith.constant 5 : i32
    %get3A_1635 = arith.index_cast %get3A_1634 : i32 to index
    %get3A_1636 = arith.constant 96 : index
    %get3A_1637 = tpu.vector_load %arg10[%get3A_1635, %get3A_1636] {strides = array<i32>} : memref<8x128xf32, #tpu.memory_space<vmem>>, vector<16xf32>,
    %get3A_1638 = arith.constant 736 : index
    %get3A_1639 = tpu.vector_load %arg12[%get3A_1638] {strides = array<i32>} : memref<1024xf32, #tpu.memory_space<vmem>>, vector<16xf32>,
    %sub3A_1640 = arith.subf %get3A_1633, %get3A_1637 : vector<16xf32>
    %abs3A_1641 = math.absf %sub3A_1640 : vector<16xf32>
    %mul3A_1642 = arith.mulf %abs3A_1641, %get3A_1639 : vector<16xf32>
    %add3A_1643 = arith.addf %add3A_1631, %mul3A_1642 : vector<16xf32>
    %get3A_1644 = arith.constant 752 : index
    %get3A_1645 = tpu.vector_load %arg11[%get3A_1644] {strides = array<i32>} : memref<1024xf32, #tpu.memory_space<vmem>>, vector<16xf32>,
    %get3A_1646 = arith.constant 5 : i32
    %get3A_1647 = arith.index_cast %get3A_1646 : i32 to index
    %get3A_1648 = arith.constant 112 : index
    %get3A_1649 = tpu.vector_load %arg10[%get3A_1647, %get3A_1648] {strides = array<i32>} : memref<8x128xf32, #tpu.memory_space<vmem>>, vector<16xf32>,
    %get3A_1650 = arith.constant 752 : index
    %get3A_1651 = tpu.vector_load %arg12[%get3A_1650] {strides = array<i32>} : memref<1024xf32, #tpu.memory_space<vmem>>, vector<16xf32>,
    %sub3A_1652 = arith.subf %get3A_1645, %get3A_1649 : vector<16xf32>
    %abs3A_1653 = math.absf %sub3A_1652 : vector<16xf32>
    %mul3A_1654 = arith.mulf %abs3A_1653, %get3A_1651 : vector<16xf32>
    %add3A_1655 = arith.addf %add3A_1643, %mul3A_1654 : vector<16xf32>
    %get3A_1656 = arith.constant 768 : index
    %get3A_1657 = tpu.vector_load %arg11[%get3A_1656] {strides = array<i32>} : memref<1024xf32, #tpu.memory_space<vmem>>, vector<16xf32>,
    %get3A_1658 = arith.constant 6 : i32
    %get3A_1659 = arith.index_cast %get3A_1658 : i32 to index
    %get3A_1660 = arith.constant 0 : index
    %get3A_1661 = tpu.vector_load %arg10[%get3A_1659, %get3A_1660] {strides = array<i32>} : memref<8x128xf32, #tpu.memory_space<vmem>>, vector<16xf32>,
    %get3A_1662 = arith.constant 768 : index
    %get3A_1663 = tpu.vector_load %arg12[%get3A_1662] {strides = array<i32>} : memref<1024xf32, #tpu.memory_space<vmem>>, vector<16xf32>,
    %sub3A_1664 = arith.subf %get3A_1657, %get3A_1661 : vector<16xf32>
    %abs3A_1665 = math.absf %sub3A_1664 : vector<16xf32>
    %mul3A_1666 = arith.mulf %abs3A_1665, %get3A_1663 : vector<16xf32>
    %add3A_1667 = arith.addf %add3A_1655, %mul3A_1666 : vector<16xf32>
    %get3A_1668 = arith.constant 784 : index
    %get3A_1669 = tpu.vector_load %arg11[%get3A_1668] {strides = array<i32>} : memref<1024xf32, #tpu.memory_space<vmem>>, vector<16xf32>,
    %get3A_1670 = arith.constant 6 : i32
    %get3A_1671 = arith.index_cast %get3A_1670 : i32 to index
    %get3A_1672 = arith.constant 16 : index
    %get3A_1673 = tpu.vector_load %arg10[%get3A_1671, %get3A_1672] {strides = array<i32>} : memref<8x128xf32, #tpu.memory_space<vmem>>, vector<16xf32>,
    %get3A_1674 = arith.constant 784 : index
    %get3A_1675 = tpu.vector_load %arg12[%get3A_1674] {strides = array<i32>} : memref<1024xf32, #tpu.memory_space<vmem>>, vector<16xf32>,
    %sub3A_1676 = arith.subf %get3A_1669, %get3A_1673 : vector<16xf32>
    %abs3A_1677 = math.absf %sub3A_1676 : vector<16xf32>
    %mul3A_1678 = arith.mulf %abs3A_1677, %get3A_1675 : vector<16xf32>
    %add3A_1679 = arith.addf %add3A_1667, %mul3A_1678 : vector<16xf32>
    %get3A_1680 = arith.constant 800 : index
    %get3A_1681 = tpu.vector_load %arg11[%get3A_1680] {strides = array<i32>} : memref<1024xf32, #tpu.memory_space<vmem>>, vector<16xf32>,
    %get3A_1682 = arith.constant 6 : i32
    %get3A_1683 = arith.index_cast %get3A_1682 : i32 to index
    %get3A_1684 = arith.constant 32 : index
    %get3A_1685 = tpu.vector_load %arg10[%get3A_1683, %get3A_1684] {strides = array<i32>} : memref<8x128xf32, #tpu.memory_space<vmem>>, vector<16xf32>,
    %get3A_1686 = arith.constant 800 : index
    %get3A_1687 = tpu.vector_load %arg12[%get3A_1686] {strides = array<i32>} : memref<1024xf32, #tpu.memory_space<vmem>>, vector<16xf32>,
    %sub3A_1688 = arith.subf %get3A_1681, %get3A_1685 : vector<16xf32>
    %abs3A_1689 = math.absf %sub3A_1688 : vector<16xf32>
    %mul3A_1690 = arith.mulf %abs3A_1689, %get3A_1687 : vector<16xf32>
    %add3A_1691 = arith.addf %add3A_1679, %mul3A_1690 : vector<16xf32>
    %get3A_1692 = arith.constant 816 : index
    %get3A_1693 = tpu.vector_load %arg11[%get3A_1692] {strides = array<i32>} : memref<1024xf32, #tpu.memory_space<vmem>>, vector<16xf32>,
    %get3A_1694 = arith.constant 6 : i32
    %get3A_1695 = arith.index_cast %get3A_1694 : i32 to index
    %get3A_1696 = arith.constant 48 : index
    %get3A_1697 = tpu.vector_load %arg10[%get3A_1695, %get3A_1696] {strides = array<i32>} : memref<8x128xf32, #tpu.memory_space<vmem>>, vector<16xf32>,
    %get3A_1698 = arith.constant 816 : index
    %get3A_1699 = tpu.vector_load %arg12[%get3A_1698] {strides = array<i32>} : memref<1024xf32, #tpu.memory_space<vmem>>, vector<16xf32>,
    %sub3A_1700 = arith.subf %get3A_1693, %get3A_1697 : vector<16xf32>
    %abs3A_1701 = math.absf %sub3A_1700 : vector<16xf32>
    %mul3A_1702 = arith.mulf %abs3A_1701, %get3A_1699 : vector<16xf32>
    %add3A_1703 = arith.addf %add3A_1691, %mul3A_1702 : vector<16xf32>
    %get3A_1704 = arith.constant 832 : index
    %get3A_1705 = tpu.vector_load %arg11[%get3A_1704] {strides = array<i32>} : memref<1024xf32, #tpu.memory_space<vmem>>, vector<16xf32>,
    %get3A_1706 = arith.constant 6 : i32
    %get3A_1707 = arith.index_cast %get3A_1706 : i32 to index
    %get3A_1708 = arith.constant 64 : index
    %get3A_1709 = tpu.vector_load %arg10[%get3A_1707, %get3A_1708] {strides = array<i32>} : memref<8x128xf32, #tpu.memory_space<vmem>>, vector<16xf32>,
    %get3A_1710 = arith.constant 832 : index
    %get3A_1711 = tpu.vector_load %arg12[%get3A_1710] {strides = array<i32>} : memref<1024xf32, #tpu.memory_space<vmem>>, vector<16xf32>,
    %sub3A_1712 = arith.subf %get3A_1705, %get3A_1709 : vector<16xf32>
    %abs3A_1713 = math.absf %sub3A_1712 : vector<16xf32>
    %mul3A_1714 = arith.mulf %abs3A_1713, %get3A_1711 : vector<16xf32>
    %add3A_1715 = arith.addf %add3A_1703, %mul3A_1714 : vector<16xf32>
    %get3A_1716 = arith.constant 848 : index
    %get3A_1717 = tpu.vector_load %arg11[%get3A_1716] {strides = array<i32>} : memref<1024xf32, #tpu.memory_space<vmem>>, vector<16xf32>,
    %get3A_1718 = arith.constant 6 : i32
    %get3A_1719 = arith.index_cast %get3A_1718 : i32 to index
    %get3A_1720 = arith.constant 80 : index
    %get3A_1721 = tpu.vector_load %arg10[%get3A_1719, %get3A_1720] {strides = array<i32>} : memref<8x128xf32, #tpu.memory_space<vmem>>, vector<16xf32>,
    %get3A_1722 = arith.constant 848 : index
    %get3A_1723 = tpu.vector_load %arg12[%get3A_1722] {strides = array<i32>} : memref<1024xf32, #tpu.memory_space<vmem>>, vector<16xf32>,
    %sub3A_1724 = arith.subf %get3A_1717, %get3A_1721 : vector<16xf32>
    %abs3A_1725 = math.absf %sub3A_1724 : vector<16xf32>
    %mul3A_1726 = arith.mulf %abs3A_1725, %get3A_1723 : vector<16xf32>
    %add3A_1727 = arith.addf %add3A_1715, %mul3A_1726 : vector<16xf32>
    %get3A_1728 = arith.constant 864 : index
    %get3A_1729 = tpu.vector_load %arg11[%get3A_1728] {strides = array<i32>} : memref<1024xf32, #tpu.memory_space<vmem>>, vector<16xf32>,
    %get3A_1730 = arith.constant 6 : i32
    %get3A_1731 = arith.index_cast %get3A_1730 : i32 to index
    %get3A_1732 = arith.constant 96 : index
    %get3A_1733 = tpu.vector_load %arg10[%get3A_1731, %get3A_1732] {strides = array<i32>} : memref<8x128xf32, #tpu.memory_space<vmem>>, vector<16xf32>,
    %get3A_1734 = arith.constant 864 : index
    %get3A_1735 = tpu.vector_load %arg12[%get3A_1734] {strides = array<i32>} : memref<1024xf32, #tpu.memory_space<vmem>>, vector<16xf32>,
    %sub3A_1736 = arith.subf %get3A_1729, %get3A_1733 : vector<16xf32>
    %abs3A_1737 = math.absf %sub3A_1736 : vector<16xf32>
    %mul3A_1738 = arith.mulf %abs3A_1737, %get3A_1735 : vector<16xf32>
    %add3A_1739 = arith.addf %add3A_1727, %mul3A_1738 : vector<16xf32>
    %get3A_1740 = arith.constant 880 : index
    %get3A_1741 = tpu.vector_load %arg11[%get3A_1740] {strides = array<i32>} : memref<1024xf32, #tpu.memory_space<vmem>>, vector<16xf32>,
    %get3A_1742 = arith.constant 6 : i32
    %get3A_1743 = arith.index_cast %get3A_1742 : i32 to index
    %get3A_1744 = arith.constant 112 : index
    %get3A_1745 = tpu.vector_load %arg10[%get3A_1743, %get3A_1744] {strides = array<i32>} : memref<8x128xf32, #tpu.memory_space<vmem>>, vector<16xf32>,
    %get3A_1746 = arith.constant 880 : index
    %get3A_1747 = tpu.vector_load %arg12[%get3A_1746] {strides = array<i32>} : memref<1024xf32, #tpu.memory_space<vmem>>, vector<16xf32>,
    %sub3A_1748 = arith.subf %get3A_1741, %get3A_1745 : vector<16xf32>
    %abs3A_1749 = math.absf %sub3A_1748 : vector<16xf32>
    %mul3A_1750 = arith.mulf %abs3A_1749, %get3A_1747 : vector<16xf32>
    %add3A_1751 = arith.addf %add3A_1739, %mul3A_1750 : vector<16xf32>
    %get3A_1752 = arith.constant 896 : index
    %get3A_1753 = tpu.vector_load %arg11[%get3A_1752] {strides = array<i32>} : memref<1024xf32, #tpu.memory_space<vmem>>, vector<16xf32>,
    %get3A_1754 = arith.constant 7 : i32
    %get3A_1755 = arith.index_cast %get3A_1754 : i32 to index
    %get3A_1756 = arith.constant 0 : index
    %get3A_1757 = tpu.vector_load %arg10[%get3A_1755, %get3A_1756] {strides = array<i32>} : memref<8x128xf32, #tpu.memory_space<vmem>>, vector<16xf32>,
    %get3A_1758 = arith.constant 896 : index
    %get3A_1759 = tpu.vector_load %arg12[%get3A_1758] {strides = array<i32>} : memref<1024xf32, #tpu.memory_space<vmem>>, vector<16xf32>,
    %sub3A_1760 = arith.subf %get3A_1753, %get3A_1757 : vector<16xf32>
    %abs3A_1761 = math.absf %sub3A_1760 : vector<16xf32>
    %mul3A_1762 = arith.mulf %abs3A_1761, %get3A_1759 : vector<16xf32>
    %add3A_1763 = arith.addf %add3A_1751, %mul3A_1762 : vector<16xf32>
    %get3A_1764 = arith.constant 912 : index
    %get3A_1765 = tpu.vector_load %arg11[%get3A_1764] {strides = array<i32>} : memref<1024xf32, #tpu.memory_space<vmem>>, vector<16xf32>,
    %get3A_1766 = arith.constant 7 : i32
    %get3A_1767 = arith.index_cast %get3A_1766 : i32 to index
    %get3A_1768 = arith.constant 16 : index
    %get3A_1769 = tpu.vector_load %arg10[%get3A_1767, %get3A_1768] {strides = array<i32>} : memref<8x128xf32, #tpu.memory_space<vmem>>, vector<16xf32>,
    %get3A_1770 = arith.constant 912 : index
    %get3A_1771 = tpu.vector_load %arg12[%get3A_1770] {strides = array<i32>} : memref<1024xf32, #tpu.memory_space<vmem>>, vector<16xf32>,
    %sub3A_1772 = arith.subf %get3A_1765, %get3A_1769 : vector<16xf32>
    %abs3A_1773 = math.absf %sub3A_1772 : vector<16xf32>
    %mul3A_1774 = arith.mulf %abs3A_1773, %get3A_1771 : vector<16xf32>
    %add3A_1775 = arith.addf %add3A_1763, %mul3A_1774 : vector<16xf32>
    %get3A_1776 = arith.constant 928 : index
    %get3A_1777 = tpu.vector_load %arg11[%get3A_1776] {strides = array<i32>} : memref<1024xf32, #tpu.memory_space<vmem>>, vector<16xf32>,
    %get3A_1778 = arith.constant 7 : i32
    %get3A_1779 = arith.index_cast %get3A_1778 : i32 to index
    %get3A_1780 = arith.constant 32 : index
    %get3A_1781 = tpu.vector_load %arg10[%get3A_1779, %get3A_1780] {strides = array<i32>} : memref<8x128xf32, #tpu.memory_space<vmem>>, vector<16xf32>,
    %get3A_1782 = arith.constant 928 : index
    %get3A_1783 = tpu.vector_load %arg12[%get3A_1782] {strides = array<i32>} : memref<1024xf32, #tpu.memory_space<vmem>>, vector<16xf32>,
    %sub3A_1784 = arith.subf %get3A_1777, %get3A_1781 : vector<16xf32>
    %abs3A_1785 = math.absf %sub3A_1784 : vector<16xf32>
    %mul3A_1786 = arith.mulf %abs3A_1785, %get3A_1783 : vector<16xf32>
    %add3A_1787 = arith.addf %add3A_1775, %mul3A_1786 : vector<16xf32>
    %get3A_1788 = arith.constant 944 : index
    %get3A_1789 = tpu.vector_load %arg11[%get3A_1788] {strides = array<i32>} : memref<1024xf32, #tpu.memory_space<vmem>>, vector<16xf32>,
    %get3A_1790 = arith.constant 7 : i32
    %get3A_1791 = arith.index_cast %get3A_1790 : i32 to index
    %get3A_1792 = arith.constant 48 : index
    %get3A_1793 = tpu.vector_load %arg10[%get3A_1791, %get3A_1792] {strides = array<i32>} : memref<8x128xf32, #tpu.memory_space<vmem>>, vector<16xf32>,
    %get3A_1794 = arith.constant 944 : index
    %get3A_1795 = tpu.vector_load %arg12[%get3A_1794] {strides = array<i32>} : memref<1024xf32, #tpu.memory_space<vmem>>, vector<16xf32>,
    %sub3A_1796 = arith.subf %get3A_1789, %get3A_1793 : vector<16xf32>
    %abs3A_1797 = math.absf %sub3A_1796 : vector<16xf32>
    %mul3A_1798 = arith.mulf %abs3A_1797, %get3A_1795 : vector<16xf32>
    %add3A_1799 = arith.addf %add3A_1787, %mul3A_1798 : vector<16xf32>
    %get3A_1800 = arith.constant 960 : index
    %get3A_1801 = tpu.vector_load %arg11[%get3A_1800] {strides = array<i32>} : memref<1024xf32, #tpu.memory_space<vmem>>, vector<16xf32>,
    %get3A_1802 = arith.constant 7 : i32
    %get3A_1803 = arith.index_cast %get3A_1802 : i32 to index
    %get3A_1804 = arith.constant 64 : index
    %get3A_1805 = tpu.vector_load %arg10[%get3A_1803, %get3A_1804] {strides = array<i32>} : memref<8x128xf32, #tpu.memory_space<vmem>>, vector<16xf32>,
    %get3A_1806 = arith.constant 960 : index
    %get3A_1807 = tpu.vector_load %arg12[%get3A_1806] {strides = array<i32>} : memref<1024xf32, #tpu.memory_space<vmem>>, vector<16xf32>,
    %sub3A_1808 = arith.subf %get3A_1801, %get3A_1805 : vector<16xf32>
    %abs3A_1809 = math.absf %sub3A_1808 : vector<16xf32>
    %mul3A_1810 = arith.mulf %abs3A_1809, %get3A_1807 : vector<16xf32>
    %add3A_1811 = arith.addf %add3A_1799, %mul3A_1810 : vector<16xf32>
    %get3A_1812 = arith.constant 976 : index
    %get3A_1813 = tpu.vector_load %arg11[%get3A_1812] {strides = array<i32>} : memref<1024xf32, #tpu.memory_space<vmem>>, vector<16xf32>,
    %get3A_1814 = arith.constant 7 : i32
    %get3A_1815 = arith.index_cast %get3A_1814 : i32 to index
    %get3A_1816 = arith.constant 80 : index
    %get3A_1817 = tpu.vector_load %arg10[%get3A_1815, %get3A_1816] {strides = array<i32>} : memref<8x128xf32, #tpu.memory_space<vmem>>, vector<16xf32>,
    %get3A_1818 = arith.constant 976 : index
    %get3A_1819 = tpu.vector_load %arg12[%get3A_1818] {strides = array<i32>} : memref<1024xf32, #tpu.memory_space<vmem>>, vector<16xf32>,
    %sub3A_1820 = arith.subf %get3A_1813, %get3A_1817 : vector<16xf32>
    %abs3A_1821 = math.absf %sub3A_1820 : vector<16xf32>
    %mul3A_1822 = arith.mulf %abs3A_1821, %get3A_1819 : vector<16xf32>
    %add3A_1823 = arith.addf %add3A_1811, %mul3A_1822 : vector<16xf32>
    %get3A_1824 = arith.constant 992 : index
    %get3A_1825 = tpu.vector_load %arg11[%get3A_1824] {strides = array<i32>} : memref<1024xf32, #tpu.memory_space<vmem>>, vector<16xf32>,
    %get3A_1826 = arith.constant 7 : i32
    %get3A_1827 = arith.index_cast %get3A_1826 : i32 to index
    %get3A_1828 = arith.constant 96 : index
    %get3A_1829 = tpu.vector_load %arg10[%get3A_1827, %get3A_1828] {strides = array<i32>} : memref<8x128xf32, #tpu.memory_space<vmem>>, vector<16xf32>,
    %get3A_1830 = arith.constant 992 : index
    %get3A_1831 = tpu.vector_load %arg12[%get3A_1830] {strides = array<i32>} : memref<1024xf32, #tpu.memory_space<vmem>>, vector<16xf32>,
    %sub3A_1832 = arith.subf %get3A_1825, %get3A_1829 : vector<16xf32>
    %abs3A_1833 = math.absf %sub3A_1832 : vector<16xf32>
    %mul3A_1834 = arith.mulf %abs3A_1833, %get3A_1831 : vector<16xf32>
    %add3A_1835 = arith.addf %add3A_1823, %mul3A_1834 : vector<16xf32>
    %get3A_1836 = arith.constant 1008 : index
    %get3A_1837 = tpu.vector_load %arg11[%get3A_1836] {strides = array<i32>} : memref<1024xf32, #tpu.memory_space<vmem>>, vector<16xf32>,
    %get3A_1838 = arith.constant 7 : i32
    %get3A_1839 = arith.index_cast %get3A_1838 : i32 to index
    %get3A_1840 = arith.constant 112 : index
    %get3A_1841 = tpu.vector_load %arg10[%get3A_1839, %get3A_1840] {strides = array<i32>} : memref<8x128xf32, #tpu.memory_space<vmem>>, vector<16xf32>,
    %get3A_1842 = arith.constant 1008 : index
    %get3A_1843 = tpu.vector_load %arg12[%get3A_1842] {strides = array<i32>} : memref<1024xf32, #tpu.memory_space<vmem>>, vector<16xf32>,
    %sub3A_1844 = arith.subf %get3A_1837, %get3A_1841 : vector<16xf32>
    %abs3A_1845 = math.absf %sub3A_1844 : vector<16xf32>
    %mul3A_1846 = arith.mulf %abs3A_1845, %get3A_1843 : vector<16xf32>
    %add3A_1847 = arith.addf %add3A_1835, %mul3A_1846 : vector<16xf32>
    %broadcast_in_dim3A_1848 = arith.constant 0.000000e+00 : f32
    %broadcast_in_dim3A_1849 = vector.broadcast %broadcast_in_dim3A_1848 : f32 to vector<16xf32>
    %get3A_1850 = arith.constant 0 : index
    %get3A_1851 = tpu.vector_load %arg8[%get3A_1850] {strides = array<i32>} : memref<128xi32, #tpu.memory_space<vmem>>, vector<16xi32>,
    %convert_element_type3A_1852 = arith.sitofp %get3A_1851 : vector<16xi32> to vector<16xf32>
    %add3A_1853 = arith.addf %broadcast_in_dim3A_1849, %convert_element_type3A_1852 : vector<16xf32>
    %get3A_1854 = arith.constant 16 : index
    %get3A_1855 = tpu.vector_load %arg8[%get3A_1854] {strides = array<i32>} : memref<128xi32, #tpu.memory_space<vmem>>, vector<16xi32>,
    %convert_element_type3A_1856 = arith.sitofp %get3A_1855 : vector<16xi32> to vector<16xf32>
    %add3A_1857 = arith.addf %add3A_1853, %convert_element_type3A_1856 : vector<16xf32>
    %get3A_1858 = arith.constant 32 : index
    %get3A_1859 = tpu.vector_load %arg8[%get3A_1858] {strides = array<i32>} : memref<128xi32, #tpu.memory_space<vmem>>, vector<16xi32>,
    %convert_element_type3A_1860 = arith.sitofp %get3A_1859 : vector<16xi32> to vector<16xf32>
    %add3A_1861 = arith.addf %add3A_1857, %convert_element_type3A_1860 : vector<16xf32>
    %get3A_1862 = arith.constant 48 : index
    %get3A_1863 = tpu.vector_load %arg8[%get3A_1862] {strides = array<i32>} : memref<128xi32, #tpu.memory_space<vmem>>, vector<16xi32>,
    %convert_element_type3A_1864 = arith.sitofp %get3A_1863 : vector<16xi32> to vector<16xf32>
    %add3A_1865 = arith.addf %add3A_1861, %convert_element_type3A_1864 : vector<16xf32>
    %get3A_1866 = arith.constant 64 : index
    %get3A_1867 = tpu.vector_load %arg8[%get3A_1866] {strides = array<i32>} : memref<128xi32, #tpu.memory_space<vmem>>, vector<16xi32>,
    %convert_element_type3A_1868 = arith.sitofp %get3A_1867 : vector<16xi32> to vector<16xf32>
    %add3A_1869 = arith.addf %add3A_1865, %convert_element_type3A_1868 : vector<16xf32>
    %get3A_1870 = arith.constant 80 : index
    %get3A_1871 = tpu.vector_load %arg8[%get3A_1870] {strides = array<i32>} : memref<128xi32, #tpu.memory_space<vmem>>, vector<16xi32>,
    %convert_element_type3A_1872 = arith.sitofp %get3A_1871 : vector<16xi32> to vector<16xf32>
    %add3A_1873 = arith.addf %add3A_1869, %convert_element_type3A_1872 : vector<16xf32>
    %get3A_1874 = arith.constant 96 : index
    %get3A_1875 = tpu.vector_load %arg8[%get3A_1874] {strides = array<i32>} : memref<128xi32, #tpu.memory_space<vmem>>, vector<16xi32>,
    %convert_element_type3A_1876 = arith.sitofp %get3A_1875 : vector<16xi32> to vector<16xf32>
    %add3A_1877 = arith.addf %add3A_1873, %convert_element_type3A_1876 : vector<16xf32>
    %get3A_1878 = arith.constant 112 : index
    %get3A_1879 = tpu.vector_load %arg8[%get3A_1878] {strides = array<i32>} : memref<128xi32, #tpu.memory_space<vmem>>, vector<16xi32>,
    %convert_element_type3A_1880 = arith.sitofp %get3A_1879 : vector<16xi32> to vector<16xf32>
    %add3A_1881 = arith.addf %add3A_1877, %convert_element_type3A_1880 : vector<16xf32>
    %reduce_sum3A = arith.constant true
    %reduce_sum3A_1882 = vector.broadcast %reduce_sum3A : i1 to vector<16xi1>
    %reduce_sum3A_1883 = tpu.scan <sum>, %add3A_1847 masked %reduce_sum3A_1882 : vector<16xf32>, vector<16xi1> -> vector<16xf32>
    %reduce_sum3A_1884 = vector.extract %reduce_sum3A_1883[15] : f32 from vector<16xf32>
    %reduce_sum3A_1885 = arith.constant true
    %reduce_sum3A_1886 = vector.broadcast %reduce_sum3A_1885 : i1 to vector<16xi1>
    %reduce_sum3A_1887 = tpu.scan <sum>, %add3A_1881 masked %reduce_sum3A_1886 : vector<16xf32>, vector<16xi1> -> vector<16xf32>
    %reduce_sum3A_1888 = vector.extract %reduce_sum3A_1887[15] : f32 from vector<16xf32>
    %broadcast_in_dim3A_1889 = arith.constant 0.000000e+00 : f32
    %broadcast_in_dim3A_1890 = vector.broadcast %broadcast_in_dim3A_1889 : f32 to vector<16xf32>
    %eq3A_1891 = arith.constant 0 : i32
    %eq3A_1892 = vector.broadcast %eq3A_1891 : i32 to vector<16xi32>
    %eq3A_1893 = arith.cmpi eq, %iota3A, %eq3A_1892 : vector<16xi32>
    %broadcast_in_dim3A_1894 = vector.broadcast %reduce_sum3A_1884 : f32 to vector<16xf32>
    %eq3A_1895 = arith.constant 1 : i32
    %eq3A_1896 = vector.broadcast %eq3A_1895 : i32 to vector<16xi32>
    %eq3A_1897 = arith.cmpi eq, %iota3A, %eq3A_1896 : vector<16xi32>
    %broadcast_in_dim3A_1898 = vector.broadcast %reduce_sum3A_1888 : f32 to vector<16xf32>
    %select_n3A_1899 = arith.select %eq3A_1897, %broadcast_in_dim3A_1898, %broadcast_in_dim3A_1890 : vector<16xi1>, vector<16xf32>
    %select_n3A_1900 = arith.select %eq3A_1893, %broadcast_in_dim3A_1894, %select_n3A_1899 : vector<16xi1>, vector<16xf32>
    %swap3A_1901 = arith.constant 0 : index
    %swap3A_1902 = tpu.vector_load %arg13[%swap3A_1901] {strides = array<i32>} : memref<16xf32, #tpu.memory_space<vmem>>, vector<16xf32>,
    tpu.vector_store %arg13[%swap3A_1901], %select_n3A_1900 {strides = array<i32>} : memref<16xf32, #tpu.memory_space<vmem>>, vector<16xf32>,
    "tpu.region"() ({
      %run_scoped3A = tpu.sem_alloc : memref<!tpu.dma_semaphore, #tpu.memory_space<semaphore_mem>>
      %dma_start3A_1907 = arith.constant 0 : i32
      %dma_start3A_1908 = tpu.memref_slice %arg15[%arg1, %dma_start3A_1907] : memref<16x16xf32, #tpu.memory_space<vmem_shared>> -> memref<1x16xf32, #tpu.memory_space<vmem_shared>>
      %dma_start3A_1909 = tpu.memref_squeeze %dma_start3A_1908 : memref<1x16xf32, #tpu.memory_space<vmem_shared>> -> memref<16xf32, #tpu.memory_space<vmem_shared>>
      %dma_start3A_1910 = arith.constant 0 : i32
      %dma_start3A_1911 = tpu.memref_slice %arg15[%arg1, %dma_start3A_1910] : memref<16x16xf32, #tpu.memory_space<vmem_shared>> -> memref<1x16xf32, #tpu.memory_space<vmem_shared>>
      %dma_start3A_1912 = tpu.memref_squeeze %dma_start3A_1911 : memref<1x16xf32, #tpu.memory_space<vmem_shared>> -> memref<16xf32, #tpu.memory_space<vmem_shared>>
      tpu.enqueue_dma source(%arg13 : memref<16xf32, #tpu.memory_space<vmem>>) target(%dma_start3A_1912 : memref<16xf32, #tpu.memory_space<vmem_shared>>) target_semaphore(%run_scoped3A : memref<!tpu.dma_semaphore, #tpu.memory_space<semaphore_mem>>)
      %dma_wait3A_1913 = arith.constant 0 : i32
      %dma_wait3A_1914 = tpu.memref_slice %arg15[%arg1, %dma_wait3A_1913] : memref<16x16xf32, #tpu.memory_space<vmem_shared>> -> memref<1x16xf32, #tpu.memory_space<vmem_shared>>
      %dma_wait3A_1915 = tpu.memref_squeeze %dma_wait3A_1914 : memref<1x16xf32, #tpu.memory_space<vmem_shared>> -> memref<16xf32, #tpu.memory_space<vmem_shared>>
      %dma_wait3A_1916 = arith.constant 0 : i32
      %dma_wait3A_1917 = tpu.memref_slice %arg15[%arg1, %dma_wait3A_1916] : memref<16x16xf32, #tpu.memory_space<vmem_shared>> -> memref<1x16xf32, #tpu.memory_space<vmem_shared>>
      %dma_wait3A_1918 = tpu.memref_squeeze %dma_wait3A_1917 : memref<1x16xf32, #tpu.memory_space<vmem_shared>> -> memref<16xf32, #tpu.memory_space<vmem_shared>>
      tpu.wait_dma2 semaphore(%run_scoped3A : memref<!tpu.dma_semaphore, #tpu.memory_space<semaphore_mem>>) src(%arg13 : memref<16xf32, #tpu.memory_space<vmem>>) dst(%dma_wait3A_1918 : memref<16xf32, #tpu.memory_space<vmem_shared>>)
      tpu.yield
    }) : () -> ()
    %barrier3A = arith.constant 0 : index
    tpu.barrier barrier_id(%barrier3A)
    %eq3A_1903 = arith.constant 0 : i32
    %eq3A_1904 = arith.cmpi eq, %select_n3A_30, %eq3A_1903 : i32
    %convert_element_type3A_1905 = arith.extui %eq3A_1904 : i1 to i32
    %cond3A = arith.constant 0 : i32
    %cond3A_1906 = arith.cmpi ne, %convert_element_type3A_1905, %cond3A : i32
    scf.if %cond3A_1906 {
      %add3A_1907 = arith.constant 1 : i32
      %add3A_1908 = arith.addi %arg1, %add3A_1907 : i32
      "tpu.region"() ({
        %run_scoped3A = tpu.sem_alloc : memref<!tpu.dma_semaphore, #tpu.memory_space<semaphore_mem>>
        %dma_start3A_1932 = arith.constant 0 : i32
        %dma_start3A_1933 = tpu.memref_slice %arg15[%add3A_1908, %dma_start3A_1932] : memref<16x16xf32, #tpu.memory_space<vmem_shared>> -> memref<1x16xf32, #tpu.memory_space<vmem_shared>>
        %dma_start3A_1934 = tpu.memref_squeeze %dma_start3A_1933 : memref<1x16xf32, #tpu.memory_space<vmem_shared>> -> memref<16xf32, #tpu.memory_space<vmem_shared>>
        %dma_start3A_1935 = arith.constant 0 : i32
        %dma_start3A_1936 = tpu.memref_slice %arg15[%add3A_1908, %dma_start3A_1935] : memref<16x16xf32, #tpu.memory_space<vmem_shared>> -> memref<1x16xf32, #tpu.memory_space<vmem_shared>>
        %dma_start3A_1937 = tpu.memref_squeeze %dma_start3A_1936 : memref<1x16xf32, #tpu.memory_space<vmem_shared>> -> memref<16xf32, #tpu.memory_space<vmem_shared>>
        tpu.enqueue_dma source(%dma_start3A_1937 : memref<16xf32, #tpu.memory_space<vmem_shared>>) target(%arg14 : memref<16xf32, #tpu.memory_space<vmem>>) target_semaphore(%run_scoped3A : memref<!tpu.dma_semaphore, #tpu.memory_space<semaphore_mem>>)
        %dma_wait3A_1938 = arith.constant 0 : i32
        %dma_wait3A_1939 = tpu.memref_slice %arg15[%add3A_1908, %dma_wait3A_1938] : memref<16x16xf32, #tpu.memory_space<vmem_shared>> -> memref<1x16xf32, #tpu.memory_space<vmem_shared>>
        %dma_wait3A_1940 = tpu.memref_squeeze %dma_wait3A_1939 : memref<1x16xf32, #tpu.memory_space<vmem_shared>> -> memref<16xf32, #tpu.memory_space<vmem_shared>>
        %dma_wait3A_1941 = arith.constant 0 : i32
        %dma_wait3A_1942 = tpu.memref_slice %arg15[%add3A_1908, %dma_wait3A_1941] : memref<16x16xf32, #tpu.memory_space<vmem_shared>> -> memref<1x16xf32, #tpu.memory_space<vmem_shared>>
        %dma_wait3A_1943 = tpu.memref_squeeze %dma_wait3A_1942 : memref<1x16xf32, #tpu.memory_space<vmem_shared>> -> memref<16xf32, #tpu.memory_space<vmem_shared>>
        tpu.wait_dma2 semaphore(%run_scoped3A : memref<!tpu.dma_semaphore, #tpu.memory_space<semaphore_mem>>) src(%dma_wait3A_1943 : memref<16xf32, #tpu.memory_space<vmem_shared>>) dst(%arg14 : memref<16xf32, #tpu.memory_space<vmem>>)
        tpu.yield
      }) : () -> ()
      %mul3A_1909 = arith.constant 0 : i32
      %mul3A_1910 = vector.broadcast %mul3A_1909 : i32 to vector<16xi32>
      %mul3A_1911 = arith.muli %iota3A, %mul3A_1910 : vector<16xi32>
      %gather3A_1912 = tpu.vector_load_idx %arg14[%mul3A_1911] : memref<16xf32, #tpu.memory_space<vmem>>[vector<16xi32>], vector<16xf32>,
      %mul3A_1913 = arith.constant 0 : i32
      %mul3A_1914 = vector.broadcast %mul3A_1913 : i32 to vector<16xi32>
      %mul3A_1915 = arith.muli %iota3A, %mul3A_1914 : vector<16xi32>
      %add3A_1916 = arith.constant 1 : i32
      %add3A_1917 = vector.broadcast %add3A_1916 : i32 to vector<16xi32>
      %add3A_1918 = arith.addi %mul3A_1915, %add3A_1917 : vector<16xi32>
      %gather3A_1919 = tpu.vector_load_idx %arg14[%add3A_1918] : memref<16xf32, #tpu.memory_space<vmem>>[vector<16xi32>], vector<16xf32>,
      %broadcast_in_dim3A_1920 = vector.broadcast %reduce_sum3A_1884 : f32 to vector<16xf32>
      %add3A_1921 = arith.addf %broadcast_in_dim3A_1920, %gather3A_1912 : vector<16xf32>
      %broadcast_in_dim3A_1922 = vector.broadcast %reduce_sum3A_1888 : f32 to vector<16xf32>
      %add3A_1923 = arith.addf %broadcast_in_dim3A_1922, %gather3A_1919 : vector<16xf32>
      %add3A_1924 = arith.constant 9.99999974E-5 : f32
      %add3A_1925 = vector.broadcast %add3A_1924 : f32 to vector<16xf32>
      %add3A_1926 = arith.addf %add3A_1923, %add3A_1925 : vector<16xf32>
      %div3A_1927 = arith.divf %add3A_1921, %add3A_1926 : vector<16xf32>
      %swap3A_1928 = arith.constant 0 : index
      %swap3A_1929 = tpu.vector_load %arg13[%swap3A_1928] {strides = array<i32>} : memref<16xf32, #tpu.memory_space<vmem>>, vector<16xf32>,
      tpu.vector_store %arg13[%swap3A_1928], %div3A_1927 {strides = array<i32>} : memref<16xf32, #tpu.memory_space<vmem>>, vector<16xf32>,
      %mul3A_1930 = arith.constant 16 : i32
      %mul3A_1931 = arith.muli %add3A, %mul3A_1930 : i32
      "tpu.region"() ({
        %run_scoped3A = tpu.sem_alloc : memref<!tpu.dma_semaphore, #tpu.memory_space<semaphore_mem>>
        %dma_start3A_1932 = tpu.memref_slice %arg6[%mul3A_1931] : memref<256xf32, #tpu.memory_space<hbm>> -> memref<16xf32, #tpu.memory_space<hbm>>
        %dma_start3A_1933 = tpu.memref_slice %arg6[%mul3A_1931] : memref<256xf32, #tpu.memory_space<hbm>> -> memref<16xf32, #tpu.memory_space<hbm>>
        tpu.enqueue_dma source(%arg13 : memref<16xf32, #tpu.memory_space<vmem>>) target(%dma_start3A_1933 : memref<16xf32, #tpu.memory_space<hbm>>) target_semaphore(%run_scoped3A : memref<!tpu.dma_semaphore, #tpu.memory_space<semaphore_mem>>)
        %dma_wait3A_1934 = tpu.memref_slice %arg6[%mul3A_1931] : memref<256xf32, #tpu.memory_space<hbm>> -> memref<16xf32, #tpu.memory_space<hbm>>
        %dma_wait3A_1935 = tpu.memref_slice %arg6[%mul3A_1931] : memref<256xf32, #tpu.memory_space<hbm>> -> memref<16xf32, #tpu.memory_space<hbm>>
        tpu.wait_dma2 semaphore(%run_scoped3A : memref<!tpu.dma_semaphore, #tpu.memory_space<semaphore_mem>>) src(%arg13 : memref<16xf32, #tpu.memory_space<vmem>>) dst(%dma_wait3A_1935 : memref<16xf32, #tpu.memory_space<hbm>>)
        tpu.yield
      }) : () -> ()
    } else {
    }
    return
  }
}

</mosaic_0001>

<sc_bundles>
// kernel: kernel.3.cloned.1.call-start
scs
__scs_entry_jumppad:
0x0: {  	(pc) =	sbr.rel $0x88, $3  }
0x1: {  	(tag) =	ssettag $0x0;
	lr =	simm.s32 $0x1  }
0x2: {  	[smem:$0x3F9D] =	sst lr;
	_ =	strace $0xD0000000  }
0x3: {  	_ = 	snop  }
0x4: {  	_ = 	snop  }
0x5: {  	_ = 	snop  }
0x6: {  	_ = 	snop  }
0x7: {  	_ = 	snop  }
__scs_overlays_trampoline_lowered:
0x8: {  	[smem:$0x3FAC] =	sst s0  }
0x9: {  	[smem:$0x3FAD] =	sst s1  }
0xa: {  	[smem:$0x3FAE] =	sst s2  }
0xb: {  	[smem:$0x3FAF] =	sst s3  }
0xc: {  	[smem:$0x3FB0] =	sst s4  }
0xd: {  	[smem:$0x3FB1] =	sst s5  }
0xe: {  	[smem:$0x3FB2] =	sst s6  }
0xf: {  	[smem:$0x3FB3] =	sst s7  }
0x10: {  	[smem:$0x3FB4] =	sst s8  }
0x11: {  	[smem:$0x3FB5] =	sst s9;
	s0 =	simm.s32 @!p0 $0x0  }
0x12: {  	s1 =	sld [smem:$0x3F9B];
	s0 =	simm.s32 @p0 $0x1  }
0x13: {  	[smem:$0x3FB6] =	sst s0;
	s0 =	simm.s32 @!p1 $0x0  }
0x14: {  	s2 =	sld [smem:$0x3F9A];
	s0 =	simm.s32 @p1 $0x1  }
0x15: {  	[smem:$0x3FB7] =	sst s0;
	s0 =	simm.s32 @!p2 $0x0  }
0x16: {  	s3 =	sld [smem:$0x3FDB];
	s0 =	simm.s32 @p2 $0x1  }
0x17: {  	s4 =	simm.s32 $0x1BF5;
	[smem:$0x3FB9] =	sst s0  }
0x18: {  	s0 =	sld [smem:$0x3F9C];
	_ =	swait.ge [sflag:s4], $0x0  }
0x19: {  	s7 =	sld [smem:$0x3F9D]  }
0x1a: {  	s8 =	sadd.s32 $0xFFFFE003, lr  }
0x1b: {  	s9 =	sadd.s32 $0xFFFFFEF7, lr;
	s5 =	simm.s32 $0xFFFFFFFF;
	p2 =	slt.u32 s8, $0xFFFFF086  }
0x1c: {  	p1 =	slt.u32 s9, $0xF7A;
	s5 =	simm.s32 @!p2 $0x0  }
0x1d: {  	s5 =	simm.s32 @p1 $0x1;
	p0 =	seq.s32 s7, s2  }
0x1e: {  	s7 =	smul.u32 @!p0 $0xF7A, s2;
	p2 =	seq.s32 @!p0 s5, $0x0  }
0x1f: {  	s9 =	smul.u32 $0xF7A, s1;
	s8 =	simm.s32 @!p0 $0x1BF5;
	p2 =	por !p2, p0  }
0x20: {  	[sflag:s8] =	ssyncset.s32 @!p0 $0xFFFFF086;
	s6 =	sadd.s32 @!p0 s3, s7;
	s7 =	simm.s32 @!p0 $0x108  }
0x21: {  	s3 =	sadd.s32 s3, s9;
	s6 =	sadd.s32 @!p0 $0x88, s6;
	s7 =	simm.s32 @p2 $0x1082  }
0x22: {  	[simem:s7], [sflag:s8] =	dma.local @!p0 [hbm:s6], $0xF7A  }
0x23: {  	s9 =	sor.u32 $0xD0000000, s2;
	s6 =	simm.s32 $0x108;
	_ =	swait.ge @!p0 [sflag:s8], $0x0  }
0x24: {  	s3 =	sadd.s32 $0x88, s3;
	s6 =	simm.s32 @!p1 $0x1082;
	[sflag:s4] =	ssyncset.s32 $0xFFFFF086  }
0x25: {  	[simem:s6], [sflag:s4] =	dma.local [hbm:s3], $0xF7A  }
0x26: {  	[smem:$0x3F9D] =	sst s1;
	(tag) =	ssettag s2;
	_ =	strace s9  }
0x27: {  	s1 =	sld [smem:$0x3FAD]  }
0x28: {  	s2 =	sld [smem:$0x3FAE]  }
0x29: {  	s4 =	sld [smem:$0x3FB0]  }
0x2a: {  	p0 =	seq.s32 s5, $0x0;
	s5 =	sld [smem:$0x3FB1]  }
0x2b: {  	s6 =	sld [smem:$0x3FB2]  }
0x2c: {  	s7 =	sld [smem:$0x3FB3]  }
0x2d: {  	s3 =	simm.s32 $0x108;
	s8 =	sld [smem:$0x3FB4]  }
0x2e: {  	s3 =	simm.s32 @!p0 $0x1082;
	s9 =	sld [smem:$0x3FB5]  }
0x2f: {  	lr =	sadd.s32 s0, s3;
	s0 =	sld [smem:$0x3FAC]  }
0x30: {  	s3 =	sld [smem:$0x3FAF]  }
0x31: {  	[smem:$0x3FB8] =	sst s10  }
0x32: {  	s10 =	sld [smem:$0x3FB6];
	_ =	sdelay $0x3  }
0x33: {  	p0 =	seq.s32 s10, $0x1;
	s10 =	sld [smem:$0x3FB8];
	_ =	sdelay $0x3  }
0x34: {  	[smem:$0x3FB8] =	sst s10  }
0x35: {  	s10 =	sld [smem:$0x3FB7];
	_ =	sdelay $0x3  }
0x36: {  	p1 =	seq.s32 s10, $0x1;
	s10 =	sld [smem:$0x3FB8];
	_ =	sdelay $0x3  }
0x37: {  	[smem:$0x3FB8] =	sst s10  }
0x38: {  	s10 =	sld [smem:$0x3FB9]  }
0x39: {  	_ = 	snop;
	(pc) =	sbr.ind lr, $3  }
0x3a: {  	_ = 	snop  }
0x3b: {  	_ = 	snop  }
0x3c: {  	p2 =	seq.s32 s10, $0x1;
	s10 =	sld [smem:$0x3FB8]  }
0x3d: {  	_ =	shalt  }
0x3e: {  	_ =	shalt  }
0x3f: {  	_ =	shalt  }
0x40: {  	_ =	shalt  }
0x41: {  	_ =	shalt  }
0x42: {  	_ =	shalt  }
0x43: {  	_ =	shalt  }
0x44: {  	_ =	shalt  }
0x45: {  	_ =	shalt  }
0x46: {  	_ =	shalt  }
0x47: {  	_ =	shalt  }
0x48: {  	_ =	shalt  }
0x49: {  	_ =	shalt  }
0x4a: {  	_ =	shalt  }
0x4b: {  	_ =	shalt  }
0x4c: {  	_ =	shalt  }
0x4d: {  	_ =	shalt  }
0x4e: {  	_ =	shalt  }
0x4f: {  	_ =	shalt  }
0x50: {  	_ =	shalt  }
0x51: {  	_ =	shalt  }
0x52: {  	_ =	shalt  }
0x53: {  	_ =	shalt  }
0x54: {  	_ =	shalt  }
0x55: {  	_ =	shalt  }
0x56: {  	_ =	shalt  }
0x57: {  	_ =	shalt  }
0x58: {  	_ =	shalt  }
0x59: {  	_ =	shalt  }
0x5a: {  	_ =	shalt  }
0x5b: {  	_ =	shalt  }
0x5c: {  	_ =	shalt  }
0x5d: {  	_ =	shalt  }
0x5e: {  	_ =	shalt  }
0x5f: {  	_ =	shalt  }
0x60: {  	_ =	shalt  }
0x61: {  	_ =	shalt  }
0x62: {  	_ =	shalt  }
0x63: {  	_ =	shalt  }
0x64: {  	_ =	shalt  }
0x65: {  	_ =	shalt  }
0x66: {  	_ =	shalt  }
0x67: {  	_ =	shalt  }
0x68: {  	_ =	shalt  }
0x69: {  	_ =	shalt  }
0x6a: {  	_ =	shalt  }
0x6b: {  	_ =	shalt  }
0x6c: {  	_ =	shalt  }
0x6d: {  	_ =	shalt  }
0x6e: {  	_ =	shalt  }
0x6f: {  	_ =	shalt  }
0x70: {  	_ =	shalt  }
0x71: {  	_ =	shalt  }
0x72: {  	_ =	shalt  }
0x73: {  	_ =	shalt  }
0x74: {  	_ =	shalt  }
0x75: {  	_ =	shalt  }
0x76: {  	_ =	shalt  }
0x77: {  	_ =	shalt  }
0x78: {  	_ =	shalt  }
0x79: {  	_ =	shalt  }
0x7a: {  	_ =	shalt  }
0x7b: {  	_ =	shalt  }
0x7c: {  	_ =	shalt  }
0x7d: {  	_ =	shalt  }
0x7e: {  	_ =	shalt  }
0x7f: {  	_ =	shalt  }
0x80: {  	_ =	shalt  }
0x81: {  	_ =	shalt  }
0x82: {  	_ =	shalt  }
0x83: {  	_ =	shalt  }
0x84: {  	_ =	shalt  }
0x85: {  	_ =	shalt  }
0x86: {  	_ =	shalt  }
0x87: {  	_ =	shalt  }
.Lfunc_end0:
.L_simem_size_0:
called_computation.1_lowered:
.L_overlay_start_0:
0x88: {  	s2 =	sld [smem:$0x3FD9]  }
0x89: {  	s3 =	sld [smem:$0x3FFE];
	_ =	sdelay $0x1  }
0x8a: {  	s1 =	srdreg.scid  }
0x8b: {  	s0 =	sand.u32 $0x1, s1  }
0x8c: {  	s17 =	sshll.u32 s0, $0xA;
	s2 =	sadd.s32 s3, s2  }
0x8d: {  	s2 =	sadd.s32 s2, s17  }
0x8e: {  	[smem:$0x3FC4] =	sst s2  }
0x8f: {  	_ = 	snop  }
0x90: {  	s2 =	sld [smem:$0x3FC8]  }
0x91: {  	s18 =	sld [smem:$0x3FD0];
	(tm) =	ssettm $0x1  }
0x92: {  	s4 =	sld [smem:$0x3FFB];
	_ =	sdelay $0x3  }
0x93: {  	_ =	strace s4  }
0x94: {  	s4 =	sld [smem:$0x3FFC];
	_ =	sdelay $0x3  }
0x95: {  	_ =	strace s4  }
0x96: {  	s4 =	sld [smem:$0x3FFD];
	_ =	sdelay $0x3  }
0x97: {  	_ =	strace s4  }
0x98: {  	_ =	strace $0x8FFFFFFF  }
0x99: {  	s19 =	sld [smem:$0x3FDB];
	_ =	sdelay $0x1  }
0x9a: {  	s5 =	simm.s32 $_scs_section_size  }
0x9b: {  	s6 =	simm.s32 $_size__tile_overlayer_lowered;
	s7 =	simm.s32 $_tile_overlayer_lowered  }
0x9c: {  	s22 =	simm.s32 $0x1BFF;
	s21 =	sshll.u32 s7, $0x1;
	s4 =	sadd.s32 s5, s19  }
0x9d: {  	s8 =	simm.s32 $0x0;
	s20 =	sshll.u32 s6, $0x1;
	s6 =	sadd.s32 s21, s4  }
0x9e: {  	[timem:s8], [sflag:s22] =	dma.local [hbm:s6], s20  }
0x9f: {  	_ =	swait.ge [sflag:s22], s20  }
0xa0: {  	s5 =	ssub.s32 $0x0, s20;
	[sflag:s22] =	ssyncset.done $0x0  }
0xa1: {  	[sflag:s22] =	ssyncadd.s32 s5;
	_ =	sdelay $0x1  }
0xa2: {  	s23 =	simm.s32 $0x1B8B  }
0xa3: {  	_ =	swait.ge [sflag:s23], $0x1  }
0xa4: {  	[sflag:s23] =	ssyncset.done $0x0  }
0xa5: {  	s25 =	simm.s32 $0x1B8E;
	s24 =	sld [smem:$0x3FFE];
	[sflag:s23] =	ssyncadd.s32 $0xFFFFFFFF  }
0xa6: {  	s26 =	simm.s32 $execute0_lowered;
	[smem:$0x3FD2] =	sst s25  }
0xa7: {  	s6 =	sshll.u32 s26, $0x1;
	_ =	strace $0x80000049;
	[dreg:$0x1] =	wrdreg $0xFFFFFFFF  }
0xa8: {  	s28 =	simm.s32 $_size_execute0_lowered;
	s4 =	sadd.s32 s4, s6;
	[dreg:$0x0] =	wrdreg $0x0  }
0xa9: {  	s6 =	sshll.u32 s28, $0x1;
	[dreg:$0x2] =	wrdreg s4  }
0xaa: {  	[dreg:$0x3] =	wrdreg s6  }
0xab: {  	[dreg:$0x4] =	wrdreg $0xC0  }
0xac: {  	_ =	task [dreg:s8], $0x5FFFF  }
0xad: {  	[dreg:$0x1] =	wrdreg $0xFFFFFFFF  }
0xae: {  	[dreg:$0x0] =	wrdreg $0x60  }
0xaf: {  	[dreg:$0x2] =	wrdreg s24  }
0xb0: {  	[dreg:$0x3] =	wrdreg s2  }
0xb1: {  	[dreg:$0x4] =	wrdreg s18  }
0xb2: {  	[dreg:$0x5] =	wrdreg $0x12000  }
0xb3: {  	[dreg:$0x6] =	wrdreg $0x9  }
0xb4: {  	_ =	task.clear_ibuf [dreg:s8], $0x7FFFF;
	_ =	strace $0x90000049  }
0xb5: {  	s29 =	simm.s32 $0x9;
	_ =	strace $0x8000004B  }
0xb6: {  	_ =	swait.ge [sflag:s29], $0x1  }
0xb7: {  	[sflag:s29] =	ssyncadd.s32 $0xFFFFFFFF  }
0xb8: {  	_ =	strace $0x9000004B  }
0xb9: {  	_ =	sfence  }
0xba: {  	s30 =	sld [smem:$0x0];
	_ =	sdelay $0x2  }
0xbb: {  	s31 =	sshll.u32 s1, $0xD;
	s1 =	sshrl.u32 s1, $0x2  }
0xbc: {  	s3 =	sand.u32 $0x4000, s31;
	s1 =	sadd.s32 s1, s30  }
0xbd: {  	s0 =	sor.u32 s3, s0;
	s1 =	sshll.u32 s1, $0x11  }
0xbe: {  	s0 =	sor.u32 s1, s0  }
0xbf: {  	s0 =	sadd.s32 $0x8F2B, s0  }
0xc0: {  	[sflag:s0] =	ssyncadd.remote.s32 $0x1  }
0xc1: {  	_ =	sfence.sel $0xFFFF  }
0xc2: {  	[dreg:$0x0] =	wrdreg $0xFFFFFFFF;
	(pc) =	sbr.abs _section_cstart, $3  }
0xc3: {  	[dreg:$0x1] =	wrdreg $0xFFFFFFFF  }
0xc4: {  	_ =	task.clear_ibuf [dreg:s8], $0x2FFFF;
	_ =	strace $0x9FFFFFFF  }
0xc5: {  	(tm) =	ssettm $0x7FFFFFFF  }
tec
execute0_lowered:
.L_overlay_start_1:
0x0: {  	(tag) =	ssettag $0x1  }
0x1: {  	s1 =	srdreg.scid  }
0x2: {  	s0 =	stileid.u32;
	s4 =	sand.u32 $0x1, s1  }
0x3: {  	s2 =	sshrl.u32 s0, $0x1;
	s1 =	sshll.u32 s4, $0x3  }
0x4: {  	s19 =	sand.u32 $0x1, s2;
	s5 =	sor.u32 s2, s1  }
0x5: {  	p1 =	seq.s32 s19, $0x1;
	p0 =	seq.s32 s5, $0x0  }
0x6: {  	p0 =	por !p0, !p1  }
0x7: {  	s1 =	simm.s32 $0x1;
	p0 =	por !p0, !p0  }
0x8: {  	s20 =	sshrl.u32 s5, $0x1;
	s1 =	simm.s32 @!p0 $0x0  }
0x9: {  	v0 =	vlaneseq.u32;
	s1 =	ssub.s32 s20, s1  }
0xa: {  	v1 =	vand.u32 $0x7, v0;
	s1 =	sshll.u32 s1, $0x3  }
0xb: {  	v1 =	vmul.u32 $0x40000, v1;
	v2 =	vmov s1  }
0xc: {  	v0 =	vshrl.u32 v0, $0x3;
	v2 =	vshll.u32 v2, $0x12  }
0xd: {  	v1 =	vor.u32 v1, v2;
	v2 =	vor.u32 $0x2, v0  }
0xe: {  	[tilespmem:$0x1FC10] =	vst v2;
	v2 =	vor.u32 $0x4, v0  }
0xf: {  	[tilespmem:$0x1FC20] =	vst v2;
	v2 =	vor.u32 $0x6, v0  }
0x10: {  	[tilespmem:$0x1FC30] =	vst v2;
	v2 =	vor.u32 $0x8, v0  }
0x11: {  	[tilespmem:$0x1FC40] =	vst v2;
	v2 =	vor.u32 $0xA, v0  }
0x12: {  	[tilespmem:$0x1FC50] =	vst v2;
	v2 =	vor.u32 $0xC, v0  }
0x13: {  	[tilespmem:$0x1FC60] =	vst v2;
	v2 =	vor.u32 $0xE, v0  }
0x14: {  	[tilespmem:$0x1FC70] =	vst v2;
	v2 =	vor.u32 $0x10, v0  }
0x15: {  	[tilespmem:$0x1FC80] =	vst v2;
	v2 =	vor.u32 $0x12, v0  }
0x16: {  	[tilespmem:$0x1FC90] =	vst v2;
	v2 =	vor.u32 $0x14, v0  }
0x17: {  	[tilespmem:$0x1FCA0] =	vst v2;
	v2 =	vor.u32 $0x16, v0  }
0x18: {  	[tilespmem:$0x1FCB0] =	vst v2;
	v2 =	vor.u32 $0x18, v0  }
0x19: {  	[tilespmem:$0x1FCC0] =	vst v2;
	v2 =	vor.u32 $0x1A, v0  }
0x1a: {  	s6 =	rddreg [dreg:$0x0];
	[tilespmem:$0x1FCD0] =	vst v2;
	v2 =	vor.u32 $0x1C, v0  }
0x1b: {  	s8 =	rddreg [dreg:$0x1];
	[tilespmem:$0x1FCE0] =	vst v2;
	v2 =	vor.u32 $0x1E, v0  }
0x1c: {  	s9 =	rddreg [dreg:$0x2];
	s2 =	simm.s32 $0x0;
	[tilespmem:$0x1FCF0] =	vst v2;
	v2 =	vor.u32 $0x20, v0  }
0x1d: {  	[smem:$0x7FF] =	sst s2;
	[tilespmem:$0x1FD00] =	vst v2;
	v2 =	vor.u32 $0x22, v0  }
0x1e: {  	s10 =	rddreg [dreg:$0x3];
	_ =	strace $0x8000004A;
	[tilespmem:$0x1FD10] =	vst v2  }
0x1f: {  	v2 =	vor.u32 $0x24, v0;
	[tilespmem:$0x1FFE0] =	vst v0  }
0x20: {  	[tilespmem:$0x1FD20] =	vst v2;
	v2 =	vor.u32 $0x26, v0  }
0x21: {  	[tilespmem:$0x1FD30] =	vst v2;
	v2 =	vor.u32 $0x28, v0  }
0x22: {  	[tilespmem:$0x1FD40] =	vst v2;
	v2 =	vor.u32 $0x2A, v0  }
0x23: {  	[tilespmem:$0x1FD50] =	vst v2;
	v2 =	vor.u32 $0x2C, v0  }
0x24: {  	[tilespmem:$0x1FD60] =	vst v2;
	v2 =	vor.u32 $0x2E, v0  }
0x25: {  	[tilespmem:$0x1FD70] =	vst v2;
	v2 =	vor.u32 $0x30, v0  }
0x26: {  	[tilespmem:$0x1FD80] =	vst v2;
	v2 =	vor.u32 $0x32, v0  }
0x27: {  	[tilespmem:$0x1FD90] =	vst v2;
	v2 =	vor.u32 $0x34, v0  }
0x28: {  	[tilespmem:$0x1FDA0] =	vst v2;
	v2 =	vor.u32 $0x36, v0  }
0x29: {  	[tilespmem:$0x1FDB0] =	vst v2;
	v2 =	vor.u32 $0x38, v0  }
0x2a: {  	[tilespmem:$0x1FDC0] =	vst v2;
	v2 =	vor.u32 $0x3A, v0  }
0x2b: {  	[tilespmem:$0x1FDD0] =	vst v2;
	v2 =	vor.u32 $0x3C, v0  }
0x2c: {  	[tilespmem:$0x1FDE0] =	vst v2;
	v2 =	vor.u32 $0x3E, v0  }
0x2d: {  	[tilespmem:$0x1FDF0] =	vst v2;
	v2 =	vor.u32 $0x40, v0  }
0x2e: {  	[tilespmem:$0x1FE00] =	vst v2;
	v2 =	vor.u32 $0x42, v0  }
0x2f: {  	[tilespmem:$0x1FE10] =	vst v2;
	v2 =	vor.u32 $0x44, v0  }
0x30: {  	[tilespmem:$0x1FE20] =	vst v2;
	v2 =	vor.u32 $0x46, v0  }
0x31: {  	[tilespmem:$0x1FE30] =	vst v2;
	v2 =	vor.u32 $0x48, v0  }
0x32: {  	[tilespmem:$0x1FE40] =	vst v2;
	v2 =	vor.u32 $0x4A, v0  }
0x33: {  	[tilespmem:$0x1FE50] =	vst v2;
	v2 =	vor.u32 $0x4C, v0  }
0x34: {  	[tilespmem:$0x1FE60] =	vst v2;
	v2 =	vor.u32 $0x4E, v0  }
0x35: {  	[tilespmem:$0x1FE70] =	vst v2;
	v2 =	vor.u32 $0x50, v0  }
0x36: {  	[tilespmem:$0x1FE80] =	vst v2;
	v2 =	vor.u32 $0x52, v0  }
0x37: {  	[tilespmem:$0x1FE90] =	vst v2;
	v2 =	vor.u32 $0x54, v0  }
0x38: {  	[tilespmem:$0x1FEA0] =	vst v2;
	v2 =	vor.u32 $0x56, v0  }
0x39: {  	[tilespmem:$0x1FEB0] =	vst v2;
	v2 =	vor.u32 $0x58, v0  }
0x3a: {  	[tilespmem:$0x1FEC0] =	vst v2;
	v2 =	vor.u32 $0x5A, v0  }
0x3b: {  	[tilespmem:$0x1FED0] =	vst v2;
	v2 =	vor.u32 $0x5C, v0  }
0x3c: {  	s31 =	simm.s32 $0x900;
	s15 =	simm.s32 $0x280;
	s16 =	simm.s32 $0x680;
	[tilespmem:$0x1FEE0] =	vst v2;
	v2 =	vor.u32 $0x5E, v0  }
0x3d: {  	s17 =	simm.s32 $0x300;
	s18 =	simm.s32 $0x700;
	s28 =	simm.s32 $0x4;
	[tilespmem:$0x1FEF0] =	vst v2;
	v2 =	vor.u32 $0x60, v0  }
0x3e: {  	s7 =	sand.u32 $0x1, s0;
	s24 =	sshll.u32 s0, $0x7;
	s21 =	ssub.s32 $0x2, s4;
	[tilespmem:$0x1FF00] =	vst v2;
	v2 =	vor.u32 $0x62, v0  }
0x3f: {  	s14 =	sshll.u32 s7, $0x7;
	s26 =	sshrl.u32 s21, $0x1;
	s19 =	simm.s32 $0x380;
	[tilespmem:$0x1FF10] =	vst v2;
	v2 =	vor.u32 $0x64, v0  }
0x40: {  	s11 =	sshll.u32 s5, $0x1;
	s22 =	sshll.u32 s5, $0x8;
	s5 =	simm.s32 $0x1;
	[tilespmem:$0x1FF20] =	vst v2;
	v2 =	vor.u32 $0x66, v0  }
0x41: {  	s3 =	sor.u32 s7, s11;
	s30 =	sadd.s32 s9, s11;
	s9 =	simm.s32 $0x100;
	[tilespmem:$0x1FF30] =	vst v2;
	v2 =	vor.u32 $0x68, v0  }
0x42: {  	s11 =	simm.s32 $0x180;
	s12 =	sshll.u32 s3, $0x4;
	s3 =	sadd.s32 $0xC00, s6;
	[tilespmem:$0x1FF40] =	vst v2;
	v2 =	vor.u32 $0x6A, v0  }
0x43: {  	s13 =	sadd.s32 s12, s6;
	s6 =	sadd.s32 s14, s6;
	s23 =	sadd.s32 s8, s12;
	[tilespmem:$0x1FF50] =	vst v2;
	v2 =	vor.u32 $0x6C, v0  }
0x44: {  	p0 =	sne.s32 s7, $0x0;
	s7 =	simm.s32 $0x80;
	s8 =	simm.s32 $0x2;
	[tilespmem:$0x1FF60] =	vst v2;
	v2 =	vor.u32 $0x6E, v0  }
0x45: {  	s12 =	simm.s32 $0x580;
	s14 =	simm.s32 $0x600;
	s13 =	sadd.s32 $0x200C00, s13;
	[tilespmem:$0x1FF70] =	vst v2;
	v2 =	vor.u32 $0x70, v0  }
0x46: {  	s4 =	sadd.s32 s22, s6;
	s6 =	ssub.s32 s21, s26;
	[dreg:$0x5] =	wrdreg s13;
	[tilespmem:$0x1FF80] =	vst v2;
	v2 =	vor.u32 $0x72, v0  }
0x47: {  	s25 =	sadd.s32 $0x200E00, s4;
	s4 =	sadd.s32 s24, s10;
	[dreg:$0x6] =	wrdreg s23;
	[tilespmem:$0x1FF90] =	vst v2;
	v2 =	vor.u32 $0x74, v0  }
0x48: {  	s20 =	simm.s32 $0x780;
	s29 =	sadd.s32 $0x80, s4;
	[dreg:$0x7] =	wrdreg s25;
	[tilespmem:$0x1FFA0] =	vst v2;
	v2 =	vor.u32 $0x76, v0  }
0x49: {  	s21 =	simm.s32 $0x400;
	s22 =	simm.s32 $0x800;
	[dreg:$0x8] =	wrdreg s29;
	[tilespmem:$0x1FFB0] =	vst v2;
	v2 =	vor.u32 $0x78, v0  }
0x4a: {  	s26 =	simm.s32 $0x1100;
	s6 =	smax.u32 s6, $0x1;
	[dreg:$0x9] =	wrdreg s30;
	[tilespmem:$0x1FFC0] =	vst v2;
	v2 =	vor.u32 $0x7A, v0  }
0x4b: {  	s10 =	simm.s32 $0x500;
	s24 =	simm.s32 $0x880;
	[dreg:$0xa] =	wrdreg s31;
	v0 =	vor.u32 $0x7C, v0;
	[tilespmem:$0x1FFD0] =	vst v2  }
0x4c: {  	vm0 =	vcmask $0x704;
	vm1 =	vcmask $0x3F04;
	s13 =	simm.s32 $0x200;
	s23 =	simm.s32 $0x480;
	s25 =	simm.s32 $0x3;
	[tilespmem:$0x1FFF0] =	vst v0  }
.LBB2_1:
0x4d: {  	s29 =	rddreg [dreg:$0x5]  }
0x4e: {  	s1 =	rddreg [dreg:$0x6]  }
0x4f: {  	[tilespmem:s2], [sflag:$0x2] =	stream.linear.gather [hbm4b:s29+s2], $0x80, $0x38;
	[tilespmem:$0x1210] =	vst v63  }
0x50: {  	s30 =	rddreg [dreg:$0x7]  }
0x51: {  	[tilespmem:s7], [sflag:$0x2] =	stream.linear.gather [hbm4b:s1+s2], $0x80, $0x38;
	[tilespmem:$0x1210] =	vst v63  }
0x52: {  	s31 =	rddreg [dreg:$0xa]  }
0x53: {  	[tilespmem:s31], [sflag:$0x3] =	stream.linear.gather [hbm4b:s30+s2], $0x400, $0x38;
	[tilespmem:$0x1210] =	vst v63  }
0x54: {  	_ =	swait.ge [sflag:s8], $0x80  }
0x55: {  	[sflag:s8] =	ssyncset.done $0x0  }
0x56: {  	[sflag:s8] =	ssyncadd.s32 $0xFFFFFF80  }
0x57: {  	_ =	swait.ge [sflag:s8], $0x80  }
0x58: {  	v0 =	vld [tilespmem:$0x1FFE0];
	_ =	sdelay $0x5  }
0x59: {  	[sflag:s8] =	ssyncset.done $0x0  }
0x5a: {  	[sflag:s8] =	ssyncadd.s32 $0xFFFFFF80  }
0x5b: {  	v3 =	vld.idx.msk [tilespmem:v0+s7+$0x0], $0xffff;
	_ =	sdelay $0x4  }
0x5c: {  	v3 =	vcvt.s32.f32 v3  }
0x5d: {  	v2 =	vld.idx.msk [tilespmem:v0+s2+$0x0], $0xffff  }
0x5e: {  	[tilespmem:$0xD00] =	vst v3;
	v3 =	vld [tilespmem:$0x1FC10];
	_ =	sdelay $0x5  }
0x5f: {  	v2 =	vadd.s32 v1, v2  }
0x60: {  	[tilespmem:$0x100] =	vst v2  }
0x61: {  	v2 =	vld.idx.msk [tilespmem:v3+s2+$0x0], $0xffff  }
0x62: {  	v3 =	vld.idx.msk [tilespmem:v3+s7+$0x0], $0xffff;
	_ =	sdelay $0x4  }
0x63: {  	v3 =	vcvt.s32.f32 v3;
	_ =	sdelay $0x1  }
0x64: {  	[tilespmem:$0xD10] =	vst v3;
	v3 =	vld [tilespmem:$0x1FC20];
	_ =	sdelay $0x5  }
0x65: {  	v2 =	vadd.s32 v1, v2  }
0x66: {  	[tilespmem:$0x110] =	vst v2  }
0x67: {  	v2 =	vld.idx.msk [tilespmem:v3+s2+$0x0], $0xffff  }
0x68: {  	v3 =	vld.idx.msk [tilespmem:v3+s7+$0x0], $0xffff;
	_ =	sdelay $0x4  }
0x69: {  	v3 =	vcvt.s32.f32 v3;
	_ =	sdelay $0x1  }
0x6a: {  	[tilespmem:$0xD20] =	vst v3;
	v3 =	vld [tilespmem:$0x1FC30];
	_ =	sdelay $0x5  }
0x6b: {  	v2 =	vadd.s32 v1, v2  }
0x6c: {  	[tilespmem:$0x120] =	vst v2  }
0x6d: {  	v2 =	vld.idx.msk [tilespmem:v3+s2+$0x0], $0xffff  }
0x6e: {  	v3 =	vld.idx.msk [tilespmem:v3+s7+$0x0], $0xffff;
	_ =	sdelay $0x4  }
0x6f: {  	v3 =	vcvt.s32.f32 v3;
	_ =	sdelay $0x1  }
0x70: {  	[tilespmem:$0xD30] =	vst v3;
	v3 =	vld [tilespmem:$0x1FC40];
	_ =	sdelay $0x5  }
0x71: {  	v2 =	vadd.s32 v1, v2  }
0x72: {  	[tilespmem:$0x130] =	vst v2  }
0x73: {  	v2 =	vld.idx.msk [tilespmem:v3+s2+$0x0], $0xffff  }
0x74: {  	v3 =	vld.idx.msk [tilespmem:v3+s7+$0x0], $0xffff;
	_ =	sdelay $0x4  }
0x75: {  	v3 =	vcvt.s32.f32 v3;
	_ =	sdelay $0x1  }
0x76: {  	[tilespmem:$0xD40] =	vst v3;
	v3 =	vld [tilespmem:$0x1FC50];
	_ =	sdelay $0x5  }
0x77: {  	v2 =	vadd.s32 v1, v2  }
0x78: {  	[tilespmem:$0x140] =	vst v2  }
0x79: {  	v2 =	vld.idx.msk [tilespmem:v3+s2+$0x0], $0xffff  }
0x7a: {  	v3 =	vld.idx.msk [tilespmem:v3+s7+$0x0], $0xffff;
	_ =	sdelay $0x4  }
0x7b: {  	v3 =	vcvt.s32.f32 v3;
	_ =	sdelay $0x1  }
0x7c: {  	[tilespmem:$0xD50] =	vst v3;
	v3 =	vld [tilespmem:$0x1FC60];
	_ =	sdelay $0x5  }
0x7d: {  	v2 =	vadd.s32 v1, v2  }
0x7e: {  	[tilespmem:$0x150] =	vst v2  }
0x7f: {  	v2 =	vld.idx.msk [tilespmem:v3+s2+$0x0], $0xffff  }
0x80: {  	v3 =	vld.idx.msk [tilespmem:v3+s7+$0x0], $0xffff;
	_ =	sdelay $0x4  }
0x81: {  	v3 =	vcvt.s32.f32 v3;
	_ =	sdelay $0x1  }
0x82: {  	[tilespmem:$0xD60] =	vst v3;
	v3 =	vld [tilespmem:$0x1FC70];
	_ =	sdelay $0x5  }
0x83: {  	v2 =	vadd.s32 v1, v2  }
0x84: {  	[tilespmem:$0x160] =	vst v2  }
0x85: {  	v2 =	vld.idx.msk [tilespmem:v3+s2+$0x0], $0xffff  }
0x86: {  	v3 =	vld.idx.msk [tilespmem:v3+s7+$0x0], $0xffff;
	_ =	sdelay $0x4  }
0x87: {  	v3 =	vcvt.s32.f32 v3;
	_ =	sdelay $0x1  }
0x88: {  	[tilespmem:$0xD70] =	vst v3;
	v3 =	vld [tilespmem:$0x1FC80];
	_ =	sdelay $0x4  }
0x89: {  	v2 =	vadd.s32 v1, v2  }
0x8a: {  	[tilespmem:$0x170] =	vst v2  }
0x8b: {  	[tilespmem:s10], [sflag:$0x1] =	stream.indirect.gather [hbm4b:s3+s7], $0x1, s9, s7, $0xb8;
	[tilespmem:$0x1210] =	vst v63  }
0x8c: {  	v2 =	vld.idx.msk [tilespmem:v3+s2+$0x0], $0xffff  }
0x8d: {  	v3 =	vld.idx.msk [tilespmem:v3+s7+$0x0], $0xffff;
	_ =	sdelay $0x4  }
0x8e: {  	v3 =	vcvt.s32.f32 v3;
	_ =	sdelay $0x1  }
0x8f: {  	[tilespmem:$0xD80] =	vst v3;
	v3 =	vld [tilespmem:$0x1FC90];
	_ =	sdelay $0x5  }
0x90: {  	v2 =	vadd.s32 v1, v2  }
0x91: {  	[tilespmem:$0x180] =	vst v2  }
0x92: {  	v2 =	vld.idx.msk [tilespmem:v3+s2+$0x0], $0xffff  }
0x93: {  	v3 =	vld.idx.msk [tilespmem:v3+s7+$0x0], $0xffff;
	_ =	sdelay $0x4  }
0x94: {  	v3 =	vcvt.s32.f32 v3;
	_ =	sdelay $0x1  }
0x95: {  	[tilespmem:$0xD90] =	vst v3;
	v3 =	vld [tilespmem:$0x1FCA0];
	_ =	sdelay $0x5  }
0x96: {  	v2 =	vadd.s32 v1, v2  }
0x97: {  	[tilespmem:$0x190] =	vst v2  }
0x98: {  	v2 =	vld.idx.msk [tilespmem:v3+s2+$0x0], $0xffff  }
0x99: {  	v3 =	vld.idx.msk [tilespmem:v3+s7+$0x0], $0xffff;
	_ =	sdelay $0x4  }
0x9a: {  	v3 =	vcvt.s32.f32 v3;
	_ =	sdelay $0x1  }
0x9b: {  	[tilespmem:$0xDA0] =	vst v3;
	v3 =	vld [tilespmem:$0x1FCB0];
	_ =	sdelay $0x5  }
0x9c: {  	v2 =	vadd.s32 v1, v2  }
0x9d: {  	[tilespmem:$0x1A0] =	vst v2  }
0x9e: {  	v2 =	vld.idx.msk [tilespmem:v3+s2+$0x0], $0xffff  }
0x9f: {  	v3 =	vld.idx.msk [tilespmem:v3+s7+$0x0], $0xffff;
	_ =	sdelay $0x4  }
0xa0: {  	v3 =	vcvt.s32.f32 v3;
	_ =	sdelay $0x1  }
0xa1: {  	[tilespmem:$0xDB0] =	vst v3;
	v3 =	vld [tilespmem:$0x1FCC0];
	_ =	sdelay $0x5  }
0xa2: {  	v2 =	vadd.s32 v1, v2  }
0xa3: {  	[tilespmem:$0x1B0] =	vst v2  }
0xa4: {  	v2 =	vld.idx.msk [tilespmem:v3+s2+$0x0], $0xffff  }
0xa5: {  	v3 =	vld.idx.msk [tilespmem:v3+s7+$0x0], $0xffff;
	_ =	sdelay $0x4  }
0xa6: {  	v3 =	vcvt.s32.f32 v3;
	_ =	sdelay $0x1  }
0xa7: {  	[tilespmem:$0xDC0] =	vst v3;
	v3 =	vld [tilespmem:$0x1FCD0];
	_ =	sdelay $0x5  }
0xa8: {  	v2 =	vadd.s32 v1, v2  }
0xa9: {  	[tilespmem:$0x1C0] =	vst v2  }
0xaa: {  	v2 =	vld.idx.msk [tilespmem:v3+s2+$0x0], $0xffff  }
0xab: {  	v3 =	vld.idx.msk [tilespmem:v3+s7+$0x0], $0xffff;
	_ =	sdelay $0x4  }
0xac: {  	v3 =	vcvt.s32.f32 v3;
	_ =	sdelay $0x1  }
0xad: {  	[tilespmem:$0xDD0] =	vst v3;
	v3 =	vld [tilespmem:$0x1FCE0];
	_ =	sdelay $0x5  }
0xae: {  	v2 =	vadd.s32 v1, v2  }
0xaf: {  	[tilespmem:$0x1D0] =	vst v2  }
0xb0: {  	v2 =	vld.idx.msk [tilespmem:v3+s2+$0x0], $0xffff  }
0xb1: {  	v3 =	vld.idx.msk [tilespmem:v3+s7+$0x0], $0xffff;
	_ =	sdelay $0x4  }
0xb2: {  	v3 =	vcvt.s32.f32 v3;
	_ =	sdelay $0x1  }
0xb3: {  	[tilespmem:$0xDE0] =	vst v3;
	v3 =	vld [tilespmem:$0x1FCF0];
	_ =	sdelay $0x5  }
0xb4: {  	v2 =	vadd.s32 v1, v2  }
0xb5: {  	[tilespmem:$0x1E0] =	vst v2  }
0xb6: {  	v2 =	vld.idx.msk [tilespmem:v3+s2+$0x0], $0xffff  }
0xb7: {  	v3 =	vld.idx.msk [tilespmem:v3+s7+$0x0], $0xffff;
	_ =	sdelay $0x4  }
0xb8: {  	v3 =	vcvt.s32.f32 v3;
	_ =	sdelay $0x1  }
0xb9: {  	[tilespmem:$0xDF0] =	vst v3;
	v3 =	vld [tilespmem:$0x1FD00];
	_ =	sdelay $0x4  }
0xba: {  	v2 =	vadd.s32 v1, v2  }
0xbb: {  	[tilespmem:$0x1F0] =	vst v2  }
0xbc: {  	[tilespmem:s12], [sflag:$0x1] =	stream.indirect.gather [hbm4b:s3+s7], $0x1, s11, s7, $0xb8;
	[tilespmem:$0x1210] =	vst v63  }
0xbd: {  	v2 =	vld.idx.msk [tilespmem:v3+s2+$0x0], $0xffff  }
0xbe: {  	v3 =	vld.idx.msk [tilespmem:v3+s7+$0x0], $0xffff;
	_ =	sdelay $0x4  }
0xbf: {  	v3 =	vcvt.s32.f32 v3;
	_ =	sdelay $0x1  }
0xc0: {  	[tilespmem:$0xE00] =	vst v3;
	v3 =	vld [tilespmem:$0x1FD10];
	_ =	sdelay $0x5  }
0xc1: {  	v2 =	vadd.s32 v1, v2  }
0xc2: {  	[tilespmem:$0x200] =	vst v2  }
0xc3: {  	v2 =	vld.idx.msk [tilespmem:v3+s2+$0x0], $0xffff  }
0xc4: {  	v3 =	vld.idx.msk [tilespmem:v3+s7+$0x0], $0xffff;
	_ =	sdelay $0x4  }
0xc5: {  	v3 =	vcvt.s32.f32 v3;
	_ =	sdelay $0x1  }
0xc6: {  	[tilespmem:$0xE10] =	vst v3;
	v3 =	vld [tilespmem:$0x1FD20];
	_ =	sdelay $0x5  }
0xc7: {  	v2 =	vadd.s32 v1, v2  }
0xc8: {  	[tilespmem:$0x210] =	vst v2  }
0xc9: {  	v2 =	vld.idx.msk [tilespmem:v3+s2+$0x0], $0xffff  }
0xca: {  	v3 =	vld.idx.msk [tilespmem:v3+s7+$0x0], $0xffff;
	_ =	sdelay $0x4  }
0xcb: {  	v3 =	vcvt.s32.f32 v3;
	_ =	sdelay $0x1  }
0xcc: {  	[tilespmem:$0xE20] =	vst v3;
	v3 =	vld [tilespmem:$0x1FD30];
	_ =	sdelay $0x5  }
0xcd: {  	v2 =	vadd.s32 v1, v2  }
0xce: {  	[tilespmem:$0x220] =	vst v2  }
0xcf: {  	v2 =	vld.idx.msk [tilespmem:v3+s2+$0x0], $0xffff  }
0xd0: {  	v3 =	vld.idx.msk [tilespmem:v3+s7+$0x0], $0xffff;
	_ =	sdelay $0x4  }
0xd1: {  	v3 =	vcvt.s32.f32 v3;
	_ =	sdelay $0x1  }
0xd2: {  	[tilespmem:$0xE30] =	vst v3;
	v3 =	vld [tilespmem:$0x1FD40];
	_ =	sdelay $0x5  }
0xd3: {  	v2 =	vadd.s32 v1, v2  }
0xd4: {  	[tilespmem:$0x230] =	vst v2  }
0xd5: {  	v2 =	vld.idx.msk [tilespmem:v3+s2+$0x0], $0xffff  }
0xd6: {  	v3 =	vld.idx.msk [tilespmem:v3+s7+$0x0], $0xffff;
	_ =	sdelay $0x4  }
0xd7: {  	v3 =	vcvt.s32.f32 v3;
	_ =	sdelay $0x1  }
0xd8: {  	[tilespmem:$0xE40] =	vst v3;
	v3 =	vld [tilespmem:$0x1FD50];
	_ =	sdelay $0x5  }
0xd9: {  	v2 =	vadd.s32 v1, v2  }
0xda: {  	[tilespmem:$0x240] =	vst v2  }
0xdb: {  	v2 =	vld.idx.msk [tilespmem:v3+s2+$0x0], $0xffff  }
0xdc: {  	v3 =	vld.idx.msk [tilespmem:v3+s7+$0x0], $0xffff;
	_ =	sdelay $0x4  }
0xdd: {  	v3 =	vcvt.s32.f32 v3;
	_ =	sdelay $0x1  }
0xde: {  	[tilespmem:$0xE50] =	vst v3;
	v3 =	vld [tilespmem:$0x1FD60];
	_ =	sdelay $0x5  }
0xdf: {  	v2 =	vadd.s32 v1, v2  }
0xe0: {  	[tilespmem:$0x250] =	vst v2  }
0xe1: {  	v2 =	vld.idx.msk [tilespmem:v3+s2+$0x0], $0xffff  }
0xe2: {  	v3 =	vld.idx.msk [tilespmem:v3+s7+$0x0], $0xffff;
	_ =	sdelay $0x4  }
0xe3: {  	v3 =	vcvt.s32.f32 v3;
	_ =	sdelay $0x1  }
0xe4: {  	[tilespmem:$0xE60] =	vst v3;
	v3 =	vld [tilespmem:$0x1FD70];
	_ =	sdelay $0x5  }
0xe5: {  	v2 =	vadd.s32 v1, v2  }
0xe6: {  	[tilespmem:$0x260] =	vst v2  }
0xe7: {  	v2 =	vld.idx.msk [tilespmem:v3+s2+$0x0], $0xffff  }
0xe8: {  	v3 =	vld.idx.msk [tilespmem:v3+s7+$0x0], $0xffff;
	_ =	sdelay $0x4  }
0xe9: {  	v3 =	vcvt.s32.f32 v3;
	_ =	sdelay $0x1  }
0xea: {  	[tilespmem:$0xE70] =	vst v3;
	v3 =	vld [tilespmem:$0x1FD80];
	_ =	sdelay $0x4  }
0xeb: {  	v2 =	vadd.s32 v1, v2  }
0xec: {  	[tilespmem:$0x270] =	vst v2  }
0xed: {  	[tilespmem:s14], [sflag:$0x1] =	stream.indirect.gather [hbm4b:s3+s7], $0x1, s13, s7, $0xb8;
	[tilespmem:$0x1210] =	vst v63  }
0xee: {  	v2 =	vld.idx.msk [tilespmem:v3+s2+$0x0], $0xffff  }
0xef: {  	v3 =	vld.idx.msk [tilespmem:v3+s7+$0x0], $0xffff;
	_ =	sdelay $0x4  }
0xf0: {  	v3 =	vcvt.s32.f32 v3;
	_ =	sdelay $0x1  }
0xf1: {  	[tilespmem:$0xE80] =	vst v3;
	v3 =	vld [tilespmem:$0x1FD90];
	_ =	sdelay $0x5  }
0xf2: {  	v2 =	vadd.s32 v1, v2  }
0xf3: {  	[tilespmem:$0x280] =	vst v2  }
0xf4: {  	v2 =	vld.idx.msk [tilespmem:v3+s2+$0x0], $0xffff  }
0xf5: {  	v3 =	vld.idx.msk [tilespmem:v3+s7+$0x0], $0xffff;
	_ =	sdelay $0x4  }
0xf6: {  	v3 =	vcvt.s32.f32 v3;
	_ =	sdelay $0x1  }
0xf7: {  	[tilespmem:$0xE90] =	vst v3;
	v3 =	vld [tilespmem:$0x1FDA0];
	_ =	sdelay $0x5  }
0xf8: {  	v2 =	vadd.s32 v1, v2  }
0xf9: {  	[tilespmem:$0x290] =	vst v2  }
0xfa: {  	v2 =	vld.idx.msk [tilespmem:v3+s2+$0x0], $0xffff  }
0xfb: {  	v3 =	vld.idx.msk [tilespmem:v3+s7+$0x0], $0xffff;
	_ =	sdelay $0x4  }
0xfc: {  	v3 =	vcvt.s32.f32 v3;
	_ =	sdelay $0x1  }
0xfd: {  	[tilespmem:$0xEA0] =	vst v3;
	v3 =	vld [tilespmem:$0x1FDB0];
	_ =	sdelay $0x5  }
0xfe: {  	v2 =	vadd.s32 v1, v2  }
0xff: {  	[tilespmem:$0x2A0] =	vst v2  }
0x100: {  	v2 =	vld.idx.msk [tilespmem:v3+s2+$0x0], $0xffff  }
0x101: {  	v3 =	vld.idx.msk [tilespmem:v3+s7+$0x0], $0xffff;
	_ =	sdelay $0x4  }
0x102: {  	v3 =	vcvt.s32.f32 v3;
	_ =	sdelay $0x1  }
0x103: {  	[tilespmem:$0xEB0] =	vst v3;
	v3 =	vld [tilespmem:$0x1FDC0];
	_ =	sdelay $0x5  }
0x104: {  	v2 =	vadd.s32 v1, v2  }
0x105: {  	[tilespmem:$0x2B0] =	vst v2  }
0x106: {  	v2 =	vld.idx.msk [tilespmem:v3+s2+$0x0], $0xffff  }
0x107: {  	v3 =	vld.idx.msk [tilespmem:v3+s7+$0x0], $0xffff;
	_ =	sdelay $0x4  }
0x108: {  	v3 =	vcvt.s32.f32 v3;
	_ =	sdelay $0x1  }
0x109: {  	[tilespmem:$0xEC0] =	vst v3;
	v3 =	vld [tilespmem:$0x1FDD0];
	_ =	sdelay $0x5  }
0x10a: {  	v2 =	vadd.s32 v1, v2  }
0x10b: {  	[tilespmem:$0x2C0] =	vst v2  }
0x10c: {  	v2 =	vld.idx.msk [tilespmem:v3+s2+$0x0], $0xffff  }
0x10d: {  	v3 =	vld.idx.msk [tilespmem:v3+s7+$0x0], $0xffff;
	_ =	sdelay $0x4  }
0x10e: {  	v3 =	vcvt.s32.f32 v3;
	_ =	sdelay $0x1  }
0x10f: {  	[tilespmem:$0xED0] =	vst v3;
	v3 =	vld [tilespmem:$0x1FDE0];
	_ =	sdelay $0x5  }
0x110: {  	v2 =	vadd.s32 v1, v2  }
0x111: {  	[tilespmem:$0x2D0] =	vst v2  }
0x112: {  	v2 =	vld.idx.msk [tilespmem:v3+s2+$0x0], $0xffff  }
0x113: {  	v3 =	vld.idx.msk [tilespmem:v3+s7+$0x0], $0xffff;
	_ =	sdelay $0x4  }
0x114: {  	v3 =	vcvt.s32.f32 v3;
	_ =	sdelay $0x1  }
0x115: {  	[tilespmem:$0xEE0] =	vst v3;
	v3 =	vld [tilespmem:$0x1FDF0];
	_ =	sdelay $0x5  }
0x116: {  	v2 =	vadd.s32 v1, v2  }
0x117: {  	[tilespmem:$0x2E0] =	vst v2  }
0x118: {  	v2 =	vld.idx.msk [tilespmem:v3+s2+$0x0], $0xffff  }
0x119: {  	v3 =	vld.idx.msk [tilespmem:v3+s7+$0x0], $0xffff;
	_ =	sdelay $0x4  }
0x11a: {  	v3 =	vcvt.s32.f32 v3;
	_ =	sdelay $0x1  }
0x11b: {  	[tilespmem:$0xEF0] =	vst v3;
	v3 =	vld [tilespmem:$0x1FE00];
	_ =	sdelay $0x4  }
0x11c: {  	v2 =	vadd.s32 v1, v2  }
0x11d: {  	[tilespmem:$0x2F0] =	vst v2  }
0x11e: {  	[tilespmem:s16], [sflag:$0x1] =	stream.indirect.gather [hbm4b:s3+s7], $0x1, s15, s7, $0xb8;
	[tilespmem:$0x1210] =	vst v63  }
0x11f: {  	v2 =	vld.idx.msk [tilespmem:v3+s2+$0x0], $0xffff  }
0x120: {  	v3 =	vld.idx.msk [tilespmem:v3+s7+$0x0], $0xffff;
	_ =	sdelay $0x4  }
0x121: {  	v3 =	vcvt.s32.f32 v3;
	_ =	sdelay $0x1  }
0x122: {  	[tilespmem:$0xF00] =	vst v3;
	v3 =	vld [tilespmem:$0x1FE10];
	_ =	sdelay $0x5  }
0x123: {  	v2 =	vadd.s32 v1, v2  }
0x124: {  	[tilespmem:$0x300] =	vst v2  }
0x125: {  	v2 =	vld.idx.msk [tilespmem:v3+s2+$0x0], $0xffff  }
0x126: {  	v3 =	vld.idx.msk [tilespmem:v3+s7+$0x0], $0xffff;
	_ =	sdelay $0x4  }
0x127: {  	v3 =	vcvt.s32.f32 v3;
	_ =	sdelay $0x1  }
0x128: {  	[tilespmem:$0xF10] =	vst v3;
	v3 =	vld [tilespmem:$0x1FE20];
	_ =	sdelay $0x5  }
0x129: {  	v2 =	vadd.s32 v1, v2  }
0x12a: {  	[tilespmem:$0x310] =	vst v2  }
0x12b: {  	v2 =	vld.idx.msk [tilespmem:v3+s2+$0x0], $0xffff  }
0x12c: {  	v3 =	vld.idx.msk [tilespmem:v3+s7+$0x0], $0xffff;
	_ =	sdelay $0x4  }
0x12d: {  	v3 =	vcvt.s32.f32 v3;
	_ =	sdelay $0x1  }
0x12e: {  	[tilespmem:$0xF20] =	vst v3;
	v3 =	vld [tilespmem:$0x1FE30];
	_ =	sdelay $0x5  }
0x12f: {  	v2 =	vadd.s32 v1, v2  }
0x130: {  	[tilespmem:$0x320] =	vst v2  }
0x131: {  	v2 =	vld.idx.msk [tilespmem:v3+s2+$0x0], $0xffff  }
0x132: {  	v3 =	vld.idx.msk [tilespmem:v3+s7+$0x0], $0xffff;
	_ =	sdelay $0x4  }
0x133: {  	v3 =	vcvt.s32.f32 v3;
	_ =	sdelay $0x1  }
0x134: {  	[tilespmem:$0xF30] =	vst v3;
	v3 =	vld [tilespmem:$0x1FE40];
	_ =	sdelay $0x5  }
0x135: {  	v2 =	vadd.s32 v1, v2  }
0x136: {  	[tilespmem:$0x330] =	vst v2  }
0x137: {  	v2 =	vld.idx.msk [tilespmem:v3+s2+$0x0], $0xffff  }
0x138: {  	v3 =	vld.idx.msk [tilespmem:v3+s7+$0x0], $0xffff;
	_ =	sdelay $0x4  }
0x139: {  	v3 =	vcvt.s32.f32 v3;
	_ =	sdelay $0x1  }
0x13a: {  	[tilespmem:$0xF40] =	vst v3;
	v3 =	vld [tilespmem:$0x1FE50];
	_ =	sdelay $0x5  }
0x13b: {  	v2 =	vadd.s32 v1, v2  }
0x13c: {  	[tilespmem:$0x340] =	vst v2  }
0x13d: {  	v2 =	vld.idx.msk [tilespmem:v3+s2+$0x0], $0xffff  }
0x13e: {  	v3 =	vld.idx.msk [tilespmem:v3+s7+$0x0], $0xffff;
	_ =	sdelay $0x4  }
0x13f: {  	v3 =	vcvt.s32.f32 v3;
	_ =	sdelay $0x1  }
0x140: {  	[tilespmem:$0xF50] =	vst v3;
	v3 =	vld [tilespmem:$0x1FE60];
	_ =	sdelay $0x5  }
0x141: {  	v2 =	vadd.s32 v1, v2  }
0x142: {  	[tilespmem:$0x350] =	vst v2  }
0x143: {  	v2 =	vld.idx.msk [tilespmem:v3+s2+$0x0], $0xffff  }
0x144: {  	v3 =	vld.idx.msk [tilespmem:v3+s7+$0x0], $0xffff;
	_ =	sdelay $0x4  }
0x145: {  	v3 =	vcvt.s32.f32 v3;
	_ =	sdelay $0x1  }
0x146: {  	[tilespmem:$0xF60] =	vst v3;
	v3 =	vld [tilespmem:$0x1FE70];
	_ =	sdelay $0x5  }
0x147: {  	v2 =	vadd.s32 v1, v2  }
0x148: {  	[tilespmem:$0x360] =	vst v2  }
0x149: {  	v2 =	vld.idx.msk [tilespmem:v3+s2+$0x0], $0xffff  }
0x14a: {  	v3 =	vld.idx.msk [tilespmem:v3+s7+$0x0], $0xffff;
	_ =	sdelay $0x4  }
0x14b: {  	v3 =	vcvt.s32.f32 v3;
	_ =	sdelay $0x1  }
0x14c: {  	[tilespmem:$0xF70] =	vst v3;
	v3 =	vld [tilespmem:$0x1FE80];
	_ =	sdelay $0x4  }
0x14d: {  	v2 =	vadd.s32 v1, v2  }
0x14e: {  	[tilespmem:$0x370] =	vst v2  }
0x14f: {  	[tilespmem:s18], [sflag:$0x1] =	stream.indirect.gather [hbm4b:s3+s7], $0x1, s17, s7, $0xb8;
	[tilespmem:$0x1210] =	vst v63  }
0x150: {  	v2 =	vld.idx.msk [tilespmem:v3+s2+$0x0], $0xffff  }
0x151: {  	v3 =	vld.idx.msk [tilespmem:v3+s7+$0x0], $0xffff;
	_ =	sdelay $0x4  }
0x152: {  	v3 =	vcvt.s32.f32 v3;
	_ =	sdelay $0x1  }
0x153: {  	[tilespmem:$0xF80] =	vst v3;
	v3 =	vld [tilespmem:$0x1FE90];
	_ =	sdelay $0x5  }
0x154: {  	v2 =	vadd.s32 v1, v2  }
0x155: {  	[tilespmem:$0x380] =	vst v2  }
0x156: {  	v2 =	vld.idx.msk [tilespmem:v3+s2+$0x0], $0xffff  }
0x157: {  	v3 =	vld.idx.msk [tilespmem:v3+s7+$0x0], $0xffff;
	_ =	sdelay $0x4  }
0x158: {  	v3 =	vcvt.s32.f32 v3;
	_ =	sdelay $0x1  }
0x159: {  	[tilespmem:$0xF90] =	vst v3;
	v3 =	vld [tilespmem:$0x1FEA0];
	_ =	sdelay $0x5  }
0x15a: {  	v2 =	vadd.s32 v1, v2  }
0x15b: {  	[tilespmem:$0x390] =	vst v2  }
0x15c: {  	v2 =	vld.idx.msk [tilespmem:v3+s2+$0x0], $0xffff  }
0x15d: {  	v3 =	vld.idx.msk [tilespmem:v3+s7+$0x0], $0xffff;
	_ =	sdelay $0x4  }
0x15e: {  	v3 =	vcvt.s32.f32 v3;
	_ =	sdelay $0x1  }
0x15f: {  	[tilespmem:$0xFA0] =	vst v3;
	v3 =	vld [tilespmem:$0x1FEB0];
	_ =	sdelay $0x5  }
0x160: {  	v2 =	vadd.s32 v1, v2  }
0x161: {  	[tilespmem:$0x3A0] =	vst v2  }
0x162: {  	v2 =	vld.idx.msk [tilespmem:v3+s2+$0x0], $0xffff  }
0x163: {  	v3 =	vld.idx.msk [tilespmem:v3+s7+$0x0], $0xffff;
	_ =	sdelay $0x4  }
0x164: {  	v3 =	vcvt.s32.f32 v3;
	_ =	sdelay $0x1  }
0x165: {  	[tilespmem:$0xFB0] =	vst v3;
	v3 =	vld [tilespmem:$0x1FEC0];
	_ =	sdelay $0x5  }
0x166: {  	v2 =	vadd.s32 v1, v2  }
0x167: {  	[tilespmem:$0x3B0] =	vst v2  }
0x168: {  	v2 =	vld.idx.msk [tilespmem:v3+s2+$0x0], $0xffff  }
0x169: {  	v3 =	vld.idx.msk [tilespmem:v3+s7+$0x0], $0xffff;
	_ =	sdelay $0x4  }
0x16a: {  	v3 =	vcvt.s32.f32 v3;
	_ =	sdelay $0x1  }
0x16b: {  	[tilespmem:$0xFC0] =	vst v3;
	v3 =	vld [tilespmem:$0x1FED0];
	_ =	sdelay $0x5  }
0x16c: {  	v2 =	vadd.s32 v1, v2  }
0x16d: {  	[tilespmem:$0x3C0] =	vst v2  }
0x16e: {  	v2 =	vld.idx.msk [tilespmem:v3+s2+$0x0], $0xffff  }
0x16f: {  	v3 =	vld.idx.msk [tilespmem:v3+s7+$0x0], $0xffff;
	_ =	sdelay $0x4  }
0x170: {  	v3 =	vcvt.s32.f32 v3;
	_ =	sdelay $0x1  }
0x171: {  	[tilespmem:$0xFD0] =	vst v3;
	v3 =	vld [tilespmem:$0x1FEE0];
	_ =	sdelay $0x5  }
0x172: {  	v2 =	vadd.s32 v1, v2  }
0x173: {  	[tilespmem:$0x3D0] =	vst v2  }
0x174: {  	v2 =	vld.idx.msk [tilespmem:v3+s2+$0x0], $0xffff  }
0x175: {  	v3 =	vld.idx.msk [tilespmem:v3+s7+$0x0], $0xffff;
	_ =	sdelay $0x4  }
0x176: {  	v3 =	vcvt.s32.f32 v3;
	_ =	sdelay $0x1  }
0x177: {  	[tilespmem:$0xFE0] =	vst v3;
	v3 =	vld [tilespmem:$0x1FEF0];
	_ =	sdelay $0x5  }
0x178: {  	v2 =	vadd.s32 v1, v2  }
0x179: {  	[tilespmem:$0x3E0] =	vst v2  }
0x17a: {  	v2 =	vld.idx.msk [tilespmem:v3+s2+$0x0], $0xffff  }
0x17b: {  	v3 =	vld.idx.msk [tilespmem:v3+s7+$0x0], $0xffff;
	_ =	sdelay $0x4  }
0x17c: {  	v3 =	vcvt.s32.f32 v3;
	_ =	sdelay $0x1  }
0x17d: {  	[tilespmem:$0xFF0] =	vst v3;
	v3 =	vld [tilespmem:$0x1FF00];
	_ =	sdelay $0x4  }
0x17e: {  	v2 =	vadd.s32 v1, v2  }
0x17f: {  	[tilespmem:$0x3F0] =	vst v2  }
0x180: {  	[tilespmem:s20], [sflag:$0x1] =	stream.indirect.gather [hbm4b:s3+s7], $0x1, s19, s7, $0xb8;
	[tilespmem:$0x1210] =	vst v63  }
0x181: {  	v2 =	vld.idx.msk [tilespmem:v3+s2+$0x0], $0xffff  }
0x182: {  	v3 =	vld.idx.msk [tilespmem:v3+s7+$0x0], $0xffff;
	_ =	sdelay $0x4  }
0x183: {  	v3 =	vcvt.s32.f32 v3;
	_ =	sdelay $0x1  }
0x184: {  	[tilespmem:$0x1000] =	vst v3;
	v3 =	vld [tilespmem:$0x1FF10];
	_ =	sdelay $0x5  }
0x185: {  	v2 =	vadd.s32 v1, v2  }
0x186: {  	[tilespmem:$0x400] =	vst v2  }
0x187: {  	v2 =	vld.idx.msk [tilespmem:v3+s2+$0x0], $0xffff  }
0x188: {  	v3 =	vld.idx.msk [tilespmem:v3+s7+$0x0], $0xffff;
	_ =	sdelay $0x4  }
0x189: {  	v3 =	vcvt.s32.f32 v3;
	_ =	sdelay $0x1  }
0x18a: {  	[tilespmem:$0x1010] =	vst v3;
	v3 =	vld [tilespmem:$0x1FF20];
	_ =	sdelay $0x5  }
0x18b: {  	v2 =	vadd.s32 v1, v2  }
0x18c: {  	[tilespmem:$0x410] =	vst v2  }
0x18d: {  	v2 =	vld.idx.msk [tilespmem:v3+s2+$0x0], $0xffff  }
0x18e: {  	v3 =	vld.idx.msk [tilespmem:v3+s7+$0x0], $0xffff;
	_ =	sdelay $0x4  }
0x18f: {  	v3 =	vcvt.s32.f32 v3;
	_ =	sdelay $0x1  }
0x190: {  	[tilespmem:$0x1020] =	vst v3;
	v3 =	vld [tilespmem:$0x1FF30];
	_ =	sdelay $0x5  }
0x191: {  	v2 =	vadd.s32 v1, v2  }
0x192: {  	[tilespmem:$0x420] =	vst v2  }
0x193: {  	v2 =	vld.idx.msk [tilespmem:v3+s2+$0x0], $0xffff  }
0x194: {  	v3 =	vld.idx.msk [tilespmem:v3+s7+$0x0], $0xffff;
	_ =	sdelay $0x4  }
0x195: {  	v3 =	vcvt.s32.f32 v3;
	_ =	sdelay $0x1  }
0x196: {  	[tilespmem:$0x1030] =	vst v3;
	v3 =	vld [tilespmem:$0x1FF40];
	_ =	sdelay $0x5  }
0x197: {  	v2 =	vadd.s32 v1, v2  }
0x198: {  	[tilespmem:$0x430] =	vst v2  }
0x199: {  	v2 =	vld.idx.msk [tilespmem:v3+s2+$0x0], $0xffff  }
0x19a: {  	v3 =	vld.idx.msk [tilespmem:v3+s7+$0x0], $0xffff;
	_ =	sdelay $0x4  }
0x19b: {  	v3 =	vcvt.s32.f32 v3;
	_ =	sdelay $0x1  }
0x19c: {  	[tilespmem:$0x1040] =	vst v3;
	v3 =	vld [tilespmem:$0x1FF50];
	_ =	sdelay $0x5  }
0x19d: {  	v2 =	vadd.s32 v1, v2  }
0x19e: {  	[tilespmem:$0x440] =	vst v2  }
0x19f: {  	v2 =	vld.idx.msk [tilespmem:v3+s2+$0x0], $0xffff  }
0x1a0: {  	v3 =	vld.idx.msk [tilespmem:v3+s7+$0x0], $0xffff;
	_ =	sdelay $0x4  }
0x1a1: {  	v3 =	vcvt.s32.f32 v3;
	_ =	sdelay $0x1  }
0x1a2: {  	[tilespmem:$0x1050] =	vst v3;
	v3 =	vld [tilespmem:$0x1FF60];
	_ =	sdelay $0x5  }
0x1a3: {  	v2 =	vadd.s32 v1, v2  }
0x1a4: {  	[tilespmem:$0x450] =	vst v2  }
0x1a5: {  	v2 =	vld.idx.msk [tilespmem:v3+s2+$0x0], $0xffff  }
0x1a6: {  	v3 =	vld.idx.msk [tilespmem:v3+s7+$0x0], $0xffff;
	_ =	sdelay $0x4  }
0x1a7: {  	v3 =	vcvt.s32.f32 v3;
	_ =	sdelay $0x1  }
0x1a8: {  	[tilespmem:$0x1060] =	vst v3;
	v3 =	vld [tilespmem:$0x1FF70];
	_ =	sdelay $0x5  }
0x1a9: {  	v2 =	vadd.s32 v1, v2  }
0x1aa: {  	[tilespmem:$0x460] =	vst v2  }
0x1ab: {  	v2 =	vld.idx.msk [tilespmem:v3+s2+$0x0], $0xffff  }
0x1ac: {  	v3 =	vld.idx.msk [tilespmem:v3+s7+$0x0], $0xffff;
	_ =	sdelay $0x4  }
0x1ad: {  	v3 =	vcvt.s32.f32 v3;
	_ =	sdelay $0x1  }
0x1ae: {  	[tilespmem:$0x1070] =	vst v3;
	v3 =	vld [tilespmem:$0x1FF80];
	_ =	sdelay $0x4  }
0x1af: {  	v2 =	vadd.s32 v1, v2  }
0x1b0: {  	[tilespmem:$0x470] =	vst v2  }
0x1b1: {  	[tilespmem:s22], [sflag:$0x1] =	stream.indirect.gather [hbm4b:s3+s7], $0x1, s21, s7, $0xb8;
	[tilespmem:$0x1210] =	vst v63  }
0x1b2: {  	v2 =	vld.idx.msk [tilespmem:v3+s2+$0x0], $0xffff  }
0x1b3: {  	v3 =	vld.idx.msk [tilespmem:v3+s7+$0x0], $0xffff;
	_ =	sdelay $0x4  }
0x1b4: {  	v3 =	vcvt.s32.f32 v3;
	_ =	sdelay $0x1  }
0x1b5: {  	[tilespmem:$0x1080] =	vst v3;
	v3 =	vld [tilespmem:$0x1FF90];
	_ =	sdelay $0x5  }
0x1b6: {  	v2 =	vadd.s32 v1, v2  }
0x1b7: {  	[tilespmem:$0x480] =	vst v2  }
0x1b8: {  	v2 =	vld.idx.msk [tilespmem:v3+s2+$0x0], $0xffff  }
0x1b9: {  	v3 =	vld.idx.msk [tilespmem:v3+s7+$0x0], $0xffff;
	_ =	sdelay $0x4  }
0x1ba: {  	v3 =	vcvt.s32.f32 v3;
	_ =	sdelay $0x1  }
0x1bb: {  	[tilespmem:$0x1090] =	vst v3;
	v3 =	vld [tilespmem:$0x1FFA0];
	_ =	sdelay $0x5  }
0x1bc: {  	v2 =	vadd.s32 v1, v2  }
0x1bd: {  	[tilespmem:$0x490] =	vst v2  }
0x1be: {  	v2 =	vld.idx.msk [tilespmem:v3+s2+$0x0], $0xffff  }
0x1bf: {  	v3 =	vld.idx.msk [tilespmem:v3+s7+$0x0], $0xffff;
	_ =	sdelay $0x4  }
0x1c0: {  	v3 =	vcvt.s32.f32 v3;
	_ =	sdelay $0x1  }
0x1c1: {  	[tilespmem:$0x10A0] =	vst v3;
	v3 =	vld [tilespmem:$0x1FFB0];
	_ =	sdelay $0x5  }
0x1c2: {  	v2 =	vadd.s32 v1, v2  }
0x1c3: {  	[tilespmem:$0x4A0] =	vst v2  }
0x1c4: {  	v2 =	vld.idx.msk [tilespmem:v3+s2+$0x0], $0xffff  }
0x1c5: {  	v3 =	vld.idx.msk [tilespmem:v3+s7+$0x0], $0xffff;
	_ =	sdelay $0x4  }
0x1c6: {  	v3 =	vcvt.s32.f32 v3;
	_ =	sdelay $0x1  }
0x1c7: {  	[tilespmem:$0x10B0] =	vst v3;
	v3 =	vld [tilespmem:$0x1FFC0];
	_ =	sdelay $0x5  }
0x1c8: {  	v2 =	vadd.s32 v1, v2  }
0x1c9: {  	[tilespmem:$0x4B0] =	vst v2  }
0x1ca: {  	v2 =	vld.idx.msk [tilespmem:v3+s2+$0x0], $0xffff  }
0x1cb: {  	v3 =	vld.idx.msk [tilespmem:v3+s7+$0x0], $0xffff;
	_ =	sdelay $0x4  }
0x1cc: {  	v3 =	vcvt.s32.f32 v3;
	_ =	sdelay $0x1  }
0x1cd: {  	[tilespmem:$0x10C0] =	vst v3;
	v3 =	vld [tilespmem:$0x1FFD0];
	_ =	sdelay $0x5  }
0x1ce: {  	v2 =	vadd.s32 v1, v2  }
0x1cf: {  	[tilespmem:$0x4C0] =	vst v2  }
0x1d0: {  	v2 =	vld.idx.msk [tilespmem:v3+s2+$0x0], $0xffff  }
0x1d1: {  	v3 =	vld.idx.msk [tilespmem:v3+s7+$0x0], $0xffff;
	_ =	sdelay $0x4  }
0x1d2: {  	v3 =	vcvt.s32.f32 v3;
	_ =	sdelay $0x1  }
0x1d3: {  	[tilespmem:$0x10D0] =	vst v3;
	v3 =	vld [tilespmem:$0x1FFF0];
	_ =	sdelay $0x5  }
0x1d4: {  	v2 =	vadd.s32 v1, v2  }
0x1d5: {  	[tilespmem:$0x4D0] =	vst v2  }
0x1d6: {  	v2 =	vld.idx.msk [tilespmem:v3+s2+$0x0], $0xffff  }
0x1d7: {  	v3 =	vld.idx.msk [tilespmem:v3+s7+$0x0], $0xffff;
	_ =	sdelay $0x2  }
0x1d8: {  	v4 =	vor.u32 $0x7E, v0;
	_ =	sdelay $0x1  }
0x1d9: {  	v2 =	vadd.s32 v1, v2;
	v3 =	vcvt.s32.f32 v3  }
0x1da: {  	[tilespmem:$0x4E0] =	vst v2  }
0x1db: {  	[tilespmem:$0x10E0] =	vst v3  }
0x1dc: {  	v2 =	vld.idx.msk [tilespmem:v4+s2+$0x0], $0xffff  }
0x1dd: {  	v3 =	vld.idx.msk [tilespmem:v4+s7+$0x0], $0xffff;
	_ =	sdelay $0x4  }
0x1de: {  	v2 =	vadd.s32 v1, v2;
	v3 =	vcvt.s32.f32 v3  }
0x1df: {  	[tilespmem:$0x4F0] =	vst v2  }
0x1e0: {  	[tilespmem:$0x10F0] =	vst v3  }
0x1e1: {  	[tilespmem:s24], [sflag:$0x1] =	stream.indirect.gather [hbm4b:s3+s7], $0x1, s23, s7, $0xb8;
	[tilespmem:$0x1210] =	vst v63  }
0x1e2: {  	_ =	swait.ge [sflag:s25], $0x400  }
0x1e3: {  	[sflag:s25] =	ssyncset.done $0x0  }
0x1e4: {  	[sflag:s25] =	ssyncadd.s32 $0xFFFFFC00  }
0x1e5: {  	_ =	swait.ge [sflag:s5], $0x80  }
0x1e6: {  	[sflag:s5] =	ssyncset.done $0x0  }
0x1e7: {  	[sflag:s5] =	ssyncadd.s32 $0xFFFFFF80  }
0x1e8: {  	_ =	swait.ge [sflag:s5], $0x80  }
0x1e9: {  	[sflag:s5] =	ssyncset.done $0x0  }
0x1ea: {  	[sflag:s5] =	ssyncadd.s32 $0xFFFFFF80  }
0x1eb: {  	_ =	swait.ge [sflag:s5], $0x80  }
0x1ec: {  	[sflag:s5] =	ssyncset.done $0x0  }
0x1ed: {  	[sflag:s5] =	ssyncadd.s32 $0xFFFFFF80  }
0x1ee: {  	_ =	swait.ge [sflag:s5], $0x80  }
0x1ef: {  	[sflag:s5] =	ssyncset.done $0x0  }
0x1f0: {  	[sflag:s5] =	ssyncadd.s32 $0xFFFFFF80  }
0x1f1: {  	_ =	swait.ge [sflag:s5], $0x80  }
0x1f2: {  	[sflag:s5] =	ssyncset.done $0x0  }
0x1f3: {  	[sflag:s5] =	ssyncadd.s32 $0xFFFFFF80  }
0x1f4: {  	_ =	swait.ge [sflag:s5], $0x80  }
0x1f5: {  	[sflag:s5] =	ssyncset.done $0x0  }
0x1f6: {  	[sflag:s5] =	ssyncadd.s32 $0xFFFFFF80  }
0x1f7: {  	_ =	swait.ge [sflag:s5], $0x80  }
0x1f8: {  	[sflag:s5] =	ssyncset.done $0x0  }
0x1f9: {  	[sflag:s5] =	ssyncadd.s32 $0xFFFFFF80  }
0x1fa: {  	_ =	swait.ge [sflag:s5], $0x80  }
0x1fb: {  	[sflag:s5] =	ssyncset.done $0x0  }
0x1fc: {  	[sflag:s5] =	ssyncadd.s32 $0xFFFFFF80  }
0x1fd: {  	v2 =	vld [tilespmem:$0x900]  }
0x1fe: {  	v3 =	vld [tilespmem:$0x500]  }
0x1ff: {  	v5 =	vld [tilespmem:$0xD00]  }
0x200: {  	v9 =	vld [tilespmem:$0x910]  }
0x201: {  	v10 =	vld [tilespmem:$0x510]  }
0x202: {  	v15 =	vld [tilespmem:$0xD10]  }
0x203: {  	v16 =	vld [tilespmem:$0x920]  }
0x204: {  	v17 =	vld [tilespmem:$0x520]  }
0x205: {  	v21 =	vld [tilespmem:$0xD20]  }
0x206: {  	v22 =	vld [tilespmem:$0x930]  }
0x207: {  	v23 =	vld [tilespmem:$0x530]  }
0x208: {  	v27 =	vld [tilespmem:$0xD30]  }
0x209: {  	v28 =	vld [tilespmem:$0x940]  }
0x20a: {  	v29 =	vld [tilespmem:$0x540]  }
0x20b: {  	v33 =	vld [tilespmem:$0xD40]  }
0x20c: {  	v34 =	vld [tilespmem:$0x950]  }
0x20d: {  	v35 =	vld [tilespmem:$0x550]  }
0x20e: {  	v38 =	vld [tilespmem:$0xD50]  }
0x20f: {  	v39 =	vld [tilespmem:$0x960]  }
0x210: {  	v40 =	vld [tilespmem:$0x560]  }
0x211: {  	v41 =	vld [tilespmem:$0xD60]  }
0x212: {  	v42 =	vld [tilespmem:$0x970]  }
0x213: {  	v43 =	vld [tilespmem:$0x570]  }
0x214: {  	v44 =	vld [tilespmem:$0xD70]  }
0x215: {  	v45 =	vld [tilespmem:$0x980]  }
0x216: {  	v46 =	vld [tilespmem:$0x580]  }
0x217: {  	v47 =	vld [tilespmem:$0xD80]  }
0x218: {  	v48 =	vld [tilespmem:$0x990]  }
0x219: {  	v49 =	vld [tilespmem:$0x590]  }
0x21a: {  	v50 =	vld [tilespmem:$0xD90]  }
0x21b: {  	v51 =	vld [tilespmem:$0x9A0]  }
0x21c: {  	v52 =	vld [tilespmem:$0x5A0]  }
0x21d: {  	v53 =	vld [tilespmem:$0xDA0]  }
0x21e: {  	v54 =	vld [tilespmem:$0x9B0]  }
0x21f: {  	v55 =	vld [tilespmem:$0x5B0]  }
0x220: {  	v56 =	vld [tilespmem:$0xDB0]  }
0x221: {  	v26 =	vld [tilespmem:$0xE30]  }
0x222: {  	v57 =	vld [tilespmem:$0x9C0]  }
0x223: {  	v58 =	vld [tilespmem:$0x5C0]  }
0x224: {  	v59 =	vld [tilespmem:$0xDC0]  }
0x225: {  	v60 =	vld [tilespmem:$0x9D0]  }
0x226: {  	[tilespmem:$0x1FB30] =	vst v26;
	v26 =	vld [tilespmem:$0xE50]  }
0x227: {  	v61 =	vld [tilespmem:$0x5D0]  }
0x228: {  	v62 =	vld [tilespmem:$0xDD0]  }
0x229: {  	v63 =	vld [tilespmem:$0x9E0]  }
0x22a: {  	v0 =	vld [tilespmem:$0x5E0]  }
0x22b: {  	[tilespmem:$0x1FB80] =	vst v26;
	v26 =	vld [tilespmem:$0xA60]  }
0x22c: {  	v11 =	vld [tilespmem:$0xDE0]  }
0x22d: {  	v6 =	vld [tilespmem:$0x9F0]  }
0x22e: {  	v4 =	vld [tilespmem:$0x5F0]  }
0x22f: {  	v14 =	vld [tilespmem:$0xDF0]  }
0x230: {  	[tilespmem:$0x1FB60] =	vst v26;
	v26 =	vld [tilespmem:$0x660]  }
0x231: {  	v8 =	vld [tilespmem:$0xA00]  }
0x232: {  	v7 =	vld [tilespmem:$0x600]  }
0x233: {  	v20 =	vld [tilespmem:$0xE00]  }
0x234: {  	v13 =	vld [tilespmem:$0xA10]  }
0x235: {  	[tilespmem:$0x1FB70] =	vst v26;
	v26 =	vld [tilespmem:$0xE60]  }
0x236: {  	v12 =	vld [tilespmem:$0x610]  }
0x237: {  	v37 =	vld [tilespmem:$0xE10]  }
0x238: {  	v19 =	vld [tilespmem:$0xA20]  }
0x239: {  	v18 =	vld [tilespmem:$0x620]  }
0x23a: {  	[tilespmem:$0x1FBB0] =	vst v26;
	v26 =	vld [tilespmem:$0xA70]  }
0x23b: {  	v31 =	vld [tilespmem:$0xE20]  }
0x23c: {  	v25 =	vld [tilespmem:$0xA30]  }
0x23d: {  	v30 =	vld [tilespmem:$0xE40]  }
0x23e: {  	v24 =	vld [tilespmem:$0x630]  }
0x23f: {  	[tilespmem:$0x1FB90] =	vst v26;
	v26 =	vld [tilespmem:$0x670]  }
0x240: {  	v32 =	vld [tilespmem:$0xA40]  }
0x241: {  	v36 =	vld [tilespmem:$0x640]  }
0x242: {  	[tilespmem:$0x1FB50] =	vst v30;
	v30 =	vld [tilespmem:$0xA50]  }
0x243: {  	v2 =	vsub.f32 v2, v3;
	v3 =	vld [tilespmem:$0xE80]  }
0x244: {  	v22 =	vsub.f32 v22, v23;
	[tilespmem:$0x1FBA0] =	vst v26;
	v26 =	vld [tilespmem:$0xE70]  }
0x245: {  	v23 =	vsub.f32 v28, v29;
	v28 =	vsub.f32 v34, v35;
	v34 =	vld [tilespmem:$0xAE0]  }
0x246: {  	v4 =	vsub.f32 v6, v4;
	v6 =	vld [tilespmem:$0xF20]  }
0x247: {  	v7 =	vsub.f32 v8, v7;
	v8 =	vld [tilespmem:$0x730]  }
0x248: {  	v12 =	vsub.f32 v13, v12;
	v13 =	vld [tilespmem:$0xB40]  }
0x249: {  	v9 =	vsub.f32 v9, v10;
	v10 =	vsub.f32 v16, v17;
	[tilespmem:$0x1FBE0] =	vst v26;
	v26 =	vld [tilespmem:$0xA80]  }
0x24a: {  	v18 =	vsub.f32 v19, v18;
	v19 =	vld [tilespmem:$0xF40]  }
0x24b: {  	v0 =	vsub.f32 v63, v0;
	v63 =	vsub.f32 v32, v36;
	v36 =	vld [tilespmem:$0x1FB30];
	v10 =	vand.u32 $0x7FFFFFFF, v10  }
0x24c: {  	v22 =	vand.u32 $0x7FFFFFFF, v22;
	v10 =	vmul.f32 v10, v21;
	v21 =	vld [tilespmem:$0x6B0]  }
0x24d: {  	v27 =	vmul.f32 v22, v27;
	v22 =	vld [tilespmem:$0xAC0]  }
0x24e: {  	v39 =	vsub.f32 v39, v40;
	v42 =	vsub.f32 v42, v43;
	v28 =	vand.u32 $0x7FFFFFFF, v28;
	[tilespmem:$0x1FBC0] =	vst v26;
	v26 =	vld [tilespmem:$0x680]  }
0x24f: {  	v45 =	vsub.f32 v45, v46;
	v23 =	vand.u32 $0x7FFFFFFF, v23;
	v40 =	vmul.f32 v28, v38;
	v28 =	vld [tilespmem:$0xAD0]  }
0x250: {  	v51 =	vsub.f32 v51, v52;
	v43 =	vand.u32 $0x7FFFFFFF, v39;
	v23 =	vmul.f32 v23, v33;
	v33 =	vld [tilespmem:$0x6D0]  }
0x251: {  	v35 =	vmul.f32 v43, v41;
	v43 =	vld [tilespmem:$0x6F0]  }
0x252: {  	v46 =	vand.u32 $0x7FFFFFFF, v42;
	v42 =	vand.u32 $0x7FFFFFFF, v51;
	v38 =	vand.u32 $0x7FFFFFFF, v45;
	v45 =	vld [tilespmem:$0xB00]  }
0x253: {  	v49 =	vsub.f32 v48, v49;
	v53 =	vmul.f32 v42, v53;
	v42 =	vld [tilespmem:$0x700];
	[tilespmem:$0x1FBD0] =	vst v26;
	v26 =	vand.u32 $0x7FFFFFFF, v2  }
0x254: {  	v5 =	vmul.f32 v26, v5;
	v26 =	vld [tilespmem:$0xE90]  }
0x255: {  	v0 =	vand.u32 $0x7FFFFFFF, v0;
	v41 =	vand.u32 $0x7FFFFFFF, v49;
	v49 =	vld [tilespmem:$0x710]  }
0x256: {  	v52 =	vsub.f32 v54, v55;
	v4 =	vand.u32 $0x7FFFFFFF, v4;
	v0 =	vmul.f32 v0, v11;
	v11 =	vld [tilespmem:$0xB30]  }
0x257: {  	v54 =	vsub.f32 v57, v58;
	v4 =	vmul.f32 v4, v14;
	v14 =	vld [tilespmem:$0xF30]  }
0x258: {  	v39 =	vmul.f32 v46, v44;
	v44 =	vand.u32 $0x7FFFFFFF, v52;
	v38 =	vmul.f32 v38, v47;
	v47 =	vld [tilespmem:$0xF00]  }
0x259: {  	v46 =	vand.u32 $0x7FFFFFFF, v54;
	v55 =	vmul.f32 v44, v56;
	v44 =	vld [tilespmem:$0xB10];
	[tilespmem:$0x1FC00] =	vst v26;
	v26 =	vand.u32 $0x7FFFFFFF, v9  }
0x25a: {  	v57 =	vmul.f32 v46, v59;
	v46 =	vld [tilespmem:$0xF10];
	v16 =	vmul.f32 v26, v15;
	v26 =	vadd.f32 $0.0e+00, v5  }
0x25b: {  	v7 =	vand.u32 $0x7FFFFFFF, v7;
	v41 =	vmul.f32 v41, v50;
	v50 =	vld [tilespmem:$0xB20]  }
0x25c: {  	v12 =	vand.u32 $0x7FFFFFFF, v12;
	v59 =	vmul.f32 v7, v20;
	v7 =	vld [tilespmem:$0x740];
	v17 =	vadd.f32 v16, v26  }
0x25d: {  	v56 =	vsub.f32 v60, v61;
	v60 =	vmul.f32 v12, v37;
	v12 =	vld [tilespmem:$0xB50]  }
0x25e: {  	v61 =	vsub.f32 v25, v24;
	v24 =	vld [tilespmem:$0x750];
	v17 =	vadd.f32 v10, v17  }
0x25f: {  	[tilespmem:$0x1FB40] =	vst v30;
	v30 =	vld [tilespmem:$0x650]  }
0x260: {  	[tilespmem:$0x1FBF0] =	vst v3;
	v3 =	vld [tilespmem:$0xA90];
	v29 =	vadd.f32 v27, v17  }
0x261: {  	v37 =	vld [tilespmem:$0x1FB40]  }
0x262: {  	v48 =	vand.u32 $0x7FFFFFFF, v56;
	v52 =	vld [tilespmem:$0x1FB80];
	v23 =	vadd.f32 v23, v29  }
0x263: {  	v18 =	vand.u32 $0x7FFFFFFF, v18;
	v58 =	vmul.f32 v48, v62;
	v48 =	vld [tilespmem:$0x720]  }
0x264: {  	v62 =	vmul.f32 v18, v31;
	v18 =	vld [tilespmem:$0xF50];
	v29 =	vadd.f32 v40, v23  }
0x265: {  	v31 =	vld [tilespmem:$0xB60]  }
0x266: {  	v33 =	vsub.f32 v28, v33;
	v28 =	vld [tilespmem:$0xFC0];
	v35 =	vadd.f32 v35, v29  }
0x267: {  	v45 =	vsub.f32 v45, v42;
	v42 =	vld [tilespmem:$0x80]  }
0x268: {  	v7 =	vsub.f32 v13, v7;
	v13 =	vld [tilespmem:$0x1000];
	v35 =	vadd.f32 v39, v35  }
0x269: {  	v12 =	vsub.f32 v12, v24;
	v24 =	vld [tilespmem:$0x1020]  }
0x26a: {  	v2 =	vld [tilespmem:$0x690];
	v38 =	vadd.f32 v38, v35  }
0x26b: {  	v49 =	vsub.f32 v44, v49;
	v44 =	vld [tilespmem:$0x860]  }
0x26c: {  	v51 =	vld [tilespmem:$0x1FB70];
	v38 =	vadd.f32 v41, v38  }
0x26d: {  	v54 =	vld [tilespmem:$0x1FBA0]  }
0x26e: {  	v56 =	vld [tilespmem:$0x1FBC0];
	v38 =	vadd.f32 v53, v38  }
0x26f: {  	v2 =	vsub.f32 v3, v2;
	v3 =	vld [tilespmem:$0x790]  }
0x270: {  	v9 =	vld [tilespmem:$0xAA0];
	v38 =	vadd.f32 v55, v38  }
0x271: {  	v15 =	vld [tilespmem:$0x6A0]  }
0x272: {  	v5 =	vld [tilespmem:$0xEA0];
	v38 =	vadd.f32 v57, v38  }
0x273: {  	v16 =	vld [tilespmem:$0xAB0]  }
0x274: {  	v26 =	vsub.f32 v37, v30;
	v30 =	vld [tilespmem:$0xF60];
	v38 =	vadd.f32 v58, v38  }
0x275: {  	v10 =	vld [tilespmem:$0xEB0]  }
0x276: {  	v9 =	vsub.f32 v9, v15;
	v15 =	vld [tilespmem:$0xBA0];
	v0 =	vadd.f32 v0, v38  }
0x277: {  	v27 =	vld [tilespmem:$0x6C0]  }
0x278: {  	v17 =	vld [tilespmem:$0xEC0];
	v16 =	vsub.f32 v16, v21;
	v0 =	vadd.f32 v4, v0  }
0x279: {  	v20 =	vand.u32 $0x7FFFFFFF, v61;
	v21 =	vld [tilespmem:$0xFA0]  }
0x27a: {  	v61 =	vand.u32 $0x7FFFFFFF, v16;
	v16 =	vand.u32 $0x7FFFFFFF, v33;
	v33 =	vld [tilespmem:$0x7D0];
	v0 =	vadd.f32 v59, v0  }
0x27b: {  	v38 =	vld [tilespmem:$0x1FB50]  }
0x27c: {  	v41 =	vld [tilespmem:$0x1FB60];
	v0 =	vadd.f32 v60, v0  }
0x27d: {  	v23 =	vld [tilespmem:$0xED0]  }
0x27e: {  	v53 =	vld [tilespmem:$0x1FB90];
	v4 =	vmul.f32 v20, v36;
	v0 =	vadd.f32 v62, v0  }
0x27f: {  	v25 =	vand.u32 $0x7FFFFFFF, v63;
	v55 =	vld [tilespmem:$0x1FBB0]  }
0x280: {  	v57 =	vld [tilespmem:$0x1FBD0];
	v0 =	vadd.f32 v4, v0;
	v4 =	vmul.f32 v25, v38  }
0x281: {  	v26 =	vand.u32 $0x7FFFFFFF, v26;
	v32 =	vsub.f32 v41, v51;
	v58 =	vld [tilespmem:$0x1FBE0]  }
0x282: {  	v40 =	vld [tilespmem:$0x6E0];
	v0 =	vadd.f32 v4, v0;
	v4 =	vmul.f32 v26, v52  }
0x283: {  	v32 =	vand.u32 $0x7FFFFFFF, v32;
	v37 =	vsub.f32 v53, v54;
	v59 =	vld [tilespmem:$0x1FBF0]  }
0x284: {  	v39 =	vld [tilespmem:$0xAF0];
	v0 =	vadd.f32 v4, v0;
	v4 =	vmul.f32 v32, v55  }
0x285: {  	v37 =	vand.u32 $0x7FFFFFFF, v37;
	v41 =	vsub.f32 v56, v57;
	v60 =	vld [tilespmem:$0x1FC00]  }
0x286: {  	v29 =	vld [tilespmem:$0xEE0];
	v0 =	vadd.f32 v4, v0;
	v4 =	vmul.f32 v37, v58  }
0x287: {  	v40 =	vsub.f32 v34, v40;
	v34 =	vld [tilespmem:$0xBE0];
	v41 =	vand.u32 $0x7FFFFFFF, v41  }
0x288: {  	v35 =	vld [tilespmem:$0xEF0];
	v0 =	vadd.f32 v4, v0;
	v4 =	vmul.f32 v41, v59  }
0x289: {  	v2 =	vand.u32 $0x7FFFFFFF, v2;
	v43 =	vsub.f32 v39, v43;
	v39 =	vld [tilespmem:$0xFE0]  }
0x28a: {  	v51 =	vld [tilespmem:$0xF80];
	v2 =	vmul.f32 v2, v60;
	v0 =	vadd.f32 v4, v0  }
0x28b: {  	v9 =	vand.u32 $0x7FFFFFFF, v9;
	v54 =	vld [tilespmem:$0x7F0]  }
0x28c: {  	v53 =	vsub.f32 v50, v48;
	v48 =	vld [tilespmem:$0xC70];
	v0 =	vadd.f32 v2, v0;
	v2 =	vmul.f32 v9, v5  }
0x28d: {  	v50 =	vld [tilespmem:$0x1070];
	v62 =	vsub.f32 v22, v27  }
0x28e: {  	v56 =	vld [tilespmem:$0x800];
	v0 =	vadd.f32 v2, v0;
	v2 =	vmul.f32 v61, v10  }
0x28f: {  	v57 =	vld [tilespmem:$0x810];
	v63 =	vand.u32 $0x7FFFFFFF, v62  }
0x290: {  	v20 =	vld [tilespmem:$0x760];
	v0 =	vadd.f32 v2, v0;
	v2 =	vmul.f32 v63, v17  }
0x291: {  	v36 =	vld [tilespmem:$0x770]  }
0x292: {  	v22 =	vld [tilespmem:$0x7B0];
	v0 =	vadd.f32 v2, v0;
	v2 =	vmul.f32 v16, v23  }
0x293: {  	v27 =	vld [tilespmem:$0xBC0];
	v17 =	vand.u32 $0x7FFFFFFF, v40  }
0x294: {  	v25 =	vld [tilespmem:$0xB70];
	v0 =	vadd.f32 v2, v0;
	v2 =	vmul.f32 v17, v29  }
0x295: {  	v38 =	vld [tilespmem:$0xB80];
	v23 =	vand.u32 $0x7FFFFFFF, v43  }
0x296: {  	v26 =	vld [tilespmem:$0xF70];
	v0 =	vadd.f32 v2, v0;
	v2 =	vmul.f32 v23, v35  }
0x297: {  	v52 =	vld [tilespmem:$0xBF0];
	v29 =	vand.u32 $0x7FFFFFFF, v45  }
0x298: {  	v32 =	vld [tilespmem:$0x780];
	v0 =	vadd.f32 v2, v0;
	v2 =	vmul.f32 v29, v47  }
0x299: {  	v55 =	vld [tilespmem:$0xC00];
	v35 =	vand.u32 $0x7FFFFFFF, v49  }
0x29a: {  	v37 =	vld [tilespmem:$0xB90];
	v0 =	vadd.f32 v2, v0;
	v2 =	vmul.f32 v35, v46  }
0x29b: {  	v8 =	vsub.f32 v11, v8;
	v58 =	vsub.f32 v31, v20;
	v20 =	vld [tilespmem:$0xC20];
	v40 =	vand.u32 $0x7FFFFFFF, v53  }
0x29c: {  	v31 =	vld [tilespmem:$0x8B0];
	v0 =	vadd.f32 v2, v0;
	v2 =	vmul.f32 v40, v6  }
0x29d: {  	v8 =	vand.u32 $0x7FFFFFFF, v8;
	v52 =	vsub.f32 v52, v54;
	v54 =	vld [tilespmem:$0x880]  }
0x29e: {  	v41 =	vld [tilespmem:$0xF90];
	v0 =	vadd.f32 v2, v0;
	v2 =	vmul.f32 v8, v14  }
0x29f: {  	v7 =	vand.u32 $0x7FFFFFFF, v7;
	v59 =	vld [tilespmem:$0x820]  }
0x2a0: {  	v60 =	vand.u32 $0x7FFFFFFF, v58;
	v58 =	vld [tilespmem:$0x1090];
	v0 =	vadd.f32 v2, v0;
	v2 =	vmul.f32 v7, v19  }
0x2a1: {  	v12 =	vand.u32 $0x7FFFFFFF, v12;
	v62 =	vsub.f32 v38, v32;
	v32 =	vld [tilespmem:$0x1030]  }
0x2a2: {  	v38 =	vld [tilespmem:$0x1040];
	v0 =	vadd.f32 v2, v0;
	v2 =	vmul.f32 v12, v18  }
0x2a3: {  	v4 =	vld [tilespmem:$0x7A0];
	v61 =	vsub.f32 v25, v36  }
0x2a4: {  	v3 =	vsub.f32 v37, v3;
	v37 =	vld [tilespmem:$0x840];
	v0 =	vadd.f32 v2, v0;
	v2 =	vmul.f32 v60, v30  }
0x2a5: {  	v5 =	vld [tilespmem:$0xBB0];
	v19 =	vand.u32 $0x7FFFFFFF, v61  }
0x2a6: {  	v9 =	vld [tilespmem:$0xFB0];
	v0 =	vadd.f32 v2, v0;
	v2 =	vmul.f32 v19, v26  }
0x2a7: {  	v10 =	vld [tilespmem:$0x7C0];
	v25 =	vand.u32 $0x7FFFFFFF, v62  }
0x2a8: {  	v36 =	vld [tilespmem:$0xC40];
	v0 =	vadd.f32 v2, v0;
	v2 =	vmul.f32 v25, v51  }
0x2a9: {  	v3 =	vand.u32 $0x7FFFFFFF, v3;
	v4 =	vsub.f32 v15, v4;
	v63 =	vld [tilespmem:$0x830]  }
0x2aa: {  	v16 =	vld [tilespmem:$0xBD0];
	v0 =	vadd.f32 v2, v0;
	v2 =	vmul.f32 v3, v41  }
0x2ab: {  	v53 =	vld [tilespmem:$0xC80];
	v4 =	vand.u32 $0x7FFFFFFF, v4;
	v5 =	vsub.f32 v5, v22  }
0x2ac: {  	v23 =	vld [tilespmem:$0x7E0];
	v0 =	vadd.f32 v2, v0;
	v2 =	vmul.f32 v4, v21  }
0x2ad: {  	v5 =	vand.u32 $0x7FFFFFFF, v5;
	v10 =	vsub.f32 v27, v10;
	v17 =	vld [tilespmem:$0xFD0]  }
0x2ae: {  	v43 =	vld [tilespmem:$0xC60];
	v0 =	vadd.f32 v2, v0;
	v2 =	vmul.f32 v5, v9  }
0x2af: {  	v45 =	vand.u32 $0x7FFFFFFF, v10;
	v49 =	vld [tilespmem:$0x870];
	v46 =	vsub.f32 v16, v33  }
0x2b0: {  	v47 =	vld [tilespmem:$0x1060];
	v0 =	vadd.f32 v2, v0;
	v2 =	vmul.f32 v45, v28  }
0x2b1: {  	v35 =	vld [tilespmem:$0xFF0];
	v23 =	vsub.f32 v34, v23;
	v10 =	vand.u32 $0x7FFFFFFF, v46  }
0x2b2: {  	v8 =	vld [tilespmem:$0xC10];
	v0 =	vadd.f32 v2, v0;
	v2 =	vmul.f32 v10, v17  }
0x2b3: {  	v29 =	vld [tilespmem:$0xCB0];
	v51 =	vand.u32 $0x7FFFFFFF, v23  }
0x2b4: {  	v34 =	vld [tilespmem:$0xCC0];
	v0 =	vadd.f32 v2, v0;
	v2 =	vmul.f32 v51, v39  }
0x2b5: {  	v6 =	vsub.f32 v55, v56;
	v7 =	vld [tilespmem:$0x1010];
	v23 =	vand.u32 $0x7FFFFFFF, v52  }
0x2b6: {  	v18 =	vld [tilespmem:$0xC30];
	v0 =	vadd.f32 v2, v0;
	v2 =	vmul.f32 v23, v35  }
0x2b7: {  	v40 =	vld [tilespmem:$0x850];
	v6 =	vand.u32 $0x7FFFFFFF, v6;
	v8 =	vsub.f32 v8, v57  }
0x2b8: {  	v55 =	vld [tilespmem:$0x1080];
	v0 =	vadd.f32 v2, v0;
	v2 =	vmul.f32 v6, v13  }
0x2b9: {  	v56 =	vld [tilespmem:$0xC90];
	v12 =	vsub.f32 v20, v59;
	v8 =	vand.u32 $0x7FFFFFFF, v8  }
0x2ba: {  	v3 =	vld [tilespmem:$0xC50];
	v0 =	vadd.f32 v2, v0;
	v2 =	vmul.f32 v8, v7  }
0x2bb: {  	v46 =	vld [tilespmem:$0xA0];
	v61 =	vand.u32 $0x7FFFFFFF, v12;
	v62 =	vsub.f32 v18, v63  }
0x2bc: {  	v57 =	vld [tilespmem:$0x890];
	v0 =	vadd.f32 v2, v0;
	v2 =	vmul.f32 v61, v24  }
0x2bd: {  	v30 =	vsub.f32 v36, v37;
	v12 =	vand.u32 $0x7FFFFFFF, v62;
	v41 =	vld [tilespmem:$0x1050]  }
0x2be: {  	v59 =	vld [tilespmem:$0xCA0];
	v0 =	vadd.f32 v2, v0;
	v2 =	vmul.f32 v12, v32  }
0x2bf: {  	v60 =	vld [tilespmem:$0x8A0];
	v33 =	vand.u32 $0x7FFFFFFF, v30;
	v3 =	vsub.f32 v3, v40  }
0x2c0: {  	v36 =	vld [tilespmem:$0x10C0];
	v0 =	vadd.f32 v2, v0;
	v2 =	vmul.f32 v33, v38  }
0x2c1: {  	v63 =	vld [tilespmem:$0x10A0];
	v5 =	vsub.f32 v43, v44;
	v3 =	vand.u32 $0x7FFFFFFF, v3  }
0x2c2: {  	v14 =	vsub.f32 v56, v57;
	v56 =	vld [tilespmem:$0xD0];
	v0 =	vadd.f32 v2, v0;
	v2 =	vmul.f32 v3, v41  }
0x2c3: {  	v43 =	vld [tilespmem:$0x90];
	v37 =	vand.u32 $0x7FFFFFFF, v5;
	v38 =	vsub.f32 v48, v49  }
0x2c4: {  	v40 =	vld [tilespmem:$0x10D0];
	v0 =	vadd.f32 v2, v0;
	v2 =	vmul.f32 v37, v47  }
0x2c5: {  	v45 =	vld [tilespmem:$0xCE0];
	v5 =	vand.u32 $0x7FFFFFFF, v38;
	v41 =	vsub.f32 v53, v54  }
0x2c6: {  	v39 =	vld [tilespmem:$0x8D0];
	v0 =	vadd.f32 v2, v0;
	v2 =	vmul.f32 v5, v50  }
0x2c7: {  	v35 =	vld [tilespmem:$0x8C0];
	v44 =	vand.u32 $0x7FFFFFFF, v41  }
0x2c8: {  	v32 =	vld [tilespmem:$0x10B0];
	v0 =	vadd.f32 v2, v0;
	v2 =	vmul.f32 v44, v55  }
0x2c9: {  	v7 =	vsub.f32 v59, v60;
	v3 =	vld [tilespmem:$0xCD0];
	v47 =	vand.u32 $0x7FFFFFFF, v14  }
0x2ca: {  	v52 =	vcvt.s32.f32 v42;
	v50 =	vld [tilespmem:$0xB0];
	v0 =	vadd.f32 v2, v0;
	v2 =	vmul.f32 v47, v58  }
0x2cb: {  	v8 =	vsub.f32 v29, v31;
	v49 =	vand.u32 $0x7FFFFFFF, v7;
	v54 =	vld [tilespmem:$0xC0];
	v5 =	vcvt.s32.f32 v43  }
0x2cc: {  	v48 =	vld [tilespmem:$0x8E0];
	v53 =	vsub.f32 v34, v35;
	v0 =	vadd.f32 v2, v0;
	v2 =	vmul.f32 v49, v63  }
0x2cd: {  	v10 =	vcvt.s32.f32 v46;
	v51 =	vld [tilespmem:$0xCF0];
	v8 =	vand.u32 $0x7FFFFFFF, v8;
	v5 =	vadd.f32 v5, v52  }
0x2ce: {  	v6 =	vand.u32 $0x7FFFFFFF, v53;
	v55 =	vld [tilespmem:$0x8F0];
	v0 =	vadd.f32 v2, v0;
	v2 =	vmul.f32 v8, v32  }
0x2cf: {  	v57 =	vld [tilespmem:$0x10E0];
	v3 =	vsub.f32 v3, v39;
	v5 =	vadd.f32 v10, v5;
	v7 =	vcvt.s32.f32 v50  }
0x2d0: {  	v59 =	vld [tilespmem:$0xE0];
	v61 =	vcvt.s32.f32 v54;
	v0 =	vadd.f32 v2, v0;
	v2 =	vmul.f32 v6, v36  }
0x2d1: {  	v60 =	vld [tilespmem:$0x10F0];
	v3 =	vand.u32 $0x7FFFFFFF, v3;
	v58 =	vsub.f32 v45, v48;
	v5 =	vadd.f32 v7, v5  }
0x2d2: {  	v62 =	vld [tilespmem:$0xF0];
	v8 =	vcvt.s32.f32 v56;
	v0 =	vadd.f32 v2, v0;
	v2 =	vmul.f32 v3, v40  }
0x2d3: {  	v5 =	vadd.f32 v61, v5;
	v6 =	vand.u32 $0x7FFFFFFF, v58;
	v3 =	vsub.f32 v51, v55  }
0x2d4: {  	v0 =	vadd.f32 v2, v0;
	v2 =	vmul.f32 v6, v57  }
0x2d5: {  	v63 =	vcvt.s32.f32 v59;
	v5 =	vadd.f32 v8, v5;
	v3 =	vand.u32 $0x7FFFFFFF, v3  }
0x2d6: {  	v0 =	vadd.f32 v2, v0;
	v2 =	vmul.f32 v3, v60  }
0x2d7: {  	v4 =	vcvt.s32.f32 v62;
	v3 =	vadd.f32 v63, v5  }
0x2d8: {  	v0 =	vadd.f32 v2, v0  }
0x2d9: {  	v2 =	vadd.f32 v4, v3  }
0x2da: {  	(xrf2) =	vadd.scan.msk.f32 $0xffff, v0  }
0x2db: {  	(xrf2) =	vadd.scan.msk.f32 $0xffff, v2;
	_ =	sdelay $0x8  }
0x2dc: {  	v0, _, _ =	vpop (xrf2)  }
0x2dd: {  	v2, _, _ =	vpop (xrf2)  }
0x2de: {  	v2 =	vbroadcast v2, $0xF  }
0x2df: {  	v0 =	vbroadcast v0, $0xF  }
0x2e0: {  	v3 =	vnsel vm0, $0x0, v2  }
0x2e1: {  	v3 =	vsel vm1, v3, v0  }
0x2e2: {  	[tilespmem:$0x1100] =	vst v3  }
0x2e3: {  	[spmem:s4] =	stream.linear.scatter [tilespmem:s26], [sflag:$0x4], $0x80, $0x38;
	[tilespmem:$0x1210] =	vst v63  }
0x2e4: {  	_ =	swait.ge [sflag:s28], $0x80  }
0x2e5: {  	[sflag:s28] =	ssyncset.done $0x0  }
0x2e6: {  	[sflag:s28] =	ssyncadd.s32 $0xFFFFFF80  }
0x2e7: {  	[bflag:$0x0] =	sbarrier.arrive $0xFFFF  }
0x2e8: {  	s30 =	simm.s32 @!p0 $0x1180;
	s29 =	rddreg [dreg:$0x8]  }
0x2e9: {  	v3 =	vimm.s32 @!p0 $0x1;
	[tilespmem:s30], [sflag:$0x4] =	stream.linear.gather @!p0 [spmem:s29], $0x80, $0x38;
	[tilespmem:$0x1210] =	vst v63  }
0x2ea: {  	s29 =	simm.s32 @!p0 $0x4  }
0x2eb: {  	_ =	swait.ge @!p0 [sflag:s29], $0x80  }
0x2ec: {  	[sflag:s29] =	ssyncset.done @!p0 $0x0  }
0x2ed: {  	[sflag:s29] =	ssyncadd.s32 @!p0 $0xFFFFFF80  }
0x2ee: {  	v3 =	vld.idx.msk @!p0 [tilespmem:v3+s30+$0x0], $0xffff;
	_ =	sdelay $0x4  }
0x2ef: {  	v2 =	vadd.f32 @!p0 v3, v2;
	_ =	sdelay $0x1  }
0x2f0: {  	v2 =	vadd.f32 @!p0 $9.999999740e-05, v2;
	_ =	sdelay $0x1  }
0x2f1: {  	(erf) = vrcp.f32 @!p0 v2;
	_ =	sdelay $0x2  }
0x2f2: {  	v2 =	vld.msk @!p0 [tilespmem:s30+$0x0], $0xffff;
	_ =	sdelay $0x4  }
0x2f3: {  	v0 =	vadd.f32 @!p0 v2, v0  }
0x2f4: {  	v2 =	vpop @!p0 (erf)  }
0x2f5: {  	s6 =	sadd.s32 $0xFFFFFFFF, s6;
	v0 =	vmul.f32 @!p0 v2, v0  }
0x2f6: {  	p1 =	sne.s32 s6, $0x0;
	s1 =	simm.s32 @!p0 $0x1100  }
.Ltmp0:
0x2f7: {  	s31 =	simm.s32 @!p0 $0x0;
	s30 =	rddreg [dreg:$0x9];
	[tilespmem:$0x1100] =	vst @!p0 v0;
	(pc) =	sbr.rel @p1 .LBB2_1-.Ltmp0, $4  }
0x2f8: {  	[hbm4b:s30+s31] =	stream.linear.scatter @!p0 [tilespmem:s1], [sflag:$0x4], $0x10, $0x38;
	[tilespmem:$0x1210] =	vst v63  }
0x2f9: {  	_ =	swait.ge @!p0 [sflag:s29], $0x10  }
0x2fa: {  	[sflag:s29] =	ssyncset.done @!p0 $0x0  }
0x2fb: {  	[sflag:s29] =	ssyncadd.s32 @!p0 $0xFFFFFFF0  }
0x2fc: {  	_ =	sfence.sel $0x180000  }
0x2fd: {  	[bflag:$0x0] =	sbarrier.arrive $0xFFFF  }
0x2fe: {  	_ =	strace $0x9000004A  }
0x2ff: {  	[bflag:$0x2] =	sbarrier.arrive $0xFFFF  }
0x300: {  	p0 =	sne.s32 s0, $0x0;
	s0 =	rddreg [dreg:$0x4]  }
0x301: {  	s0 =	sadd.s32 @!p0 $0x100000, s0  }
0x302: {  	[sflag:s0] =	ssyncadd.tile.s32 @!p0 $0x1;
	_ =	shalt  }
.Lfunc_end2:
_tile_overlayer_lowered:
.L_overlay_start_2:
0x303: {  	(tag) =	ssettag $0x2  }
0x304: {  	s0 =	rddreg [dreg:$0x0];
	s2 =	stileid.u32  }
0x305: {  	s1 =	rddreg [dreg:$0x1];
	p0 =	sne.s32 s2, $0x0  }
0x306: {  	s3 =	rddreg [dreg:$0x2];
	[bflag:$0x3] =	sbarrier.arrive $0xFFFF;
	s2 =	simm.s32 @!p0 $0x1C04  }
0x307: {  	[timem:s3], [sflag:s2] =	dma.local @!p0 [hbm:s0], s1  }
0x308: {  	s0 =	simm.s32 @!p0 $0x4  }
0x309: {  	_ =	swait.ge @!p0 [sflag:s0], s1  }
0x30a: {  	s1 =	ssub.s32 @!p0 $0x0, s1;
	[sflag:s0] =	ssyncset.done @!p0 $0x0  }
0x30b: {  	[sflag:s0] =	ssyncadd.s32 @!p0 s1  }
0x30c: {  	[bflag:$0x3] =	sbarrier.arrive $0xFFFF  }
0x30d: {  	_ =	shalt  }

// kernel: sparse-core-data-format-call.cloned.1.call-start
scs
called_computation_lowered:
.L_overlay_start_0:
0x0: {  	s2 =	sld [smem:$0x3FD9]  }
0x1: {  	s3 =	sld [smem:$0x3FFE];
	_ =	sdelay $0x1  }
0x2: {  	s1 =	srdreg.scid  }
0x3: {  	s0 =	sand.u32 $0x1, s1  }
0x4: {  	s18 =	sshll.u32 s0, $0xA;
	s2 =	sadd.s32 s3, s2  }
0x5: {  	s2 =	sadd.s32 s2, s18  }
0x6: {  	[smem:$0x3FC4] =	sst s2  }
0x7: {  	_ = 	snop  }
0x8: {  	s2 =	sld [smem:$0x3FC9];
	(tm) =	ssettm $0x1  }
0x9: {  	s19 =	sld [smem:$0x3FFB];
	_ =	sdelay $0x3  }
0xa: {  	_ =	strace s19  }
0xb: {  	s3 =	sld [smem:$0x3FFC];
	_ =	sdelay $0x3  }
0xc: {  	_ =	strace s3  }
0xd: {  	s3 =	sld [smem:$0x3FFD];
	_ =	sdelay $0x3  }
0xe: {  	_ =	strace s3  }
0xf: {  	_ =	strace $0x8FFFFFFF  }
0x10: {  	s20 =	sld [smem:$0x3FDB];
	_ =	sdelay $0x1  }
0x11: {  	s4 =	simm.s32 $_scs_section_size  }
0x12: {  	s5 =	simm.s32 $_size__tile_overlayer_lowered;
	s6 =	simm.s32 $_tile_overlayer_lowered  }
0x13: {  	s23 =	simm.s32 $0x1BFF;
	s22 =	sshll.u32 s6, $0x1;
	s3 =	sadd.s32 s4, s20  }
0x14: {  	s7 =	simm.s32 $0x0;
	s21 =	sshll.u32 s5, $0x1;
	s5 =	sadd.s32 s22, s3  }
0x15: {  	[timem:s7], [sflag:s23] =	dma.local [hbm:s5], s21  }
0x16: {  	_ =	swait.ge [sflag:s23], s21  }
0x17: {  	s4 =	ssub.s32 $0x0, s21;
	[sflag:s23] =	ssyncset.done $0x0  }
0x18: {  	[sflag:s23] =	ssyncadd.s32 s4;
	_ =	sdelay $0x1  }
0x19: {  	s24 =	simm.s32 $0x1B8B  }
0x1a: {  	_ =	swait.ge [sflag:s24], $0x1  }
0x1b: {  	[sflag:s24] =	ssyncset.done $0x0  }
0x1c: {  	s26 =	simm.s32 $0x1B8E;
	s25 =	sld [smem:$0x3FFE];
	[sflag:s24] =	ssyncadd.s32 $0xFFFFFFFF  }
0x1d: {  	s27 =	simm.s32 $execute0_lowered;
	[smem:$0x3FD2] =	sst s26  }
0x1e: {  	s5 =	sshll.u32 s27, $0x1;
	_ =	strace $0x80000046;
	[dreg:$0x1] =	wrdreg $0xFFFFFFFF  }
0x1f: {  	s28 =	simm.s32 $_size_execute0_lowered;
	s3 =	sadd.s32 s3, s5;
	[dreg:$0x0] =	wrdreg $0x0  }
0x20: {  	s5 =	sshll.u32 s28, $0x1;
	[dreg:$0x2] =	wrdreg s3  }
0x21: {  	[dreg:$0x3] =	wrdreg s5  }
0x22: {  	[dreg:$0x4] =	wrdreg $0xC0  }
0x23: {  	_ =	task [dreg:s7], $0x5FFFF  }
0x24: {  	[dreg:$0x1] =	wrdreg $0xFFFFFFFF  }
0x25: {  	[dreg:$0x0] =	wrdreg $0x60  }
0x26: {  	[dreg:$0x2] =	wrdreg s2  }
0x27: {  	[dreg:$0x3] =	wrdreg s25  }
0x28: {  	[dreg:$0x4] =	wrdreg $0x9  }
0x29: {  	_ =	task.clear_ibuf [dreg:s7], $0x5FFFF;
	_ =	strace $0x90000046  }
0x2a: {  	s29 =	simm.s32 $0x9;
	_ =	strace $0x80000048  }
0x2b: {  	_ =	swait.ge [sflag:s29], $0x1  }
0x2c: {  	[sflag:s29] =	ssyncadd.s32 $0xFFFFFFFF  }
0x2d: {  	_ =	strace $0x90000048  }
0x2e: {  	_ =	sfence  }
0x2f: {  	s30 =	sld [smem:$0x0];
	_ =	sdelay $0x2  }
0x30: {  	s31 =	sshll.u32 s1, $0xD;
	s1 =	sshrl.u32 s1, $0x2  }
0x31: {  	s3 =	sand.u32 $0x4000, s31;
	s1 =	sadd.s32 s1, s30  }
0x32: {  	s0 =	sor.u32 s3, s0;
	s1 =	sshll.u32 s1, $0x11  }
0x33: {  	s0 =	sor.u32 s1, s0  }
0x34: {  	s0 =	sadd.s32 $0x8F2B, s0  }
0x35: {  	[sflag:s0] =	ssyncadd.remote.s32 $0x1  }
0x36: {  	_ =	sfence.sel $0xFFFF  }
0x37: {  	[dreg:$0x0] =	wrdreg $0xFFFFFFFF;
	(pc) =	sbr.abs _section_cstart, $3  }
0x38: {  	[dreg:$0x1] =	wrdreg $0xFFFFFFFF  }
0x39: {  	_ =	task.clear_ibuf [dreg:s7], $0x2FFFF;
	_ =	strace $0x9FFFFFFF  }
0x3a: {  	(tm) =	ssettm $0x7FFFFFFF  }
0x3b: {  	_ =	shalt  }
tec
execute0_lowered:
.L_overlay_start_1:
0x0: {  	(tag) =	ssettag $0x1  }
0x1: {  	s0 =	srdreg.scid  }
0x2: {  	s1 =	sshll.u32 s0, $0x4  }
0x3: {  	s2 =	rddreg [dreg:$0x0];
	s0 =	stileid.u32;
	s1 =	sand.u32 $0x10, s1  }
0x4: {  	s4 =	rddreg [dreg:$0x1];
	s7 =	simm.s32 $0x1;
	s1 =	sor.u32 s0, s1  }
0x5: {  	s8 =	simm.s32 $0x2;
	s9 =	simm.s32 $0x0;
	s3 =	sshll.u32 s1, $0x2  }
0x6: {  	s12 =	simm.s32 $0x0;
	s11 =	simm.s32 $0x0;
	s6 =	ssub.s32 $0x1000, s3  }
.Ltmp0:
0x7: {  	s4 =	sadd.s32 $0xC00, s4;
	s5 =	sand.u32 $0x7C, s6;
	(pc) =	sbr.rel .LBB1_1-.Ltmp0, $4  }
0x8: {  	s1 =	rddreg [dreg:$0x2];
	_ =	strace $0x80000047;
	p0 =	sne.s32 s5, $0x0  }
0x9: {  	s6 =	sshrl.u32 s6, $0x7;
	s5 =	simm.s32 $0x1;
	s7 =	simm.s32 @!p0 $0x0  }
0xa: {  	s10 =	smov.u32 s3;
	[sflag:s5] =	ssyncpa.u1 $0x0;
	s6 =	sadd.s32 s7, s6  }
0xb: {  	[sflag:s8] =	ssyncpa.u1 $0x0;
	s8 =	simm.s32 $0x0;
	s7 =	sadd.s32 $0x1, s6  }
.LBB1_9:
0xc: {  	s14 =	sadd.s32 $0x80, s10  }
0xd: {  	p1 =	sgt.s32 s14, $0xFFF  }
0xe: {  	s14 =	smov.u32 @p1 s3;
	p1 =	sne.s32 s11, s7  }
.Ltmp1:
0xf: {  	p0 =	slt.u32 s11, $0x2;
	(pc) =	sbr.rel @!p1 .LBB1_10-.Ltmp1, $4  }
0x10: {  	s13 =	simm.s32 @!p0 $0x2  }
0x11: {  	s15 =	sadd.s32 $0x1, s11;
	_ =	swait.ge @!p0 [sflag:s13], $0x4000  }
0x12: {  	s12 =	smov.u32 s10;
	s9 =	sadd.s32 $0x4000, s9;
	[sflag:s13] =	ssyncset.done @!p0 $0x0  }
0x13: {  	s11 =	smov.u32 s15;
	s10 =	smov.u32 s14;
	[sflag:s13] =	ssyncadd.s32 @!p0 $0xFFFFC000  }
.LBB1_1:
0x14: {  	p0 =	sge.u32 s11, s6  }
0x15: {  	s13 =	sxor.u32 @!p0 $0xFFFFFFFF, s11  }
0x16: {  	s31 =	sadd.s32 $0xFFFFFFFF, s11;
	s14 =	sshll.u32 @!p0 s10, $0x9;
	s13 =	sshll.u32 @!p0 s13, $0xE  }
0x17: {  	s15 =	simm.s32 @!p0 $0x0;
	s14 =	sadd.s32 @!p0 s2, s14;
	s13 =	sand.u32 @!p0 $0x4000, s13  }
0x18: {  	[tilespmem:s13], [sflag:$0x1] =	stream.linear.gather @!p0 [hbm4b:s14+s15], $0x4000, $0x38;
	[tilespmem:$0x10000] =	vst v63  }
0x19: {  	p0 =	sge.u32 s31, s6  }
.Ltmp2:
0x1a: {  	_ = 	snop;
	(pc) =	sbr.rel @p0 .LBB1_9-.Ltmp2, $1  }
0x1b: {  	_ =	sdelay $0x3  }
0x1c: {  	s14 =	sand.u32 $0x4000, s9  }
0x1d: {  	_ =	swait.ge [sflag:s5], $0x4000;
	s15 =	sshll.u32 s11, $0xE;
	s16 =	simm.s32 $0x0  }
0x1e: {  	s13 =	sor.u32 $0x40, s14;
	[sflag:s5] =	ssyncset.done $0x0;
	s15 =	sand.u32 $0x4000, s15  }
0x1f: {  	s14 =	sor.u32 $0x8040, s14;
	[sflag:s5] =	ssyncadd.s32 $0xFFFFC000;
	s15 =	sor.u32 $0x8000, s15  }
.LBB1_3:
0x20: {  	s17 =	smov.u32 s14;
	s18 =	smov.u32 s13;
	s19 =	simm.s32 $0x0  }
.LBB1_4:
0x21: {  	v0 =	vmov s17;
	v2 =	vld [tilespmem:s18+$0x30]  }
0x22: {  	v4 =	vld [tilespmem:s18+$0xFFFFFFD0]  }
0x23: {  	v6 =	vld [tilespmem:s18+$0xFFFFFFE0]  }
0x24: {  	v7 =	vld [tilespmem:s18+$0xFFFFFFF0]  }
0x25: {  	s20 =	simm.s32 $0x0;
	v1 =	vld [tilespmem:s18+$0x0]  }
0x26: {  	v3 =	vld [tilespmem:s18+$0x10];
	[tilespmem:v0+s20+$0x30 ss:$0x1] =	vst.idx.msk $0xffff, v2  }
0x27: {  	v5 =	vld [tilespmem:s18+$0x20];
	[tilespmem:v0+s20+$0xFFFFFFD0 ss:$0x1] =	vst.idx.msk $0xffff, v4  }
0x28: {  	s21 =	sadd.s32 $0x80, s18;
	v2 =	vld [tilespmem:s18+$0xFFFFFFC0];
	[tilespmem:v0+s20+$0xFFFFFFE0 ss:$0x1] =	vst.idx.msk $0xffff, v6  }
0x29: {  	s22 =	simm.s32 $0x800;
	s23 =	simm.s32 $0x1000;
	v4 =	vld [tilespmem:s21+$0x30];
	[tilespmem:v0+s20+$0xFFFFFFF0 ss:$0x1] =	vst.idx.msk $0xffff, v7  }
.LBB1_5:
0x2a: {  	p0 =	sne.s32 s23, $0x3800;
	v6 =	vld [tilespmem:s21+$0xFFFFFFD0];
	[tilespmem:v0+s20+$0x0 ss:$0x1] =	vst.idx.msk $0xffff, v1  }
0x2b: {  	v7 =	vld [tilespmem:s21+$0xFFFFFFE0];
	[tilespmem:v0+s20+$0x10 ss:$0x1] =	vst.idx.msk $0xffff, v3  }
0x2c: {  	v8 =	vld [tilespmem:s21+$0xFFFFFFF0];
	[tilespmem:v0+s20+$0x20 ss:$0x1] =	vst.idx.msk $0xffff, v5  }
.Ltmp3:
0x2d: {  	v1 =	vld [tilespmem:s21+$0x0];
	[tilespmem:v0+s20+$0xFFFFFFC0 ss:$0x1] =	vst.idx.msk $0xffff, v2;
	s20 =	sshra.s32 s22, $0x2;
	s22 =	smov.u32 s23;
	(pc) =	sbr.rel @p0 .LBB1_5-.Ltmp3, $4  }
0x2e: {  	v3 =	vld [tilespmem:s21+$0x10];
	[tilespmem:v0+s20+$0x30 ss:$0x1] =	vst.idx.msk $0xffff, v4  }
0x2f: {  	[tilespmem:v0+s20+$0xFFFFFFD0 ss:$0x1] =	vst.idx.msk $0xffff, v6;
	v5 =	vld [tilespmem:s21+$0x20]  }
0x30: {  	v2 =	vld [tilespmem:s21+$0xFFFFFFC0];
	[tilespmem:v0+s20+$0xFFFFFFE0 ss:$0x1] =	vst.idx.msk $0xffff, v7;
	s21 =	sadd.s32 $0x80, s21  }
0x31: {  	s23 =	sadd.s32 $0x800, s23;
	v4 =	vld [tilespmem:s21+$0x30];
	[tilespmem:v0+s20+$0xFFFFFFF0 ss:$0x1] =	vst.idx.msk $0xffff, v8  }
0x32: {  	_ =	sdelay $0x3  }
0x33: {  	v6 =	vld [tilespmem:s21+$0xFFFFFFD0];
	[tilespmem:v0+s20+$0x0 ss:$0x1] =	vst.idx.msk $0xffff, v1  }
0x34: {  	v58 =	vld [tilespmem:s21+$0xFFFFFFE0];
	[tilespmem:v0+s20+$0x10 ss:$0x1] =	vst.idx.msk $0xffff, v3  }
0x35: {  	v59 =	vld [tilespmem:s21+$0xFFFFFFF0];
	[tilespmem:v0+s20+$0x20 ss:$0x1] =	vst.idx.msk $0xffff, v5  }
0x36: {  	s22 =	sshra.s32 s22, $0x2;
	v60 =	vld [tilespmem:s21+$0x0];
	[tilespmem:v0+s20+$0xFFFFFFC0 ss:$0x1] =	vst.idx.msk $0xffff, v2  }
0x37: {  	v61 =	vld [tilespmem:s21+$0x10];
	[tilespmem:v0+s22+$0x30 ss:$0x1] =	vst.idx.msk $0xffff, v4  }
0x38: {  	v62 =	vld [tilespmem:s21+$0x20];
	s19 =	sadd.s32 $0x1, s19;
	[tilespmem:v0+s22+$0xFFFFFFD0 ss:$0x1] =	vst.idx.msk $0xffff, v6  }
0x39: {  	v63 =	vld [tilespmem:s21+$0xFFFFFFC0];
	p0 =	sne.s32 s19, $0x4;
	[tilespmem:v0+s22+$0xFFFFFFE0 ss:$0x1] =	vst.idx.msk $0xffff, v58  }
.Ltmp4:
0x3a: {  	[tilespmem:v0+s22+$0xFFFFFFF0 ss:$0x1] =	vst.idx.msk $0xffff, v59;
	(pc) =	sbr.rel @p0 .LBB1_4-.Ltmp4, $4  }
0x3b: {  	[tilespmem:v0+s22+$0x0 ss:$0x1] =	vst.idx.msk $0xffff, v60  }
0x3c: {  	[tilespmem:v0+s22+$0x10 ss:$0x1] =	vst.idx.msk $0xffff, v61  }
0x3d: {  	[tilespmem:v0+s22+$0x20 ss:$0x1] =	vst.idx.msk $0xffff, v62  }
0x3e: {  	s18 =	sadd.s32 $0x400, s18;
	s17 =	sadd.s32 $0x80, s17;
	[tilespmem:v0+s22+$0xFFFFFFC0 ss:$0x1] =	vst.idx.msk $0xffff, v63  }
0x3f: {  	s16 =	sadd.s32 $0x1, s16  }
0x40: {  	p0 =	sne.s32 s16, $0x4  }
.Ltmp5:
0x41: {  	_ = 	snop;
	(pc) =	sbr.rel @p0 .LBB1_3-.Ltmp5, $2  }
0x42: {  	_ =	sdelay $0x2  }
0x43: {  	s13 =	sadd.s32 $0x1000, s13;
	s14 =	sadd.s32 $0x1000, s14  }
.Ltmp6:
0x44: {  	(pc) =	sbr.rel .LBB1_9-.Ltmp6, $4  }
0x45: {  	_ = 	snop  }
0x46: {  	s12 =	sshll.u32 s12, $0x9  }
0x47: {  	s12 =	sadd.s32 s4, s12  }
0x48: {  	[hbm4b:s12+s8] =	stream.linear.scatter [tilespmem:s15], [sflag:$0x2], $0x4000, $0x38;
	[tilespmem:$0x10000] =	vst v63  }
.LBB1_10:
0x49: {  	_ =	sfence.sel $0x180000  }
0x4a: {  	s2 =	simm.s32 $0x1;
	[bflag:$0x0] =	sbarrier.arrive $0xFFFF  }
0x4b: {  	s31 =	simm.s32 $0x2;
	[sflag:s2] =	ssyncpa.u1 $0x1  }
0x4c: {  	[sflag:s31] =	ssyncpa.u1 $0x1  }
0x4d: {  	p0 =	sne.s32 s0, $0x0;
	_ =	strace $0x90000047  }
0x4e: {  	s0 =	sadd.s32 @!p0 $0x100000, s1;
	[bflag:$0x2] =	sbarrier.arrive $0xFFFF  }
0x4f: {  	[sflag:s0] =	ssyncadd.tile.s32 @!p0 $0x1;
	_ =	shalt  }
.Lfunc_end1:
_tile_overlayer_lowered:
.L_overlay_start_2:
0x50: {  	(tag) =	ssettag $0x2  }
0x51: {  	s0 =	rddreg [dreg:$0x0];
	s2 =	stileid.u32  }
0x52: {  	s1 =	rddreg [dreg:$0x1];
	p0 =	sne.s32 s2, $0x0  }
0x53: {  	s3 =	rddreg [dreg:$0x2];
	[bflag:$0x3] =	sbarrier.arrive $0xFFFF;
	s2 =	simm.s32 @!p0 $0x1C01  }
0x54: {  	[timem:s3], [sflag:s2] =	dma.local @!p0 [hbm:s0], s1  }
0x55: {  	s0 =	simm.s32 @!p0 $0x1  }
0x56: {  	_ =	swait.ge @!p0 [sflag:s0], s1  }
0x57: {  	s1 =	ssub.s32 @!p0 $0x0, s1;
	[sflag:s0] =	ssyncset.done @!p0 $0x0  }
0x58: {  	[sflag:s0] =	ssyncadd.s32 @!p0 s1  }
0x59: {  	[bflag:$0x3] =	sbarrier.arrive $0xFFFF  }
0x5a: {  	_ =	shalt  }

</sc_bundles>
